<compile_context>
chip_gen: v7x
topology: tpu7x:2x2x1
jax: 0.10.2.dev20260603
libtpu: 0.0.44.dev20260713+nightly
codegen_flags: <defaults>
</compile_context>

<pallas_src>
import functools

import jax
import jax.numpy as jnp
from jax import lax
from jax.experimental import pallas as pl
from jax.experimental.pallas import tpu as pltpu
from jax.experimental.pallas import tpu_sc as plsc

_TILE = 16384
_CHUNK = 256
_LOG2E = 1.4426950408889634
_LN2 = 0.6931471805599453


def _make_sc_gather(b, d):
    info = plsc.get_sparse_core_info()
    nc, ns = info.num_cores, info.num_subcores
    nw = nc * ns
    bpw = b // nw
    mesh = plsc.VectorSubcoreMesh(core_axis_name="c", subcore_axis_name="s")

    @functools.partial(
        pl.kernel,
        mesh=mesh,
        out_type=jax.ShapeDtypeStruct((b, d), jnp.float32),
        scratch_types=[
            pltpu.VMEM((bpw,), jnp.int32),
            pltpu.VMEM((bpw, d), jnp.float32),
            pltpu.SemaphoreType.DMA,
        ],
    )
    def gather_kernel(table_hbm, idx_hbm, out_hbm, idx_v, rows_v, sem):
        wid = lax.axis_index("s") * nc + lax.axis_index("c")
        base = wid * bpw
        pltpu.sync_copy(idx_hbm.at[pl.ds(base, bpw)], idx_v)
        pltpu.async_copy(table_hbm.at[idx_v], rows_v, sem).wait()
        pltpu.sync_copy(rows_v, out_hbm.at[pl.ds(base, bpw)])

    return gather_kernel


def _fold_chunk(scores, m_ref, s_ref):
    bm = jnp.max(scores, axis=0, keepdims=True)
    t = jnp.sum(
        jnp.exp2(scores - bm),
        axis=0,
        keepdims=True,
        dtype=jnp.bfloat16,
    ).astype(jnp.float32)
    bm32 = bm.astype(jnp.float32)
    m_old = m_ref[...]
    m_new = jnp.maximum(m_old, bm32)
    s_ref[...] = s_ref[...] * jnp.exp2(m_old - m_new) + t * jnp.exp2(
        bm32 - m_new
    )
    m_ref[...] = m_new


def _logz_body(qt_ref, e_ref, m_out, s_out, m_ref, s_ref):
    i = pl.program_id(0)
    nsteps = pl.num_programs(0)

    @pl.when(i == 0)
    def _():
        m_ref[...] = jnp.full(m_ref.shape, -jnp.inf, m_ref.dtype)
        s_ref[...] = jnp.zeros(s_ref.shape, s_ref.dtype)

    for c in range(_TILE // _CHUNK):
        scores = lax.dot_general(
            e_ref[pl.ds(c * _CHUNK, _CHUNK), :].astype(jnp.bfloat16),
            qt_ref[...],
            (((1,), (0,)), ((), ())),
            preferred_element_type=jnp.float32,
        ).astype(jnp.bfloat16)
        _fold_chunk(scores, m_ref, s_ref)

    @pl.when(i == nsteps - 1)
    def _():
        m_out[...] = m_ref[...]
        s_out[...] = s_ref[...]


def _combine_body(qt_ref, et_ref, q_ref, g_ref, m_in, s_in, out_ref, m_ref, s_ref):
    m_ref[...] = m_in[...]
    s_ref[...] = s_in[...]
    scores = lax.dot_general(
        et_ref[...].astype(jnp.bfloat16),
        qt_ref[...],
        (((1,), (0,)), ((), ())),
        preferred_element_type=jnp.float32,
    ).astype(jnp.bfloat16)
    _fold_chunk(scores, m_ref, s_ref)
    logz = m_ref[...] * _LN2 + jnp.log(s_ref[...])
    b = q_ref.shape[0]
    loss = (jnp.sum(logz) - jnp.sum(q_ref[...] * g_ref[...])) / b
    out_ref[...] = jnp.full((1, 1), loss, out_ref.dtype)


def kernel(query_embs, ent_embs, triplets):
    b, h = query_embs.shape
    n = ent_embs.shape[0]
    labels = triplets[:, 2].astype(jnp.int32)

    g = _make_sc_gather(b, h)(ent_embs, labels)

    ntiles = n // _TILE
    tail = n - ntiles * _TILE
    qt = (query_embs.T * _LOG2E).astype(jnp.bfloat16)

    m, s = pl.pallas_call(
        _logz_body,
        grid=(ntiles,),
        in_specs=[
            pl.BlockSpec((h, b), lambda i: (0, 0)),
            pl.BlockSpec((_TILE, h), lambda i: (i, 0)),
        ],
        out_specs=[
            pl.BlockSpec((1, b), lambda i: (0, 0)),
            pl.BlockSpec((1, b), lambda i: (0, 0)),
        ],
        out_shape=[
            jax.ShapeDtypeStruct((1, b), jnp.float32),
            jax.ShapeDtypeStruct((1, b), jnp.float32),
        ],
        scratch_shapes=[
            pltpu.VMEM((1, b), jnp.float32),
            pltpu.VMEM((1, b), jnp.float32),
        ],
    )(qt, ent_embs)

    loss = pl.pallas_call(
        _combine_body,
        out_shape=jax.ShapeDtypeStruct((1, 1), jnp.float32),
        scratch_shapes=[
            pltpu.VMEM((1, b), jnp.float32),
            pltpu.VMEM((1, b), jnp.float32),
        ],
    )(qt, ent_embs[ntiles * _TILE :], query_embs, g, m, s)
    return loss[0, 0]

# --- scband reference (transcript-rebuilt; emitter-appended) ---
"""Pipeline reference for scband-lo-go-sep-68762426409853 (READ-ONLY COPY).

The authoritative reference and input builder live on the scoring server;
editing this copy changes nothing except your own understanding.
"""

import jax, jax.numpy as jnp
import numpy as np


def setup_inputs(seed: int = 0) -> dict:
    key = jax.random.key(seed)
    k1, k2, k3 = jax.random.split(key, 3)
    B, H, N = 1024, 128, 100000
    query_embs = jax.random.normal(k1, (B, H), dtype=jnp.float32)
    ent_embs = jax.random.normal(k2, (N, H), dtype=jnp.float32)
    triplets = jax.random.randint(k3, (B, 3), 0, N, dtype=jnp.int32)
    return {"query_embs": query_embs, "ent_embs": ent_embs, "triplets": triplets}


def reference(query_embs, ent_embs, triplets):
    # LoGo_sep.forward_query: scores = query_embs @ ent_embs^T, view(-1, num_ents),
    # then CrossEntropyLoss against triplets[:, 2].
    num_ents = ent_embs.shape[0]
    scores = jnp.matmul(query_embs, ent_embs.T)
    scores = scores.reshape(-1, num_ents)
    labels = triplets[:, 2]
    log_z = jax.nn.logsumexp(scores, axis=1)
    label_logits = jnp.take_along_axis(scores, labels[:, None], axis=1)[:, 0]
    loss = jnp.mean(log_z - label_logits)
    return loss

if __name__ == "__main__":
    import jax
    _d = setup_inputs()
    print(jax.jit(kernel)(*tuple(_d.values())))

</pallas_src>

<mosaic_0001>
#map = affine_map<(d0, d1) -> (0, 0)>
#map1 = affine_map<(d0, d1) -> (0)>
module attributes {stable_mosaic.version = 14 : i64} {
  func.func @gather_kernel(%arg0: i32, %arg1: i32, %arg2: memref<100000x128xf32, #tpu.memory_space<hbm>>, %arg3: memref<1024xi32, #tpu.memory_space<hbm>>, %arg4: memref<1024x128xf32, #tpu.memory_space<hbm>>, %arg5: memref<32xi32, #tpu.memory_space<vmem>>, %arg6: memref<32x128xf32, #tpu.memory_space<vmem>>, %arg7: memref<!tpu.dma_semaphore, #tpu.memory_space<semaphore_mem>>) attributes {dimension_semantics = [#tpu.dimension_semantics<core_parallel>, #tpu.dimension_semantics<subcore_parallel>], iteration_bounds = array<i64: 2, 16>, scalar_prefetch = 0 : i64, scratch_operands = 3 : i64, tpu.core_type = #tpu.core_type<sc_vector_subcore>, window_params = [{transform_indices = #map}, {transform_indices = #map1}, {transform_indices = #map}]} {
    %mul3A = arith.constant 2 : i32
    %mul3A_0 = arith.muli %arg1, %mul3A : i32
    %add3A = arith.addi %mul3A_0, %arg0 : i32
    %mul3A_1 = arith.constant 32 : i32
    %mul3A_2 = arith.muli %add3A, %mul3A_1 : i32
    "tpu.region"() ({
      %run_scoped3A = tpu.sem_alloc : memref<!tpu.dma_semaphore, #tpu.memory_space<semaphore_mem>>
      %dma_start3A_7 = tpu.memref_slice %arg3[%mul3A_2] : memref<1024xi32, #tpu.memory_space<hbm>> -> memref<32xi32, #tpu.memory_space<hbm>>
      %dma_start3A_8 = tpu.memref_slice %arg3[%mul3A_2] : memref<1024xi32, #tpu.memory_space<hbm>> -> memref<32xi32, #tpu.memory_space<hbm>>
      tpu.enqueue_dma source(%dma_start3A_8 : memref<32xi32, #tpu.memory_space<hbm>>) target(%arg5 : memref<32xi32, #tpu.memory_space<vmem>>) target_semaphore(%run_scoped3A : memref<!tpu.dma_semaphore, #tpu.memory_space<semaphore_mem>>)
      %dma_wait3A_9 = tpu.memref_slice %arg3[%mul3A_2] : memref<1024xi32, #tpu.memory_space<hbm>> -> memref<32xi32, #tpu.memory_space<hbm>>
      %dma_wait3A_10 = tpu.memref_slice %arg3[%mul3A_2] : memref<1024xi32, #tpu.memory_space<hbm>> -> memref<32xi32, #tpu.memory_space<hbm>>
      tpu.wait_dma2 semaphore(%run_scoped3A : memref<!tpu.dma_semaphore, #tpu.memory_space<semaphore_mem>>) src(%dma_wait3A_10 : memref<32xi32, #tpu.memory_space<hbm>>) dst(%arg5 : memref<32xi32, #tpu.memory_space<vmem>>)
      tpu.yield
    }) : () -> ()
    %dma_start3A = arith.constant 0 : i32
    %dma_start3A_3 = arith.constant 0 : i32
    %dma_start3A_4 = tpu.memref_slice %arg2[%dma_start3A, %dma_start3A_3] : memref<100000x128xf32, #tpu.memory_space<hbm>> -> memref<100000x128xf32, #tpu.memory_space<hbm>>
    tpu.enqueue_indirect_dma source(%dma_start3A_4 : memref<100000x128xf32, #tpu.memory_space<hbm>>) target(%arg6 : memref<32x128xf32, #tpu.memory_space<vmem>>) offsets(%arg5 : memref<32xi32, #tpu.memory_space<vmem>>) semaphore(%arg7 : memref<!tpu.dma_semaphore, #tpu.memory_space<semaphore_mem>>)
    %dma_wait3A = arith.constant 0 : i32
    %dma_wait3A_5 = arith.constant 0 : i32
    %dma_wait3A_6 = tpu.memref_slice %arg2[%dma_wait3A, %dma_wait3A_5] : memref<100000x128xf32, #tpu.memory_space<hbm>> -> memref<100000x128xf32, #tpu.memory_space<hbm>>
    tpu.wait_indirect_dma semaphore(%arg7 : memref<!tpu.dma_semaphore, #tpu.memory_space<semaphore_mem>>) src(%dma_wait3A_6 : memref<100000x128xf32, #tpu.memory_space<hbm>>) dst(%arg6 : memref<32x128xf32, #tpu.memory_space<vmem>>)
    "tpu.region"() ({
      %run_scoped3A = tpu.sem_alloc : memref<!tpu.dma_semaphore, #tpu.memory_space<semaphore_mem>>
      %dma_start3A_7 = arith.constant 0 : i32
      %dma_start3A_8 = tpu.memref_slice %arg4[%mul3A_2, %dma_start3A_7] : memref<1024x128xf32, #tpu.memory_space<hbm>> -> memref<32x128xf32, #tpu.memory_space<hbm>>
      %dma_start3A_9 = arith.constant 0 : i32
      %dma_start3A_10 = tpu.memref_slice %arg4[%mul3A_2, %dma_start3A_9] : memref<1024x128xf32, #tpu.memory_space<hbm>> -> memref<32x128xf32, #tpu.memory_space<hbm>>
      tpu.enqueue_dma source(%arg6 : memref<32x128xf32, #tpu.memory_space<vmem>>) target(%dma_start3A_10 : memref<32x128xf32, #tpu.memory_space<hbm>>) target_semaphore(%run_scoped3A : memref<!tpu.dma_semaphore, #tpu.memory_space<semaphore_mem>>)
      %dma_wait3A_11 = arith.constant 0 : i32
      %dma_wait3A_12 = tpu.memref_slice %arg4[%mul3A_2, %dma_wait3A_11] : memref<1024x128xf32, #tpu.memory_space<hbm>> -> memref<32x128xf32, #tpu.memory_space<hbm>>
      %dma_wait3A_13 = arith.constant 0 : i32
      %dma_wait3A_14 = tpu.memref_slice %arg4[%mul3A_2, %dma_wait3A_13] : memref<1024x128xf32, #tpu.memory_space<hbm>> -> memref<32x128xf32, #tpu.memory_space<hbm>>
      tpu.wait_dma2 semaphore(%run_scoped3A : memref<!tpu.dma_semaphore, #tpu.memory_space<semaphore_mem>>) src(%arg6 : memref<32x128xf32, #tpu.memory_space<vmem>>) dst(%dma_wait3A_14 : memref<32x128xf32, #tpu.memory_space<hbm>>)
      tpu.yield
    }) : () -> ()
    return
  }
}

module attributes {stable_mosaic.version = 14 : i64} {
  func.func @_logz_body(%arg0: i32, %arg1: memref<128x1024xbf16, #tpu.memory_space<vmem>>, %arg2: memref<16384x128xf32, #tpu.memory_space<vmem>>, %arg3: memref<1x1024xf32, #tpu.memory_space<vmem>>, %arg4: memref<1x1024xf32, #tpu.memory_space<vmem>>, %arg5: memref<1x1024xf32, #tpu.memory_space<vmem>>, %arg6: memref<1x1024xf32, #tpu.memory_space<vmem>>) attributes {dimension_semantics = [#tpu.dimension_semantics<arbitrary>], iteration_bounds = array<i64: 6>, scalar_prefetch = 0 : i64, scratch_operands = 2 : i64, tpu.core_type = #tpu.core_type<tc>, window_params = [{pipeline_mode = #tpu.pipeline_mode<synchronous>, transform_indices = @transform_0, window_bounds = array<i64: 128, 1024>}, {transform_indices = @transform_1, window_bounds = array<i64: 16384, 128>}, {pipeline_mode = #tpu.pipeline_mode<synchronous>, transform_indices = @transform_2, window_bounds = array<i64: 1, 1024>}, {pipeline_mode = #tpu.pipeline_mode<synchronous>, transform_indices = @transform_3, window_bounds = array<i64: 1, 1024>}]} {
    %eq3A = arith.constant 0 : i32
    %eq3A_0 = arith.cmpi eq, %arg0, %eq3A : i32
    %convert_element_type3A = arith.extui %eq3A_0 : i1 to i32
    %cond3A = arith.constant 0 : i32
    %cond3A_1 = arith.cmpi ne, %convert_element_type3A, %cond3A : i32
    scf.if %cond3A_1 {
      %broadcast_in_dim3A_2620 = arith.constant 0xFF800000 : f32
      %broadcast_in_dim3A_2621 = vector.broadcast %broadcast_in_dim3A_2620 : f32 to vector<1x1024xf32>
      %swap3A_2622 = arith.constant 0 : index
      %swap3A_2623 = arith.constant 0 : index
      %swap3A_2624 = vector.load %arg5[%swap3A_2622, %swap3A_2623] : memref<1x1024xf32, #tpu.memory_space<vmem>>, vector<1x1024xf32>
      tpu.vector_store %arg5[%swap3A_2622, %swap3A_2623], %broadcast_in_dim3A_2621 {strides = array<i32>} : memref<1x1024xf32, #tpu.memory_space<vmem>>, vector<1x1024xf32>,
      %broadcast_in_dim3A_2625 = arith.constant 0.000000e+00 : f32
      %broadcast_in_dim3A_2626 = vector.broadcast %broadcast_in_dim3A_2625 : f32 to vector<1x1024xf32>
      %swap3A_2627 = arith.constant 0 : index
      %swap3A_2628 = arith.constant 0 : index
      %swap3A_2629 = vector.load %arg6[%swap3A_2627, %swap3A_2628] : memref<1x1024xf32, #tpu.memory_space<vmem>>, vector<1x1024xf32>
      tpu.vector_store %arg6[%swap3A_2627, %swap3A_2628], %broadcast_in_dim3A_2626 {strides = array<i32>} : memref<1x1024xf32, #tpu.memory_space<vmem>>, vector<1x1024xf32>,
    } else {
    }
    %get3A = arith.constant 0 : index
    %get3A_2 = arith.constant 0 : index
    %get3A_3 = vector.load %arg2[%get3A, %get3A_2] : memref<16384x128xf32, #tpu.memory_space<vmem>>, vector<256x128xf32>
    %convert_element_type3A_4 = arith.truncf %get3A_3 : vector<256x128xf32> to vector<256x128xbf16>
    %get3A_5 = arith.constant 0 : index
    %get3A_6 = arith.constant 0 : index
    %get3A_7 = vector.load %arg1[%get3A_5, %get3A_6] : memref<128x1024xbf16, #tpu.memory_space<vmem>>, vector<128x1024xbf16>
    %dot_general3A = arith.constant dense<0.000000e+00> : vector<256x1024xf32>
    %dot_general3A_8 = tpu.matmul %convert_element_type3A_4, %get3A_7, %dot_general3A {dimension_numbers = #tpu.dot_dimension_numbers<[1], [0], [0], [1], [0, 0, 1, 1], [], []>, transpose_lhs_hint = false} : vector<256x128xbf16>, vector<128x1024xbf16>, vector<256x1024xf32> -> vector<256x1024xf32>
    %convert_element_type3A_9 = arith.truncf %dot_general3A_8 : vector<256x1024xf32> to vector<256x1024xbf16>
    %reduce_max3A = arith.constant dense<0xFF80> : vector<1024xbf16>
    %reduce_max3A_10 = vector.multi_reduction <maximumf>, %convert_element_type3A_9, %reduce_max3A [0] : vector<256x1024xbf16> to vector<1024xbf16>
    %broadcast_in_dim3A = vector.shape_cast %reduce_max3A_10 : vector<1024xbf16> to vector<1x1024xbf16>
    %sub3A = vector.broadcast %broadcast_in_dim3A : vector<1x1024xbf16> to vector<256x1024xbf16>
    %sub3A_11 = arith.subf %convert_element_type3A_9, %sub3A : vector<256x1024xbf16>
    %exp23A = math.exp2 %sub3A_11 : vector<256x1024xbf16>
    %reduce_sum3A = arith.constant dense<0.000000e+00> : vector<1024xbf16>
    %reduce_sum3A_12 = vector.multi_reduction <add>, %exp23A, %reduce_sum3A [0] : vector<256x1024xbf16> to vector<1024xbf16>
    %broadcast_in_dim3A_13 = vector.shape_cast %reduce_sum3A_12 : vector<1024xbf16> to vector<1x1024xbf16>
    %convert_element_type3A_14 = arith.extf %broadcast_in_dim3A_13 : vector<1x1024xbf16> to vector<1x1024xf32>
    %convert_element_type3A_15 = arith.extf %broadcast_in_dim3A : vector<1x1024xbf16> to vector<1x1024xf32>
    %get3A_16 = arith.constant 0 : index
    %get3A_17 = arith.constant 0 : index
    %get3A_18 = vector.load %arg5[%get3A_16, %get3A_17] : memref<1x1024xf32, #tpu.memory_space<vmem>>, vector<1x1024xf32>
    %max3A = arith.maximumf %get3A_18, %convert_element_type3A_15 : vector<1x1024xf32>
    %get3A_19 = arith.constant 0 : index
    %get3A_20 = arith.constant 0 : index
    %get3A_21 = vector.load %arg6[%get3A_19, %get3A_20] : memref<1x1024xf32, #tpu.memory_space<vmem>>, vector<1x1024xf32>
    %sub3A_22 = arith.subf %get3A_18, %max3A : vector<1x1024xf32>
    %exp23A_23 = math.exp2 %sub3A_22 : vector<1x1024xf32>
    %mul3A = arith.mulf %get3A_21, %exp23A_23 : vector<1x1024xf32>
    %sub3A_24 = arith.subf %convert_element_type3A_15, %max3A : vector<1x1024xf32>
    %exp23A_25 = math.exp2 %sub3A_24 : vector<1x1024xf32>
    %mul3A_26 = arith.mulf %convert_element_type3A_14, %exp23A_25 : vector<1x1024xf32>
    %add3A = arith.addf %mul3A, %mul3A_26 : vector<1x1024xf32>
    %swap3A = arith.constant 0 : index
    %swap3A_27 = arith.constant 0 : index
    %swap3A_28 = vector.load %arg6[%swap3A, %swap3A_27] : memref<1x1024xf32, #tpu.memory_space<vmem>>, vector<1x1024xf32>
    tpu.vector_store %arg6[%swap3A, %swap3A_27], %add3A {strides = array<i32>} : memref<1x1024xf32, #tpu.memory_space<vmem>>, vector<1x1024xf32>,
    %swap3A_29 = arith.constant 0 : index
    %swap3A_30 = arith.constant 0 : index
    %swap3A_31 = vector.load %arg5[%swap3A_29, %swap3A_30] : memref<1x1024xf32, #tpu.memory_space<vmem>>, vector<1x1024xf32>
    tpu.vector_store %arg5[%swap3A_29, %swap3A_30], %max3A {strides = array<i32>} : memref<1x1024xf32, #tpu.memory_space<vmem>>, vector<1x1024xf32>,
    %get3A_32 = arith.constant 256 : index
    %get3A_33 = arith.constant 0 : index
    %get3A_34 = vector.load %arg2[%get3A_32, %get3A_33] : memref<16384x128xf32, #tpu.memory_space<vmem>>, vector<256x128xf32>
    %convert_element_type3A_35 = arith.truncf %get3A_34 : vector<256x128xf32> to vector<256x128xbf16>
    %get3A_36 = arith.constant 0 : index
    %get3A_37 = arith.constant 0 : index
    %get3A_38 = vector.load %arg1[%get3A_36, %get3A_37] : memref<128x1024xbf16, #tpu.memory_space<vmem>>, vector<128x1024xbf16>
    %dot_general3A_39 = arith.constant dense<0.000000e+00> : vector<256x1024xf32>
    %dot_general3A_40 = tpu.matmul %convert_element_type3A_35, %get3A_38, %dot_general3A_39 {dimension_numbers = #tpu.dot_dimension_numbers<[1], [0], [0], [1], [0, 0, 1, 1], [], []>, transpose_lhs_hint = false} : vector<256x128xbf16>, vector<128x1024xbf16>, vector<256x1024xf32> -> vector<256x1024xf32>
    %convert_element_type3A_41 = arith.truncf %dot_general3A_40 : vector<256x1024xf32> to vector<256x1024xbf16>
    %reduce_max3A_42 = arith.constant dense<0xFF80> : vector<1024xbf16>
    %reduce_max3A_43 = vector.multi_reduction <maximumf>, %convert_element_type3A_41, %reduce_max3A_42 [0] : vector<256x1024xbf16> to vector<1024xbf16>
    %broadcast_in_dim3A_44 = vector.shape_cast %reduce_max3A_43 : vector<1024xbf16> to vector<1x1024xbf16>
    %sub3A_45 = vector.broadcast %broadcast_in_dim3A_44 : vector<1x1024xbf16> to vector<256x1024xbf16>
    %sub3A_46 = arith.subf %convert_element_type3A_41, %sub3A_45 : vector<256x1024xbf16>
    %exp23A_47 = math.exp2 %sub3A_46 : vector<256x1024xbf16>
    %reduce_sum3A_48 = arith.constant dense<0.000000e+00> : vector<1024xbf16>
    %reduce_sum3A_49 = vector.multi_reduction <add>, %exp23A_47, %reduce_sum3A_48 [0] : vector<256x1024xbf16> to vector<1024xbf16>
    %broadcast_in_dim3A_50 = vector.shape_cast %reduce_sum3A_49 : vector<1024xbf16> to vector<1x1024xbf16>
    %convert_element_type3A_51 = arith.extf %broadcast_in_dim3A_50 : vector<1x1024xbf16> to vector<1x1024xf32>
    %convert_element_type3A_52 = arith.extf %broadcast_in_dim3A_44 : vector<1x1024xbf16> to vector<1x1024xf32>
    %get3A_53 = arith.constant 0 : index
    %get3A_54 = arith.constant 0 : index
    %get3A_55 = vector.load %arg5[%get3A_53, %get3A_54] : memref<1x1024xf32, #tpu.memory_space<vmem>>, vector<1x1024xf32>
    %max3A_56 = arith.maximumf %get3A_55, %convert_element_type3A_52 : vector<1x1024xf32>
    %get3A_57 = arith.constant 0 : index
    %get3A_58 = arith.constant 0 : index
    %get3A_59 = vector.load %arg6[%get3A_57, %get3A_58] : memref<1x1024xf32, #tpu.memory_space<vmem>>, vector<1x1024xf32>
    %sub3A_60 = arith.subf %get3A_55, %max3A_56 : vector<1x1024xf32>
    %exp23A_61 = math.exp2 %sub3A_60 : vector<1x1024xf32>
    %mul3A_62 = arith.mulf %get3A_59, %exp23A_61 : vector<1x1024xf32>
    %sub3A_63 = arith.subf %convert_element_type3A_52, %max3A_56 : vector<1x1024xf32>
    %exp23A_64 = math.exp2 %sub3A_63 : vector<1x1024xf32>
    %mul3A_65 = arith.mulf %convert_element_type3A_51, %exp23A_64 : vector<1x1024xf32>
    %add3A_66 = arith.addf %mul3A_62, %mul3A_65 : vector<1x1024xf32>
    %swap3A_67 = arith.constant 0 : index
    %swap3A_68 = arith.constant 0 : index
    %swap3A_69 = vector.load %arg6[%swap3A_67, %swap3A_68] : memref<1x1024xf32, #tpu.memory_space<vmem>>, vector<1x1024xf32>
    tpu.vector_store %arg6[%swap3A_67, %swap3A_68], %add3A_66 {strides = array<i32>} : memref<1x1024xf32, #tpu.memory_space<vmem>>, vector<1x1024xf32>,
    %swap3A_70 = arith.constant 0 : index
    %swap3A_71 = arith.constant 0 : index
    %swap3A_72 = vector.load %arg5[%swap3A_70, %swap3A_71] : memref<1x1024xf32, #tpu.memory_space<vmem>>, vector<1x1024xf32>
    tpu.vector_store %arg5[%swap3A_70, %swap3A_71], %max3A_56 {strides = array<i32>} : memref<1x1024xf32, #tpu.memory_space<vmem>>, vector<1x1024xf32>,
    %get3A_73 = arith.constant 512 : index
    %get3A_74 = arith.constant 0 : index
    %get3A_75 = vector.load %arg2[%get3A_73, %get3A_74] : memref<16384x128xf32, #tpu.memory_space<vmem>>, vector<256x128xf32>
    %convert_element_type3A_76 = arith.truncf %get3A_75 : vector<256x128xf32> to vector<256x128xbf16>
    %get3A_77 = arith.constant 0 : index
    %get3A_78 = arith.constant 0 : index
    %get3A_79 = vector.load %arg1[%get3A_77, %get3A_78] : memref<128x1024xbf16, #tpu.memory_space<vmem>>, vector<128x1024xbf16>
    %dot_general3A_80 = arith.constant dense<0.000000e+00> : vector<256x1024xf32>
    %dot_general3A_81 = tpu.matmul %convert_element_type3A_76, %get3A_79, %dot_general3A_80 {dimension_numbers = #tpu.dot_dimension_numbers<[1], [0], [0], [1], [0, 0, 1, 1], [], []>, transpose_lhs_hint = false} : vector<256x128xbf16>, vector<128x1024xbf16>, vector<256x1024xf32> -> vector<256x1024xf32>
    %convert_element_type3A_82 = arith.truncf %dot_general3A_81 : vector<256x1024xf32> to vector<256x1024xbf16>
    %reduce_max3A_83 = arith.constant dense<0xFF80> : vector<1024xbf16>
    %reduce_max3A_84 = vector.multi_reduction <maximumf>, %convert_element_type3A_82, %reduce_max3A_83 [0] : vector<256x1024xbf16> to vector<1024xbf16>
    %broadcast_in_dim3A_85 = vector.shape_cast %reduce_max3A_84 : vector<1024xbf16> to vector<1x1024xbf16>
    %sub3A_86 = vector.broadcast %broadcast_in_dim3A_85 : vector<1x1024xbf16> to vector<256x1024xbf16>
    %sub3A_87 = arith.subf %convert_element_type3A_82, %sub3A_86 : vector<256x1024xbf16>
    %exp23A_88 = math.exp2 %sub3A_87 : vector<256x1024xbf16>
    %reduce_sum3A_89 = arith.constant dense<0.000000e+00> : vector<1024xbf16>
    %reduce_sum3A_90 = vector.multi_reduction <add>, %exp23A_88, %reduce_sum3A_89 [0] : vector<256x1024xbf16> to vector<1024xbf16>
    %broadcast_in_dim3A_91 = vector.shape_cast %reduce_sum3A_90 : vector<1024xbf16> to vector<1x1024xbf16>
    %convert_element_type3A_92 = arith.extf %broadcast_in_dim3A_91 : vector<1x1024xbf16> to vector<1x1024xf32>
    %convert_element_type3A_93 = arith.extf %broadcast_in_dim3A_85 : vector<1x1024xbf16> to vector<1x1024xf32>
    %get3A_94 = arith.constant 0 : index
    %get3A_95 = arith.constant 0 : index
    %get3A_96 = vector.load %arg5[%get3A_94, %get3A_95] : memref<1x1024xf32, #tpu.memory_space<vmem>>, vector<1x1024xf32>
    %max3A_97 = arith.maximumf %get3A_96, %convert_element_type3A_93 : vector<1x1024xf32>
    %get3A_98 = arith.constant 0 : index
    %get3A_99 = arith.constant 0 : index
    %get3A_100 = vector.load %arg6[%get3A_98, %get3A_99] : memref<1x1024xf32, #tpu.memory_space<vmem>>, vector<1x1024xf32>
    %sub3A_101 = arith.subf %get3A_96, %max3A_97 : vector<1x1024xf32>
    %exp23A_102 = math.exp2 %sub3A_101 : vector<1x1024xf32>
    %mul3A_103 = arith.mulf %get3A_100, %exp23A_102 : vector<1x1024xf32>
    %sub3A_104 = arith.subf %convert_element_type3A_93, %max3A_97 : vector<1x1024xf32>
    %exp23A_105 = math.exp2 %sub3A_104 : vector<1x1024xf32>
    %mul3A_106 = arith.mulf %convert_element_type3A_92, %exp23A_105 : vector<1x1024xf32>
    %add3A_107 = arith.addf %mul3A_103, %mul3A_106 : vector<1x1024xf32>
    %swap3A_108 = arith.constant 0 : index
    %swap3A_109 = arith.constant 0 : index
    %swap3A_110 = vector.load %arg6[%swap3A_108, %swap3A_109] : memref<1x1024xf32, #tpu.memory_space<vmem>>, vector<1x1024xf32>
    tpu.vector_store %arg6[%swap3A_108, %swap3A_109], %add3A_107 {strides = array<i32>} : memref<1x1024xf32, #tpu.memory_space<vmem>>, vector<1x1024xf32>,
    %swap3A_111 = arith.constant 0 : index
    %swap3A_112 = arith.constant 0 : index
    %swap3A_113 = vector.load %arg5[%swap3A_111, %swap3A_112] : memref<1x1024xf32, #tpu.memory_space<vmem>>, vector<1x1024xf32>
    tpu.vector_store %arg5[%swap3A_111, %swap3A_112], %max3A_97 {strides = array<i32>} : memref<1x1024xf32, #tpu.memory_space<vmem>>, vector<1x1024xf32>,
    %get3A_114 = arith.constant 768 : index
    %get3A_115 = arith.constant 0 : index
    %get3A_116 = vector.load %arg2[%get3A_114, %get3A_115] : memref<16384x128xf32, #tpu.memory_space<vmem>>, vector<256x128xf32>
    %convert_element_type3A_117 = arith.truncf %get3A_116 : vector<256x128xf32> to vector<256x128xbf16>
    %get3A_118 = arith.constant 0 : index
    %get3A_119 = arith.constant 0 : index
    %get3A_120 = vector.load %arg1[%get3A_118, %get3A_119] : memref<128x1024xbf16, #tpu.memory_space<vmem>>, vector<128x1024xbf16>
    %dot_general3A_121 = arith.constant dense<0.000000e+00> : vector<256x1024xf32>
    %dot_general3A_122 = tpu.matmul %convert_element_type3A_117, %get3A_120, %dot_general3A_121 {dimension_numbers = #tpu.dot_dimension_numbers<[1], [0], [0], [1], [0, 0, 1, 1], [], []>, transpose_lhs_hint = false} : vector<256x128xbf16>, vector<128x1024xbf16>, vector<256x1024xf32> -> vector<256x1024xf32>
    %convert_element_type3A_123 = arith.truncf %dot_general3A_122 : vector<256x1024xf32> to vector<256x1024xbf16>
    %reduce_max3A_124 = arith.constant dense<0xFF80> : vector<1024xbf16>
    %reduce_max3A_125 = vector.multi_reduction <maximumf>, %convert_element_type3A_123, %reduce_max3A_124 [0] : vector<256x1024xbf16> to vector<1024xbf16>
    %broadcast_in_dim3A_126 = vector.shape_cast %reduce_max3A_125 : vector<1024xbf16> to vector<1x1024xbf16>
    %sub3A_127 = vector.broadcast %broadcast_in_dim3A_126 : vector<1x1024xbf16> to vector<256x1024xbf16>
    %sub3A_128 = arith.subf %convert_element_type3A_123, %sub3A_127 : vector<256x1024xbf16>
    %exp23A_129 = math.exp2 %sub3A_128 : vector<256x1024xbf16>
    %reduce_sum3A_130 = arith.constant dense<0.000000e+00> : vector<1024xbf16>
    %reduce_sum3A_131 = vector.multi_reduction <add>, %exp23A_129, %reduce_sum3A_130 [0] : vector<256x1024xbf16> to vector<1024xbf16>
    %broadcast_in_dim3A_132 = vector.shape_cast %reduce_sum3A_131 : vector<1024xbf16> to vector<1x1024xbf16>
    %convert_element_type3A_133 = arith.extf %broadcast_in_dim3A_132 : vector<1x1024xbf16> to vector<1x1024xf32>
    %convert_element_type3A_134 = arith.extf %broadcast_in_dim3A_126 : vector<1x1024xbf16> to vector<1x1024xf32>
    %get3A_135 = arith.constant 0 : index
    %get3A_136 = arith.constant 0 : index
    %get3A_137 = vector.load %arg5[%get3A_135, %get3A_136] : memref<1x1024xf32, #tpu.memory_space<vmem>>, vector<1x1024xf32>
    %max3A_138 = arith.maximumf %get3A_137, %convert_element_type3A_134 : vector<1x1024xf32>
    %get3A_139 = arith.constant 0 : index
    %get3A_140 = arith.constant 0 : index
    %get3A_141 = vector.load %arg6[%get3A_139, %get3A_140] : memref<1x1024xf32, #tpu.memory_space<vmem>>, vector<1x1024xf32>
    %sub3A_142 = arith.subf %get3A_137, %max3A_138 : vector<1x1024xf32>
    %exp23A_143 = math.exp2 %sub3A_142 : vector<1x1024xf32>
    %mul3A_144 = arith.mulf %get3A_141, %exp23A_143 : vector<1x1024xf32>
    %sub3A_145 = arith.subf %convert_element_type3A_134, %max3A_138 : vector<1x1024xf32>
    %exp23A_146 = math.exp2 %sub3A_145 : vector<1x1024xf32>
    %mul3A_147 = arith.mulf %convert_element_type3A_133, %exp23A_146 : vector<1x1024xf32>
    %add3A_148 = arith.addf %mul3A_144, %mul3A_147 : vector<1x1024xf32>
    %swap3A_149 = arith.constant 0 : index
    %swap3A_150 = arith.constant 0 : index
    %swap3A_151 = vector.load %arg6[%swap3A_149, %swap3A_150] : memref<1x1024xf32, #tpu.memory_space<vmem>>, vector<1x1024xf32>
    tpu.vector_store %arg6[%swap3A_149, %swap3A_150], %add3A_148 {strides = array<i32>} : memref<1x1024xf32, #tpu.memory_space<vmem>>, vector<1x1024xf32>,
    %swap3A_152 = arith.constant 0 : index
    %swap3A_153 = arith.constant 0 : index
    %swap3A_154 = vector.load %arg5[%swap3A_152, %swap3A_153] : memref<1x1024xf32, #tpu.memory_space<vmem>>, vector<1x1024xf32>
    tpu.vector_store %arg5[%swap3A_152, %swap3A_153], %max3A_138 {strides = array<i32>} : memref<1x1024xf32, #tpu.memory_space<vmem>>, vector<1x1024xf32>,
    %get3A_155 = arith.constant 1024 : index
    %get3A_156 = arith.constant 0 : index
    %get3A_157 = vector.load %arg2[%get3A_155, %get3A_156] : memref<16384x128xf32, #tpu.memory_space<vmem>>, vector<256x128xf32>
    %convert_element_type3A_158 = arith.truncf %get3A_157 : vector<256x128xf32> to vector<256x128xbf16>
    %get3A_159 = arith.constant 0 : index
    %get3A_160 = arith.constant 0 : index
    %get3A_161 = vector.load %arg1[%get3A_159, %get3A_160] : memref<128x1024xbf16, #tpu.memory_space<vmem>>, vector<128x1024xbf16>
    %dot_general3A_162 = arith.constant dense<0.000000e+00> : vector<256x1024xf32>
    %dot_general3A_163 = tpu.matmul %convert_element_type3A_158, %get3A_161, %dot_general3A_162 {dimension_numbers = #tpu.dot_dimension_numbers<[1], [0], [0], [1], [0, 0, 1, 1], [], []>, transpose_lhs_hint = false} : vector<256x128xbf16>, vector<128x1024xbf16>, vector<256x1024xf32> -> vector<256x1024xf32>
    %convert_element_type3A_164 = arith.truncf %dot_general3A_163 : vector<256x1024xf32> to vector<256x1024xbf16>
    %reduce_max3A_165 = arith.constant dense<0xFF80> : vector<1024xbf16>
    %reduce_max3A_166 = vector.multi_reduction <maximumf>, %convert_element_type3A_164, %reduce_max3A_165 [0] : vector<256x1024xbf16> to vector<1024xbf16>
    %broadcast_in_dim3A_167 = vector.shape_cast %reduce_max3A_166 : vector<1024xbf16> to vector<1x1024xbf16>
    %sub3A_168 = vector.broadcast %broadcast_in_dim3A_167 : vector<1x1024xbf16> to vector<256x1024xbf16>
    %sub3A_169 = arith.subf %convert_element_type3A_164, %sub3A_168 : vector<256x1024xbf16>
    %exp23A_170 = math.exp2 %sub3A_169 : vector<256x1024xbf16>
    %reduce_sum3A_171 = arith.constant dense<0.000000e+00> : vector<1024xbf16>
    %reduce_sum3A_172 = vector.multi_reduction <add>, %exp23A_170, %reduce_sum3A_171 [0] : vector<256x1024xbf16> to vector<1024xbf16>
    %broadcast_in_dim3A_173 = vector.shape_cast %reduce_sum3A_172 : vector<1024xbf16> to vector<1x1024xbf16>
    %convert_element_type3A_174 = arith.extf %broadcast_in_dim3A_173 : vector<1x1024xbf16> to vector<1x1024xf32>
    %convert_element_type3A_175 = arith.extf %broadcast_in_dim3A_167 : vector<1x1024xbf16> to vector<1x1024xf32>
    %get3A_176 = arith.constant 0 : index
    %get3A_177 = arith.constant 0 : index
    %get3A_178 = vector.load %arg5[%get3A_176, %get3A_177] : memref<1x1024xf32, #tpu.memory_space<vmem>>, vector<1x1024xf32>
    %max3A_179 = arith.maximumf %get3A_178, %convert_element_type3A_175 : vector<1x1024xf32>
    %get3A_180 = arith.constant 0 : index
    %get3A_181 = arith.constant 0 : index
    %get3A_182 = vector.load %arg6[%get3A_180, %get3A_181] : memref<1x1024xf32, #tpu.memory_space<vmem>>, vector<1x1024xf32>
    %sub3A_183 = arith.subf %get3A_178, %max3A_179 : vector<1x1024xf32>
    %exp23A_184 = math.exp2 %sub3A_183 : vector<1x1024xf32>
    %mul3A_185 = arith.mulf %get3A_182, %exp23A_184 : vector<1x1024xf32>
    %sub3A_186 = arith.subf %convert_element_type3A_175, %max3A_179 : vector<1x1024xf32>
    %exp23A_187 = math.exp2 %sub3A_186 : vector<1x1024xf32>
    %mul3A_188 = arith.mulf %convert_element_type3A_174, %exp23A_187 : vector<1x1024xf32>
    %add3A_189 = arith.addf %mul3A_185, %mul3A_188 : vector<1x1024xf32>
    %swap3A_190 = arith.constant 0 : index
    %swap3A_191 = arith.constant 0 : index
    %swap3A_192 = vector.load %arg6[%swap3A_190, %swap3A_191] : memref<1x1024xf32, #tpu.memory_space<vmem>>, vector<1x1024xf32>
    tpu.vector_store %arg6[%swap3A_190, %swap3A_191], %add3A_189 {strides = array<i32>} : memref<1x1024xf32, #tpu.memory_space<vmem>>, vector<1x1024xf32>,
    %swap3A_193 = arith.constant 0 : index
    %swap3A_194 = arith.constant 0 : index
    %swap3A_195 = vector.load %arg5[%swap3A_193, %swap3A_194] : memref<1x1024xf32, #tpu.memory_space<vmem>>, vector<1x1024xf32>
    tpu.vector_store %arg5[%swap3A_193, %swap3A_194], %max3A_179 {strides = array<i32>} : memref<1x1024xf32, #tpu.memory_space<vmem>>, vector<1x1024xf32>,
    %get3A_196 = arith.constant 1280 : index
    %get3A_197 = arith.constant 0 : index
    %get3A_198 = vector.load %arg2[%get3A_196, %get3A_197] : memref<16384x128xf32, #tpu.memory_space<vmem>>, vector<256x128xf32>
    %convert_element_type3A_199 = arith.truncf %get3A_198 : vector<256x128xf32> to vector<256x128xbf16>
    %get3A_200 = arith.constant 0 : index
    %get3A_201 = arith.constant 0 : index
    %get3A_202 = vector.load %arg1[%get3A_200, %get3A_201] : memref<128x1024xbf16, #tpu.memory_space<vmem>>, vector<128x1024xbf16>
    %dot_general3A_203 = arith.constant dense<0.000000e+00> : vector<256x1024xf32>
    %dot_general3A_204 = tpu.matmul %convert_element_type3A_199, %get3A_202, %dot_general3A_203 {dimension_numbers = #tpu.dot_dimension_numbers<[1], [0], [0], [1], [0, 0, 1, 1], [], []>, transpose_lhs_hint = false} : vector<256x128xbf16>, vector<128x1024xbf16>, vector<256x1024xf32> -> vector<256x1024xf32>
    %convert_element_type3A_205 = arith.truncf %dot_general3A_204 : vector<256x1024xf32> to vector<256x1024xbf16>
    %reduce_max3A_206 = arith.constant dense<0xFF80> : vector<1024xbf16>
    %reduce_max3A_207 = vector.multi_reduction <maximumf>, %convert_element_type3A_205, %reduce_max3A_206 [0] : vector<256x1024xbf16> to vector<1024xbf16>
    %broadcast_in_dim3A_208 = vector.shape_cast %reduce_max3A_207 : vector<1024xbf16> to vector<1x1024xbf16>
    %sub3A_209 = vector.broadcast %broadcast_in_dim3A_208 : vector<1x1024xbf16> to vector<256x1024xbf16>
    %sub3A_210 = arith.subf %convert_element_type3A_205, %sub3A_209 : vector<256x1024xbf16>
    %exp23A_211 = math.exp2 %sub3A_210 : vector<256x1024xbf16>
    %reduce_sum3A_212 = arith.constant dense<0.000000e+00> : vector<1024xbf16>
    %reduce_sum3A_213 = vector.multi_reduction <add>, %exp23A_211, %reduce_sum3A_212 [0] : vector<256x1024xbf16> to vector<1024xbf16>
    %broadcast_in_dim3A_214 = vector.shape_cast %reduce_sum3A_213 : vector<1024xbf16> to vector<1x1024xbf16>
    %convert_element_type3A_215 = arith.extf %broadcast_in_dim3A_214 : vector<1x1024xbf16> to vector<1x1024xf32>
    %convert_element_type3A_216 = arith.extf %broadcast_in_dim3A_208 : vector<1x1024xbf16> to vector<1x1024xf32>
    %get3A_217 = arith.constant 0 : index
    %get3A_218 = arith.constant 0 : index
    %get3A_219 = vector.load %arg5[%get3A_217, %get3A_218] : memref<1x1024xf32, #tpu.memory_space<vmem>>, vector<1x1024xf32>
    %max3A_220 = arith.maximumf %get3A_219, %convert_element_type3A_216 : vector<1x1024xf32>
    %get3A_221 = arith.constant 0 : index
    %get3A_222 = arith.constant 0 : index
    %get3A_223 = vector.load %arg6[%get3A_221, %get3A_222] : memref<1x1024xf32, #tpu.memory_space<vmem>>, vector<1x1024xf32>
    %sub3A_224 = arith.subf %get3A_219, %max3A_220 : vector<1x1024xf32>
    %exp23A_225 = math.exp2 %sub3A_224 : vector<1x1024xf32>
    %mul3A_226 = arith.mulf %get3A_223, %exp23A_225 : vector<1x1024xf32>
    %sub3A_227 = arith.subf %convert_element_type3A_216, %max3A_220 : vector<1x1024xf32>
    %exp23A_228 = math.exp2 %sub3A_227 : vector<1x1024xf32>
    %mul3A_229 = arith.mulf %convert_element_type3A_215, %exp23A_228 : vector<1x1024xf32>
    %add3A_230 = arith.addf %mul3A_226, %mul3A_229 : vector<1x1024xf32>
    %swap3A_231 = arith.constant 0 : index
    %swap3A_232 = arith.constant 0 : index
    %swap3A_233 = vector.load %arg6[%swap3A_231, %swap3A_232] : memref<1x1024xf32, #tpu.memory_space<vmem>>, vector<1x1024xf32>
    tpu.vector_store %arg6[%swap3A_231, %swap3A_232], %add3A_230 {strides = array<i32>} : memref<1x1024xf32, #tpu.memory_space<vmem>>, vector<1x1024xf32>,
    %swap3A_234 = arith.constant 0 : index
    %swap3A_235 = arith.constant 0 : index
    %swap3A_236 = vector.load %arg5[%swap3A_234, %swap3A_235] : memref<1x1024xf32, #tpu.memory_space<vmem>>, vector<1x1024xf32>
    tpu.vector_store %arg5[%swap3A_234, %swap3A_235], %max3A_220 {strides = array<i32>} : memref<1x1024xf32, #tpu.memory_space<vmem>>, vector<1x1024xf32>,
    %get3A_237 = arith.constant 1536 : index
    %get3A_238 = arith.constant 0 : index
    %get3A_239 = vector.load %arg2[%get3A_237, %get3A_238] : memref<16384x128xf32, #tpu.memory_space<vmem>>, vector<256x128xf32>
    %convert_element_type3A_240 = arith.truncf %get3A_239 : vector<256x128xf32> to vector<256x128xbf16>
    %get3A_241 = arith.constant 0 : index
    %get3A_242 = arith.constant 0 : index
    %get3A_243 = vector.load %arg1[%get3A_241, %get3A_242] : memref<128x1024xbf16, #tpu.memory_space<vmem>>, vector<128x1024xbf16>
    %dot_general3A_244 = arith.constant dense<0.000000e+00> : vector<256x1024xf32>
    %dot_general3A_245 = tpu.matmul %convert_element_type3A_240, %get3A_243, %dot_general3A_244 {dimension_numbers = #tpu.dot_dimension_numbers<[1], [0], [0], [1], [0, 0, 1, 1], [], []>, transpose_lhs_hint = false} : vector<256x128xbf16>, vector<128x1024xbf16>, vector<256x1024xf32> -> vector<256x1024xf32>
    %convert_element_type3A_246 = arith.truncf %dot_general3A_245 : vector<256x1024xf32> to vector<256x1024xbf16>
    %reduce_max3A_247 = arith.constant dense<0xFF80> : vector<1024xbf16>
    %reduce_max3A_248 = vector.multi_reduction <maximumf>, %convert_element_type3A_246, %reduce_max3A_247 [0] : vector<256x1024xbf16> to vector<1024xbf16>
    %broadcast_in_dim3A_249 = vector.shape_cast %reduce_max3A_248 : vector<1024xbf16> to vector<1x1024xbf16>
    %sub3A_250 = vector.broadcast %broadcast_in_dim3A_249 : vector<1x1024xbf16> to vector<256x1024xbf16>
    %sub3A_251 = arith.subf %convert_element_type3A_246, %sub3A_250 : vector<256x1024xbf16>
    %exp23A_252 = math.exp2 %sub3A_251 : vector<256x1024xbf16>
    %reduce_sum3A_253 = arith.constant dense<0.000000e+00> : vector<1024xbf16>
    %reduce_sum3A_254 = vector.multi_reduction <add>, %exp23A_252, %reduce_sum3A_253 [0] : vector<256x1024xbf16> to vector<1024xbf16>
    %broadcast_in_dim3A_255 = vector.shape_cast %reduce_sum3A_254 : vector<1024xbf16> to vector<1x1024xbf16>
    %convert_element_type3A_256 = arith.extf %broadcast_in_dim3A_255 : vector<1x1024xbf16> to vector<1x1024xf32>
    %convert_element_type3A_257 = arith.extf %broadcast_in_dim3A_249 : vector<1x1024xbf16> to vector<1x1024xf32>
    %get3A_258 = arith.constant 0 : index
    %get3A_259 = arith.constant 0 : index
    %get3A_260 = vector.load %arg5[%get3A_258, %get3A_259] : memref<1x1024xf32, #tpu.memory_space<vmem>>, vector<1x1024xf32>
    %max3A_261 = arith.maximumf %get3A_260, %convert_element_type3A_257 : vector<1x1024xf32>
    %get3A_262 = arith.constant 0 : index
    %get3A_263 = arith.constant 0 : index
    %get3A_264 = vector.load %arg6[%get3A_262, %get3A_263] : memref<1x1024xf32, #tpu.memory_space<vmem>>, vector<1x1024xf32>
    %sub3A_265 = arith.subf %get3A_260, %max3A_261 : vector<1x1024xf32>
    %exp23A_266 = math.exp2 %sub3A_265 : vector<1x1024xf32>
    %mul3A_267 = arith.mulf %get3A_264, %exp23A_266 : vector<1x1024xf32>
    %sub3A_268 = arith.subf %convert_element_type3A_257, %max3A_261 : vector<1x1024xf32>
    %exp23A_269 = math.exp2 %sub3A_268 : vector<1x1024xf32>
    %mul3A_270 = arith.mulf %convert_element_type3A_256, %exp23A_269 : vector<1x1024xf32>
    %add3A_271 = arith.addf %mul3A_267, %mul3A_270 : vector<1x1024xf32>
    %swap3A_272 = arith.constant 0 : index
    %swap3A_273 = arith.constant 0 : index
    %swap3A_274 = vector.load %arg6[%swap3A_272, %swap3A_273] : memref<1x1024xf32, #tpu.memory_space<vmem>>, vector<1x1024xf32>
    tpu.vector_store %arg6[%swap3A_272, %swap3A_273], %add3A_271 {strides = array<i32>} : memref<1x1024xf32, #tpu.memory_space<vmem>>, vector<1x1024xf32>,
    %swap3A_275 = arith.constant 0 : index
    %swap3A_276 = arith.constant 0 : index
    %swap3A_277 = vector.load %arg5[%swap3A_275, %swap3A_276] : memref<1x1024xf32, #tpu.memory_space<vmem>>, vector<1x1024xf32>
    tpu.vector_store %arg5[%swap3A_275, %swap3A_276], %max3A_261 {strides = array<i32>} : memref<1x1024xf32, #tpu.memory_space<vmem>>, vector<1x1024xf32>,
    %get3A_278 = arith.constant 1792 : index
    %get3A_279 = arith.constant 0 : index
    %get3A_280 = vector.load %arg2[%get3A_278, %get3A_279] : memref<16384x128xf32, #tpu.memory_space<vmem>>, vector<256x128xf32>
    %convert_element_type3A_281 = arith.truncf %get3A_280 : vector<256x128xf32> to vector<256x128xbf16>
    %get3A_282 = arith.constant 0 : index
    %get3A_283 = arith.constant 0 : index
    %get3A_284 = vector.load %arg1[%get3A_282, %get3A_283] : memref<128x1024xbf16, #tpu.memory_space<vmem>>, vector<128x1024xbf16>
    %dot_general3A_285 = arith.constant dense<0.000000e+00> : vector<256x1024xf32>
    %dot_general3A_286 = tpu.matmul %convert_element_type3A_281, %get3A_284, %dot_general3A_285 {dimension_numbers = #tpu.dot_dimension_numbers<[1], [0], [0], [1], [0, 0, 1, 1], [], []>, transpose_lhs_hint = false} : vector<256x128xbf16>, vector<128x1024xbf16>, vector<256x1024xf32> -> vector<256x1024xf32>
    %convert_element_type3A_287 = arith.truncf %dot_general3A_286 : vector<256x1024xf32> to vector<256x1024xbf16>
    %reduce_max3A_288 = arith.constant dense<0xFF80> : vector<1024xbf16>
    %reduce_max3A_289 = vector.multi_reduction <maximumf>, %convert_element_type3A_287, %reduce_max3A_288 [0] : vector<256x1024xbf16> to vector<1024xbf16>
    %broadcast_in_dim3A_290 = vector.shape_cast %reduce_max3A_289 : vector<1024xbf16> to vector<1x1024xbf16>
    %sub3A_291 = vector.broadcast %broadcast_in_dim3A_290 : vector<1x1024xbf16> to vector<256x1024xbf16>
    %sub3A_292 = arith.subf %convert_element_type3A_287, %sub3A_291 : vector<256x1024xbf16>
    %exp23A_293 = math.exp2 %sub3A_292 : vector<256x1024xbf16>
    %reduce_sum3A_294 = arith.constant dense<0.000000e+00> : vector<1024xbf16>
    %reduce_sum3A_295 = vector.multi_reduction <add>, %exp23A_293, %reduce_sum3A_294 [0] : vector<256x1024xbf16> to vector<1024xbf16>
    %broadcast_in_dim3A_296 = vector.shape_cast %reduce_sum3A_295 : vector<1024xbf16> to vector<1x1024xbf16>
    %convert_element_type3A_297 = arith.extf %broadcast_in_dim3A_296 : vector<1x1024xbf16> to vector<1x1024xf32>
    %convert_element_type3A_298 = arith.extf %broadcast_in_dim3A_290 : vector<1x1024xbf16> to vector<1x1024xf32>
    %get3A_299 = arith.constant 0 : index
    %get3A_300 = arith.constant 0 : index
    %get3A_301 = vector.load %arg5[%get3A_299, %get3A_300] : memref<1x1024xf32, #tpu.memory_space<vmem>>, vector<1x1024xf32>
    %max3A_302 = arith.maximumf %get3A_301, %convert_element_type3A_298 : vector<1x1024xf32>
    %get3A_303 = arith.constant 0 : index
    %get3A_304 = arith.constant 0 : index
    %get3A_305 = vector.load %arg6[%get3A_303, %get3A_304] : memref<1x1024xf32, #tpu.memory_space<vmem>>, vector<1x1024xf32>
    %sub3A_306 = arith.subf %get3A_301, %max3A_302 : vector<1x1024xf32>
    %exp23A_307 = math.exp2 %sub3A_306 : vector<1x1024xf32>
    %mul3A_308 = arith.mulf %get3A_305, %exp23A_307 : vector<1x1024xf32>
    %sub3A_309 = arith.subf %convert_element_type3A_298, %max3A_302 : vector<1x1024xf32>
    %exp23A_310 = math.exp2 %sub3A_309 : vector<1x1024xf32>
    %mul3A_311 = arith.mulf %convert_element_type3A_297, %exp23A_310 : vector<1x1024xf32>
    %add3A_312 = arith.addf %mul3A_308, %mul3A_311 : vector<1x1024xf32>
    %swap3A_313 = arith.constant 0 : index
    %swap3A_314 = arith.constant 0 : index
    %swap3A_315 = vector.load %arg6[%swap3A_313, %swap3A_314] : memref<1x1024xf32, #tpu.memory_space<vmem>>, vector<1x1024xf32>
    tpu.vector_store %arg6[%swap3A_313, %swap3A_314], %add3A_312 {strides = array<i32>} : memref<1x1024xf32, #tpu.memory_space<vmem>>, vector<1x1024xf32>,
    %swap3A_316 = arith.constant 0 : index
    %swap3A_317 = arith.constant 0 : index
    %swap3A_318 = vector.load %arg5[%swap3A_316, %swap3A_317] : memref<1x1024xf32, #tpu.memory_space<vmem>>, vector<1x1024xf32>
    tpu.vector_store %arg5[%swap3A_316, %swap3A_317], %max3A_302 {strides = array<i32>} : memref<1x1024xf32, #tpu.memory_space<vmem>>, vector<1x1024xf32>,
    %get3A_319 = arith.constant 2048 : index
    %get3A_320 = arith.constant 0 : index
    %get3A_321 = vector.load %arg2[%get3A_319, %get3A_320] : memref<16384x128xf32, #tpu.memory_space<vmem>>, vector<256x128xf32>
    %convert_element_type3A_322 = arith.truncf %get3A_321 : vector<256x128xf32> to vector<256x128xbf16>
    %get3A_323 = arith.constant 0 : index
    %get3A_324 = arith.constant 0 : index
    %get3A_325 = vector.load %arg1[%get3A_323, %get3A_324] : memref<128x1024xbf16, #tpu.memory_space<vmem>>, vector<128x1024xbf16>
    %dot_general3A_326 = arith.constant dense<0.000000e+00> : vector<256x1024xf32>
    %dot_general3A_327 = tpu.matmul %convert_element_type3A_322, %get3A_325, %dot_general3A_326 {dimension_numbers = #tpu.dot_dimension_numbers<[1], [0], [0], [1], [0, 0, 1, 1], [], []>, transpose_lhs_hint = false} : vector<256x128xbf16>, vector<128x1024xbf16>, vector<256x1024xf32> -> vector<256x1024xf32>
    %convert_element_type3A_328 = arith.truncf %dot_general3A_327 : vector<256x1024xf32> to vector<256x1024xbf16>
    %reduce_max3A_329 = arith.constant dense<0xFF80> : vector<1024xbf16>
    %reduce_max3A_330 = vector.multi_reduction <maximumf>, %convert_element_type3A_328, %reduce_max3A_329 [0] : vector<256x1024xbf16> to vector<1024xbf16>
    %broadcast_in_dim3A_331 = vector.shape_cast %reduce_max3A_330 : vector<1024xbf16> to vector<1x1024xbf16>
    %sub3A_332 = vector.broadcast %broadcast_in_dim3A_331 : vector<1x1024xbf16> to vector<256x1024xbf16>
    %sub3A_333 = arith.subf %convert_element_type3A_328, %sub3A_332 : vector<256x1024xbf16>
    %exp23A_334 = math.exp2 %sub3A_333 : vector<256x1024xbf16>
    %reduce_sum3A_335 = arith.constant dense<0.000000e+00> : vector<1024xbf16>
    %reduce_sum3A_336 = vector.multi_reduction <add>, %exp23A_334, %reduce_sum3A_335 [0] : vector<256x1024xbf16> to vector<1024xbf16>
    %broadcast_in_dim3A_337 = vector.shape_cast %reduce_sum3A_336 : vector<1024xbf16> to vector<1x1024xbf16>
    %convert_element_type3A_338 = arith.extf %broadcast_in_dim3A_337 : vector<1x1024xbf16> to vector<1x1024xf32>
    %convert_element_type3A_339 = arith.extf %broadcast_in_dim3A_331 : vector<1x1024xbf16> to vector<1x1024xf32>
    %get3A_340 = arith.constant 0 : index
    %get3A_341 = arith.constant 0 : index
    %get3A_342 = vector.load %arg5[%get3A_340, %get3A_341] : memref<1x1024xf32, #tpu.memory_space<vmem>>, vector<1x1024xf32>
    %max3A_343 = arith.maximumf %get3A_342, %convert_element_type3A_339 : vector<1x1024xf32>
    %get3A_344 = arith.constant 0 : index
    %get3A_345 = arith.constant 0 : index
    %get3A_346 = vector.load %arg6[%get3A_344, %get3A_345] : memref<1x1024xf32, #tpu.memory_space<vmem>>, vector<1x1024xf32>
    %sub3A_347 = arith.subf %get3A_342, %max3A_343 : vector<1x1024xf32>
    %exp23A_348 = math.exp2 %sub3A_347 : vector<1x1024xf32>
    %mul3A_349 = arith.mulf %get3A_346, %exp23A_348 : vector<1x1024xf32>
    %sub3A_350 = arith.subf %convert_element_type3A_339, %max3A_343 : vector<1x1024xf32>
    %exp23A_351 = math.exp2 %sub3A_350 : vector<1x1024xf32>
    %mul3A_352 = arith.mulf %convert_element_type3A_338, %exp23A_351 : vector<1x1024xf32>
    %add3A_353 = arith.addf %mul3A_349, %mul3A_352 : vector<1x1024xf32>
    %swap3A_354 = arith.constant 0 : index
    %swap3A_355 = arith.constant 0 : index
    %swap3A_356 = vector.load %arg6[%swap3A_354, %swap3A_355] : memref<1x1024xf32, #tpu.memory_space<vmem>>, vector<1x1024xf32>
    tpu.vector_store %arg6[%swap3A_354, %swap3A_355], %add3A_353 {strides = array<i32>} : memref<1x1024xf32, #tpu.memory_space<vmem>>, vector<1x1024xf32>,
    %swap3A_357 = arith.constant 0 : index
    %swap3A_358 = arith.constant 0 : index
    %swap3A_359 = vector.load %arg5[%swap3A_357, %swap3A_358] : memref<1x1024xf32, #tpu.memory_space<vmem>>, vector<1x1024xf32>
    tpu.vector_store %arg5[%swap3A_357, %swap3A_358], %max3A_343 {strides = array<i32>} : memref<1x1024xf32, #tpu.memory_space<vmem>>, vector<1x1024xf32>,
    %get3A_360 = arith.constant 2304 : index
    %get3A_361 = arith.constant 0 : index
    %get3A_362 = vector.load %arg2[%get3A_360, %get3A_361] : memref<16384x128xf32, #tpu.memory_space<vmem>>, vector<256x128xf32>
    %convert_element_type3A_363 = arith.truncf %get3A_362 : vector<256x128xf32> to vector<256x128xbf16>
    %get3A_364 = arith.constant 0 : index
    %get3A_365 = arith.constant 0 : index
    %get3A_366 = vector.load %arg1[%get3A_364, %get3A_365] : memref<128x1024xbf16, #tpu.memory_space<vmem>>, vector<128x1024xbf16>
    %dot_general3A_367 = arith.constant dense<0.000000e+00> : vector<256x1024xf32>
    %dot_general3A_368 = tpu.matmul %convert_element_type3A_363, %get3A_366, %dot_general3A_367 {dimension_numbers = #tpu.dot_dimension_numbers<[1], [0], [0], [1], [0, 0, 1, 1], [], []>, transpose_lhs_hint = false} : vector<256x128xbf16>, vector<128x1024xbf16>, vector<256x1024xf32> -> vector<256x1024xf32>
    %convert_element_type3A_369 = arith.truncf %dot_general3A_368 : vector<256x1024xf32> to vector<256x1024xbf16>
    %reduce_max3A_370 = arith.constant dense<0xFF80> : vector<1024xbf16>
    %reduce_max3A_371 = vector.multi_reduction <maximumf>, %convert_element_type3A_369, %reduce_max3A_370 [0] : vector<256x1024xbf16> to vector<1024xbf16>
    %broadcast_in_dim3A_372 = vector.shape_cast %reduce_max3A_371 : vector<1024xbf16> to vector<1x1024xbf16>
    %sub3A_373 = vector.broadcast %broadcast_in_dim3A_372 : vector<1x1024xbf16> to vector<256x1024xbf16>
    %sub3A_374 = arith.subf %convert_element_type3A_369, %sub3A_373 : vector<256x1024xbf16>
    %exp23A_375 = math.exp2 %sub3A_374 : vector<256x1024xbf16>
    %reduce_sum3A_376 = arith.constant dense<0.000000e+00> : vector<1024xbf16>
    %reduce_sum3A_377 = vector.multi_reduction <add>, %exp23A_375, %reduce_sum3A_376 [0] : vector<256x1024xbf16> to vector<1024xbf16>
    %broadcast_in_dim3A_378 = vector.shape_cast %reduce_sum3A_377 : vector<1024xbf16> to vector<1x1024xbf16>
    %convert_element_type3A_379 = arith.extf %broadcast_in_dim3A_378 : vector<1x1024xbf16> to vector<1x1024xf32>
    %convert_element_type3A_380 = arith.extf %broadcast_in_dim3A_372 : vector<1x1024xbf16> to vector<1x1024xf32>
    %get3A_381 = arith.constant 0 : index
    %get3A_382 = arith.constant 0 : index
    %get3A_383 = vector.load %arg5[%get3A_381, %get3A_382] : memref<1x1024xf32, #tpu.memory_space<vmem>>, vector<1x1024xf32>
    %max3A_384 = arith.maximumf %get3A_383, %convert_element_type3A_380 : vector<1x1024xf32>
    %get3A_385 = arith.constant 0 : index
    %get3A_386 = arith.constant 0 : index
    %get3A_387 = vector.load %arg6[%get3A_385, %get3A_386] : memref<1x1024xf32, #tpu.memory_space<vmem>>, vector<1x1024xf32>
    %sub3A_388 = arith.subf %get3A_383, %max3A_384 : vector<1x1024xf32>
    %exp23A_389 = math.exp2 %sub3A_388 : vector<1x1024xf32>
    %mul3A_390 = arith.mulf %get3A_387, %exp23A_389 : vector<1x1024xf32>
    %sub3A_391 = arith.subf %convert_element_type3A_380, %max3A_384 : vector<1x1024xf32>
    %exp23A_392 = math.exp2 %sub3A_391 : vector<1x1024xf32>
    %mul3A_393 = arith.mulf %convert_element_type3A_379, %exp23A_392 : vector<1x1024xf32>
    %add3A_394 = arith.addf %mul3A_390, %mul3A_393 : vector<1x1024xf32>
    %swap3A_395 = arith.constant 0 : index
    %swap3A_396 = arith.constant 0 : index
    %swap3A_397 = vector.load %arg6[%swap3A_395, %swap3A_396] : memref<1x1024xf32, #tpu.memory_space<vmem>>, vector<1x1024xf32>
    tpu.vector_store %arg6[%swap3A_395, %swap3A_396], %add3A_394 {strides = array<i32>} : memref<1x1024xf32, #tpu.memory_space<vmem>>, vector<1x1024xf32>,
    %swap3A_398 = arith.constant 0 : index
    %swap3A_399 = arith.constant 0 : index
    %swap3A_400 = vector.load %arg5[%swap3A_398, %swap3A_399] : memref<1x1024xf32, #tpu.memory_space<vmem>>, vector<1x1024xf32>
    tpu.vector_store %arg5[%swap3A_398, %swap3A_399], %max3A_384 {strides = array<i32>} : memref<1x1024xf32, #tpu.memory_space<vmem>>, vector<1x1024xf32>,
    %get3A_401 = arith.constant 2560 : index
    %get3A_402 = arith.constant 0 : index
    %get3A_403 = vector.load %arg2[%get3A_401, %get3A_402] : memref<16384x128xf32, #tpu.memory_space<vmem>>, vector<256x128xf32>
    %convert_element_type3A_404 = arith.truncf %get3A_403 : vector<256x128xf32> to vector<256x128xbf16>
    %get3A_405 = arith.constant 0 : index
    %get3A_406 = arith.constant 0 : index
    %get3A_407 = vector.load %arg1[%get3A_405, %get3A_406] : memref<128x1024xbf16, #tpu.memory_space<vmem>>, vector<128x1024xbf16>
    %dot_general3A_408 = arith.constant dense<0.000000e+00> : vector<256x1024xf32>
    %dot_general3A_409 = tpu.matmul %convert_element_type3A_404, %get3A_407, %dot_general3A_408 {dimension_numbers = #tpu.dot_dimension_numbers<[1], [0], [0], [1], [0, 0, 1, 1], [], []>, transpose_lhs_hint = false} : vector<256x128xbf16>, vector<128x1024xbf16>, vector<256x1024xf32> -> vector<256x1024xf32>
    %convert_element_type3A_410 = arith.truncf %dot_general3A_409 : vector<256x1024xf32> to vector<256x1024xbf16>
    %reduce_max3A_411 = arith.constant dense<0xFF80> : vector<1024xbf16>
    %reduce_max3A_412 = vector.multi_reduction <maximumf>, %convert_element_type3A_410, %reduce_max3A_411 [0] : vector<256x1024xbf16> to vector<1024xbf16>
    %broadcast_in_dim3A_413 = vector.shape_cast %reduce_max3A_412 : vector<1024xbf16> to vector<1x1024xbf16>
    %sub3A_414 = vector.broadcast %broadcast_in_dim3A_413 : vector<1x1024xbf16> to vector<256x1024xbf16>
    %sub3A_415 = arith.subf %convert_element_type3A_410, %sub3A_414 : vector<256x1024xbf16>
    %exp23A_416 = math.exp2 %sub3A_415 : vector<256x1024xbf16>
    %reduce_sum3A_417 = arith.constant dense<0.000000e+00> : vector<1024xbf16>
    %reduce_sum3A_418 = vector.multi_reduction <add>, %exp23A_416, %reduce_sum3A_417 [0] : vector<256x1024xbf16> to vector<1024xbf16>
    %broadcast_in_dim3A_419 = vector.shape_cast %reduce_sum3A_418 : vector<1024xbf16> to vector<1x1024xbf16>
    %convert_element_type3A_420 = arith.extf %broadcast_in_dim3A_419 : vector<1x1024xbf16> to vector<1x1024xf32>
    %convert_element_type3A_421 = arith.extf %broadcast_in_dim3A_413 : vector<1x1024xbf16> to vector<1x1024xf32>
    %get3A_422 = arith.constant 0 : index
    %get3A_423 = arith.constant 0 : index
    %get3A_424 = vector.load %arg5[%get3A_422, %get3A_423] : memref<1x1024xf32, #tpu.memory_space<vmem>>, vector<1x1024xf32>
    %max3A_425 = arith.maximumf %get3A_424, %convert_element_type3A_421 : vector<1x1024xf32>
    %get3A_426 = arith.constant 0 : index
    %get3A_427 = arith.constant 0 : index
    %get3A_428 = vector.load %arg6[%get3A_426, %get3A_427] : memref<1x1024xf32, #tpu.memory_space<vmem>>, vector<1x1024xf32>
    %sub3A_429 = arith.subf %get3A_424, %max3A_425 : vector<1x1024xf32>
    %exp23A_430 = math.exp2 %sub3A_429 : vector<1x1024xf32>
    %mul3A_431 = arith.mulf %get3A_428, %exp23A_430 : vector<1x1024xf32>
    %sub3A_432 = arith.subf %convert_element_type3A_421, %max3A_425 : vector<1x1024xf32>
    %exp23A_433 = math.exp2 %sub3A_432 : vector<1x1024xf32>
    %mul3A_434 = arith.mulf %convert_element_type3A_420, %exp23A_433 : vector<1x1024xf32>
    %add3A_435 = arith.addf %mul3A_431, %mul3A_434 : vector<1x1024xf32>
    %swap3A_436 = arith.constant 0 : index
    %swap3A_437 = arith.constant 0 : index
    %swap3A_438 = vector.load %arg6[%swap3A_436, %swap3A_437] : memref<1x1024xf32, #tpu.memory_space<vmem>>, vector<1x1024xf32>
    tpu.vector_store %arg6[%swap3A_436, %swap3A_437], %add3A_435 {strides = array<i32>} : memref<1x1024xf32, #tpu.memory_space<vmem>>, vector<1x1024xf32>,
    %swap3A_439 = arith.constant 0 : index
    %swap3A_440 = arith.constant 0 : index
    %swap3A_441 = vector.load %arg5[%swap3A_439, %swap3A_440] : memref<1x1024xf32, #tpu.memory_space<vmem>>, vector<1x1024xf32>
    tpu.vector_store %arg5[%swap3A_439, %swap3A_440], %max3A_425 {strides = array<i32>} : memref<1x1024xf32, #tpu.memory_space<vmem>>, vector<1x1024xf32>,
    %get3A_442 = arith.constant 2816 : index
    %get3A_443 = arith.constant 0 : index
    %get3A_444 = vector.load %arg2[%get3A_442, %get3A_443] : memref<16384x128xf32, #tpu.memory_space<vmem>>, vector<256x128xf32>
    %convert_element_type3A_445 = arith.truncf %get3A_444 : vector<256x128xf32> to vector<256x128xbf16>
    %get3A_446 = arith.constant 0 : index
    %get3A_447 = arith.constant 0 : index
    %get3A_448 = vector.load %arg1[%get3A_446, %get3A_447] : memref<128x1024xbf16, #tpu.memory_space<vmem>>, vector<128x1024xbf16>
    %dot_general3A_449 = arith.constant dense<0.000000e+00> : vector<256x1024xf32>
    %dot_general3A_450 = tpu.matmul %convert_element_type3A_445, %get3A_448, %dot_general3A_449 {dimension_numbers = #tpu.dot_dimension_numbers<[1], [0], [0], [1], [0, 0, 1, 1], [], []>, transpose_lhs_hint = false} : vector<256x128xbf16>, vector<128x1024xbf16>, vector<256x1024xf32> -> vector<256x1024xf32>
    %convert_element_type3A_451 = arith.truncf %dot_general3A_450 : vector<256x1024xf32> to vector<256x1024xbf16>
    %reduce_max3A_452 = arith.constant dense<0xFF80> : vector<1024xbf16>
    %reduce_max3A_453 = vector.multi_reduction <maximumf>, %convert_element_type3A_451, %reduce_max3A_452 [0] : vector<256x1024xbf16> to vector<1024xbf16>
    %broadcast_in_dim3A_454 = vector.shape_cast %reduce_max3A_453 : vector<1024xbf16> to vector<1x1024xbf16>
    %sub3A_455 = vector.broadcast %broadcast_in_dim3A_454 : vector<1x1024xbf16> to vector<256x1024xbf16>
    %sub3A_456 = arith.subf %convert_element_type3A_451, %sub3A_455 : vector<256x1024xbf16>
    %exp23A_457 = math.exp2 %sub3A_456 : vector<256x1024xbf16>
    %reduce_sum3A_458 = arith.constant dense<0.000000e+00> : vector<1024xbf16>
    %reduce_sum3A_459 = vector.multi_reduction <add>, %exp23A_457, %reduce_sum3A_458 [0] : vector<256x1024xbf16> to vector<1024xbf16>
    %broadcast_in_dim3A_460 = vector.shape_cast %reduce_sum3A_459 : vector<1024xbf16> to vector<1x1024xbf16>
    %convert_element_type3A_461 = arith.extf %broadcast_in_dim3A_460 : vector<1x1024xbf16> to vector<1x1024xf32>
    %convert_element_type3A_462 = arith.extf %broadcast_in_dim3A_454 : vector<1x1024xbf16> to vector<1x1024xf32>
    %get3A_463 = arith.constant 0 : index
    %get3A_464 = arith.constant 0 : index
    %get3A_465 = vector.load %arg5[%get3A_463, %get3A_464] : memref<1x1024xf32, #tpu.memory_space<vmem>>, vector<1x1024xf32>
    %max3A_466 = arith.maximumf %get3A_465, %convert_element_type3A_462 : vector<1x1024xf32>
    %get3A_467 = arith.constant 0 : index
    %get3A_468 = arith.constant 0 : index
    %get3A_469 = vector.load %arg6[%get3A_467, %get3A_468] : memref<1x1024xf32, #tpu.memory_space<vmem>>, vector<1x1024xf32>
    %sub3A_470 = arith.subf %get3A_465, %max3A_466 : vector<1x1024xf32>
    %exp23A_471 = math.exp2 %sub3A_470 : vector<1x1024xf32>
    %mul3A_472 = arith.mulf %get3A_469, %exp23A_471 : vector<1x1024xf32>
    %sub3A_473 = arith.subf %convert_element_type3A_462, %max3A_466 : vector<1x1024xf32>
    %exp23A_474 = math.exp2 %sub3A_473 : vector<1x1024xf32>
    %mul3A_475 = arith.mulf %convert_element_type3A_461, %exp23A_474 : vector<1x1024xf32>
    %add3A_476 = arith.addf %mul3A_472, %mul3A_475 : vector<1x1024xf32>
    %swap3A_477 = arith.constant 0 : index
    %swap3A_478 = arith.constant 0 : index
    %swap3A_479 = vector.load %arg6[%swap3A_477, %swap3A_478] : memref<1x1024xf32, #tpu.memory_space<vmem>>, vector<1x1024xf32>
    tpu.vector_store %arg6[%swap3A_477, %swap3A_478], %add3A_476 {strides = array<i32>} : memref<1x1024xf32, #tpu.memory_space<vmem>>, vector<1x1024xf32>,
    %swap3A_480 = arith.constant 0 : index
    %swap3A_481 = arith.constant 0 : index
    %swap3A_482 = vector.load %arg5[%swap3A_480, %swap3A_481] : memref<1x1024xf32, #tpu.memory_space<vmem>>, vector<1x1024xf32>
    tpu.vector_store %arg5[%swap3A_480, %swap3A_481], %max3A_466 {strides = array<i32>} : memref<1x1024xf32, #tpu.memory_space<vmem>>, vector<1x1024xf32>,
    %get3A_483 = arith.constant 3072 : index
    %get3A_484 = arith.constant 0 : index
    %get3A_485 = vector.load %arg2[%get3A_483, %get3A_484] : memref<16384x128xf32, #tpu.memory_space<vmem>>, vector<256x128xf32>
    %convert_element_type3A_486 = arith.truncf %get3A_485 : vector<256x128xf32> to vector<256x128xbf16>
    %get3A_487 = arith.constant 0 : index
    %get3A_488 = arith.constant 0 : index
    %get3A_489 = vector.load %arg1[%get3A_487, %get3A_488] : memref<128x1024xbf16, #tpu.memory_space<vmem>>, vector<128x1024xbf16>
    %dot_general3A_490 = arith.constant dense<0.000000e+00> : vector<256x1024xf32>
    %dot_general3A_491 = tpu.matmul %convert_element_type3A_486, %get3A_489, %dot_general3A_490 {dimension_numbers = #tpu.dot_dimension_numbers<[1], [0], [0], [1], [0, 0, 1, 1], [], []>, transpose_lhs_hint = false} : vector<256x128xbf16>, vector<128x1024xbf16>, vector<256x1024xf32> -> vector<256x1024xf32>
    %convert_element_type3A_492 = arith.truncf %dot_general3A_491 : vector<256x1024xf32> to vector<256x1024xbf16>
    %reduce_max3A_493 = arith.constant dense<0xFF80> : vector<1024xbf16>
    %reduce_max3A_494 = vector.multi_reduction <maximumf>, %convert_element_type3A_492, %reduce_max3A_493 [0] : vector<256x1024xbf16> to vector<1024xbf16>
    %broadcast_in_dim3A_495 = vector.shape_cast %reduce_max3A_494 : vector<1024xbf16> to vector<1x1024xbf16>
    %sub3A_496 = vector.broadcast %broadcast_in_dim3A_495 : vector<1x1024xbf16> to vector<256x1024xbf16>
    %sub3A_497 = arith.subf %convert_element_type3A_492, %sub3A_496 : vector<256x1024xbf16>
    %exp23A_498 = math.exp2 %sub3A_497 : vector<256x1024xbf16>
    %reduce_sum3A_499 = arith.constant dense<0.000000e+00> : vector<1024xbf16>
    %reduce_sum3A_500 = vector.multi_reduction <add>, %exp23A_498, %reduce_sum3A_499 [0] : vector<256x1024xbf16> to vector<1024xbf16>
    %broadcast_in_dim3A_501 = vector.shape_cast %reduce_sum3A_500 : vector<1024xbf16> to vector<1x1024xbf16>
    %convert_element_type3A_502 = arith.extf %broadcast_in_dim3A_501 : vector<1x1024xbf16> to vector<1x1024xf32>
    %convert_element_type3A_503 = arith.extf %broadcast_in_dim3A_495 : vector<1x1024xbf16> to vector<1x1024xf32>
    %get3A_504 = arith.constant 0 : index
    %get3A_505 = arith.constant 0 : index
    %get3A_506 = vector.load %arg5[%get3A_504, %get3A_505] : memref<1x1024xf32, #tpu.memory_space<vmem>>, vector<1x1024xf32>
    %max3A_507 = arith.maximumf %get3A_506, %convert_element_type3A_503 : vector<1x1024xf32>
    %get3A_508 = arith.constant 0 : index
    %get3A_509 = arith.constant 0 : index
    %get3A_510 = vector.load %arg6[%get3A_508, %get3A_509] : memref<1x1024xf32, #tpu.memory_space<vmem>>, vector<1x1024xf32>
    %sub3A_511 = arith.subf %get3A_506, %max3A_507 : vector<1x1024xf32>
    %exp23A_512 = math.exp2 %sub3A_511 : vector<1x1024xf32>
    %mul3A_513 = arith.mulf %get3A_510, %exp23A_512 : vector<1x1024xf32>
    %sub3A_514 = arith.subf %convert_element_type3A_503, %max3A_507 : vector<1x1024xf32>
    %exp23A_515 = math.exp2 %sub3A_514 : vector<1x1024xf32>
    %mul3A_516 = arith.mulf %convert_element_type3A_502, %exp23A_515 : vector<1x1024xf32>
    %add3A_517 = arith.addf %mul3A_513, %mul3A_516 : vector<1x1024xf32>
    %swap3A_518 = arith.constant 0 : index
    %swap3A_519 = arith.constant 0 : index
    %swap3A_520 = vector.load %arg6[%swap3A_518, %swap3A_519] : memref<1x1024xf32, #tpu.memory_space<vmem>>, vector<1x1024xf32>
    tpu.vector_store %arg6[%swap3A_518, %swap3A_519], %add3A_517 {strides = array<i32>} : memref<1x1024xf32, #tpu.memory_space<vmem>>, vector<1x1024xf32>,
    %swap3A_521 = arith.constant 0 : index
    %swap3A_522 = arith.constant 0 : index
    %swap3A_523 = vector.load %arg5[%swap3A_521, %swap3A_522] : memref<1x1024xf32, #tpu.memory_space<vmem>>, vector<1x1024xf32>
    tpu.vector_store %arg5[%swap3A_521, %swap3A_522], %max3A_507 {strides = array<i32>} : memref<1x1024xf32, #tpu.memory_space<vmem>>, vector<1x1024xf32>,
    %get3A_524 = arith.constant 3328 : index
    %get3A_525 = arith.constant 0 : index
    %get3A_526 = vector.load %arg2[%get3A_524, %get3A_525] : memref<16384x128xf32, #tpu.memory_space<vmem>>, vector<256x128xf32>
    %convert_element_type3A_527 = arith.truncf %get3A_526 : vector<256x128xf32> to vector<256x128xbf16>
    %get3A_528 = arith.constant 0 : index
    %get3A_529 = arith.constant 0 : index
    %get3A_530 = vector.load %arg1[%get3A_528, %get3A_529] : memref<128x1024xbf16, #tpu.memory_space<vmem>>, vector<128x1024xbf16>
    %dot_general3A_531 = arith.constant dense<0.000000e+00> : vector<256x1024xf32>
    %dot_general3A_532 = tpu.matmul %convert_element_type3A_527, %get3A_530, %dot_general3A_531 {dimension_numbers = #tpu.dot_dimension_numbers<[1], [0], [0], [1], [0, 0, 1, 1], [], []>, transpose_lhs_hint = false} : vector<256x128xbf16>, vector<128x1024xbf16>, vector<256x1024xf32> -> vector<256x1024xf32>
    %convert_element_type3A_533 = arith.truncf %dot_general3A_532 : vector<256x1024xf32> to vector<256x1024xbf16>
    %reduce_max3A_534 = arith.constant dense<0xFF80> : vector<1024xbf16>
    %reduce_max3A_535 = vector.multi_reduction <maximumf>, %convert_element_type3A_533, %reduce_max3A_534 [0] : vector<256x1024xbf16> to vector<1024xbf16>
    %broadcast_in_dim3A_536 = vector.shape_cast %reduce_max3A_535 : vector<1024xbf16> to vector<1x1024xbf16>
    %sub3A_537 = vector.broadcast %broadcast_in_dim3A_536 : vector<1x1024xbf16> to vector<256x1024xbf16>
    %sub3A_538 = arith.subf %convert_element_type3A_533, %sub3A_537 : vector<256x1024xbf16>
    %exp23A_539 = math.exp2 %sub3A_538 : vector<256x1024xbf16>
    %reduce_sum3A_540 = arith.constant dense<0.000000e+00> : vector<1024xbf16>
    %reduce_sum3A_541 = vector.multi_reduction <add>, %exp23A_539, %reduce_sum3A_540 [0] : vector<256x1024xbf16> to vector<1024xbf16>
    %broadcast_in_dim3A_542 = vector.shape_cast %reduce_sum3A_541 : vector<1024xbf16> to vector<1x1024xbf16>
    %convert_element_type3A_543 = arith.extf %broadcast_in_dim3A_542 : vector<1x1024xbf16> to vector<1x1024xf32>
    %convert_element_type3A_544 = arith.extf %broadcast_in_dim3A_536 : vector<1x1024xbf16> to vector<1x1024xf32>
    %get3A_545 = arith.constant 0 : index
    %get3A_546 = arith.constant 0 : index
    %get3A_547 = vector.load %arg5[%get3A_545, %get3A_546] : memref<1x1024xf32, #tpu.memory_space<vmem>>, vector<1x1024xf32>
    %max3A_548 = arith.maximumf %get3A_547, %convert_element_type3A_544 : vector<1x1024xf32>
    %get3A_549 = arith.constant 0 : index
    %get3A_550 = arith.constant 0 : index
    %get3A_551 = vector.load %arg6[%get3A_549, %get3A_550] : memref<1x1024xf32, #tpu.memory_space<vmem>>, vector<1x1024xf32>
    %sub3A_552 = arith.subf %get3A_547, %max3A_548 : vector<1x1024xf32>
    %exp23A_553 = math.exp2 %sub3A_552 : vector<1x1024xf32>
    %mul3A_554 = arith.mulf %get3A_551, %exp23A_553 : vector<1x1024xf32>
    %sub3A_555 = arith.subf %convert_element_type3A_544, %max3A_548 : vector<1x1024xf32>
    %exp23A_556 = math.exp2 %sub3A_555 : vector<1x1024xf32>
    %mul3A_557 = arith.mulf %convert_element_type3A_543, %exp23A_556 : vector<1x1024xf32>
    %add3A_558 = arith.addf %mul3A_554, %mul3A_557 : vector<1x1024xf32>
    %swap3A_559 = arith.constant 0 : index
    %swap3A_560 = arith.constant 0 : index
    %swap3A_561 = vector.load %arg6[%swap3A_559, %swap3A_560] : memref<1x1024xf32, #tpu.memory_space<vmem>>, vector<1x1024xf32>
    tpu.vector_store %arg6[%swap3A_559, %swap3A_560], %add3A_558 {strides = array<i32>} : memref<1x1024xf32, #tpu.memory_space<vmem>>, vector<1x1024xf32>,
    %swap3A_562 = arith.constant 0 : index
    %swap3A_563 = arith.constant 0 : index
    %swap3A_564 = vector.load %arg5[%swap3A_562, %swap3A_563] : memref<1x1024xf32, #tpu.memory_space<vmem>>, vector<1x1024xf32>
    tpu.vector_store %arg5[%swap3A_562, %swap3A_563], %max3A_548 {strides = array<i32>} : memref<1x1024xf32, #tpu.memory_space<vmem>>, vector<1x1024xf32>,
    %get3A_565 = arith.constant 3584 : index
    %get3A_566 = arith.constant 0 : index
    %get3A_567 = vector.load %arg2[%get3A_565, %get3A_566] : memref<16384x128xf32, #tpu.memory_space<vmem>>, vector<256x128xf32>
    %convert_element_type3A_568 = arith.truncf %get3A_567 : vector<256x128xf32> to vector<256x128xbf16>
    %get3A_569 = arith.constant 0 : index
    %get3A_570 = arith.constant 0 : index
    %get3A_571 = vector.load %arg1[%get3A_569, %get3A_570] : memref<128x1024xbf16, #tpu.memory_space<vmem>>, vector<128x1024xbf16>
    %dot_general3A_572 = arith.constant dense<0.000000e+00> : vector<256x1024xf32>
    %dot_general3A_573 = tpu.matmul %convert_element_type3A_568, %get3A_571, %dot_general3A_572 {dimension_numbers = #tpu.dot_dimension_numbers<[1], [0], [0], [1], [0, 0, 1, 1], [], []>, transpose_lhs_hint = false} : vector<256x128xbf16>, vector<128x1024xbf16>, vector<256x1024xf32> -> vector<256x1024xf32>
    %convert_element_type3A_574 = arith.truncf %dot_general3A_573 : vector<256x1024xf32> to vector<256x1024xbf16>
    %reduce_max3A_575 = arith.constant dense<0xFF80> : vector<1024xbf16>
    %reduce_max3A_576 = vector.multi_reduction <maximumf>, %convert_element_type3A_574, %reduce_max3A_575 [0] : vector<256x1024xbf16> to vector<1024xbf16>
    %broadcast_in_dim3A_577 = vector.shape_cast %reduce_max3A_576 : vector<1024xbf16> to vector<1x1024xbf16>
    %sub3A_578 = vector.broadcast %broadcast_in_dim3A_577 : vector<1x1024xbf16> to vector<256x1024xbf16>
    %sub3A_579 = arith.subf %convert_element_type3A_574, %sub3A_578 : vector<256x1024xbf16>
    %exp23A_580 = math.exp2 %sub3A_579 : vector<256x1024xbf16>
    %reduce_sum3A_581 = arith.constant dense<0.000000e+00> : vector<1024xbf16>
    %reduce_sum3A_582 = vector.multi_reduction <add>, %exp23A_580, %reduce_sum3A_581 [0] : vector<256x1024xbf16> to vector<1024xbf16>
    %broadcast_in_dim3A_583 = vector.shape_cast %reduce_sum3A_582 : vector<1024xbf16> to vector<1x1024xbf16>
    %convert_element_type3A_584 = arith.extf %broadcast_in_dim3A_583 : vector<1x1024xbf16> to vector<1x1024xf32>
    %convert_element_type3A_585 = arith.extf %broadcast_in_dim3A_577 : vector<1x1024xbf16> to vector<1x1024xf32>
    %get3A_586 = arith.constant 0 : index
    %get3A_587 = arith.constant 0 : index
    %get3A_588 = vector.load %arg5[%get3A_586, %get3A_587] : memref<1x1024xf32, #tpu.memory_space<vmem>>, vector<1x1024xf32>
    %max3A_589 = arith.maximumf %get3A_588, %convert_element_type3A_585 : vector<1x1024xf32>
    %get3A_590 = arith.constant 0 : index
    %get3A_591 = arith.constant 0 : index
    %get3A_592 = vector.load %arg6[%get3A_590, %get3A_591] : memref<1x1024xf32, #tpu.memory_space<vmem>>, vector<1x1024xf32>
    %sub3A_593 = arith.subf %get3A_588, %max3A_589 : vector<1x1024xf32>
    %exp23A_594 = math.exp2 %sub3A_593 : vector<1x1024xf32>
    %mul3A_595 = arith.mulf %get3A_592, %exp23A_594 : vector<1x1024xf32>
    %sub3A_596 = arith.subf %convert_element_type3A_585, %max3A_589 : vector<1x1024xf32>
    %exp23A_597 = math.exp2 %sub3A_596 : vector<1x1024xf32>
    %mul3A_598 = arith.mulf %convert_element_type3A_584, %exp23A_597 : vector<1x1024xf32>
    %add3A_599 = arith.addf %mul3A_595, %mul3A_598 : vector<1x1024xf32>
    %swap3A_600 = arith.constant 0 : index
    %swap3A_601 = arith.constant 0 : index
    %swap3A_602 = vector.load %arg6[%swap3A_600, %swap3A_601] : memref<1x1024xf32, #tpu.memory_space<vmem>>, vector<1x1024xf32>
    tpu.vector_store %arg6[%swap3A_600, %swap3A_601], %add3A_599 {strides = array<i32>} : memref<1x1024xf32, #tpu.memory_space<vmem>>, vector<1x1024xf32>,
    %swap3A_603 = arith.constant 0 : index
    %swap3A_604 = arith.constant 0 : index
    %swap3A_605 = vector.load %arg5[%swap3A_603, %swap3A_604] : memref<1x1024xf32, #tpu.memory_space<vmem>>, vector<1x1024xf32>
    tpu.vector_store %arg5[%swap3A_603, %swap3A_604], %max3A_589 {strides = array<i32>} : memref<1x1024xf32, #tpu.memory_space<vmem>>, vector<1x1024xf32>,
    %get3A_606 = arith.constant 3840 : index
    %get3A_607 = arith.constant 0 : index
    %get3A_608 = vector.load %arg2[%get3A_606, %get3A_607] : memref<16384x128xf32, #tpu.memory_space<vmem>>, vector<256x128xf32>
    %convert_element_type3A_609 = arith.truncf %get3A_608 : vector<256x128xf32> to vector<256x128xbf16>
    %get3A_610 = arith.constant 0 : index
    %get3A_611 = arith.constant 0 : index
    %get3A_612 = vector.load %arg1[%get3A_610, %get3A_611] : memref<128x1024xbf16, #tpu.memory_space<vmem>>, vector<128x1024xbf16>
    %dot_general3A_613 = arith.constant dense<0.000000e+00> : vector<256x1024xf32>
    %dot_general3A_614 = tpu.matmul %convert_element_type3A_609, %get3A_612, %dot_general3A_613 {dimension_numbers = #tpu.dot_dimension_numbers<[1], [0], [0], [1], [0, 0, 1, 1], [], []>, transpose_lhs_hint = false} : vector<256x128xbf16>, vector<128x1024xbf16>, vector<256x1024xf32> -> vector<256x1024xf32>
    %convert_element_type3A_615 = arith.truncf %dot_general3A_614 : vector<256x1024xf32> to vector<256x1024xbf16>
    %reduce_max3A_616 = arith.constant dense<0xFF80> : vector<1024xbf16>
    %reduce_max3A_617 = vector.multi_reduction <maximumf>, %convert_element_type3A_615, %reduce_max3A_616 [0] : vector<256x1024xbf16> to vector<1024xbf16>
    %broadcast_in_dim3A_618 = vector.shape_cast %reduce_max3A_617 : vector<1024xbf16> to vector<1x1024xbf16>
    %sub3A_619 = vector.broadcast %broadcast_in_dim3A_618 : vector<1x1024xbf16> to vector<256x1024xbf16>
    %sub3A_620 = arith.subf %convert_element_type3A_615, %sub3A_619 : vector<256x1024xbf16>
    %exp23A_621 = math.exp2 %sub3A_620 : vector<256x1024xbf16>
    %reduce_sum3A_622 = arith.constant dense<0.000000e+00> : vector<1024xbf16>
    %reduce_sum3A_623 = vector.multi_reduction <add>, %exp23A_621, %reduce_sum3A_622 [0] : vector<256x1024xbf16> to vector<1024xbf16>
    %broadcast_in_dim3A_624 = vector.shape_cast %reduce_sum3A_623 : vector<1024xbf16> to vector<1x1024xbf16>
    %convert_element_type3A_625 = arith.extf %broadcast_in_dim3A_624 : vector<1x1024xbf16> to vector<1x1024xf32>
    %convert_element_type3A_626 = arith.extf %broadcast_in_dim3A_618 : vector<1x1024xbf16> to vector<1x1024xf32>
    %get3A_627 = arith.constant 0 : index
    %get3A_628 = arith.constant 0 : index
    %get3A_629 = vector.load %arg5[%get3A_627, %get3A_628] : memref<1x1024xf32, #tpu.memory_space<vmem>>, vector<1x1024xf32>
    %max3A_630 = arith.maximumf %get3A_629, %convert_element_type3A_626 : vector<1x1024xf32>
    %get3A_631 = arith.constant 0 : index
    %get3A_632 = arith.constant 0 : index
    %get3A_633 = vector.load %arg6[%get3A_631, %get3A_632] : memref<1x1024xf32, #tpu.memory_space<vmem>>, vector<1x1024xf32>
    %sub3A_634 = arith.subf %get3A_629, %max3A_630 : vector<1x1024xf32>
    %exp23A_635 = math.exp2 %sub3A_634 : vector<1x1024xf32>
    %mul3A_636 = arith.mulf %get3A_633, %exp23A_635 : vector<1x1024xf32>
    %sub3A_637 = arith.subf %convert_element_type3A_626, %max3A_630 : vector<1x1024xf32>
    %exp23A_638 = math.exp2 %sub3A_637 : vector<1x1024xf32>
    %mul3A_639 = arith.mulf %convert_element_type3A_625, %exp23A_638 : vector<1x1024xf32>
    %add3A_640 = arith.addf %mul3A_636, %mul3A_639 : vector<1x1024xf32>
    %swap3A_641 = arith.constant 0 : index
    %swap3A_642 = arith.constant 0 : index
    %swap3A_643 = vector.load %arg6[%swap3A_641, %swap3A_642] : memref<1x1024xf32, #tpu.memory_space<vmem>>, vector<1x1024xf32>
    tpu.vector_store %arg6[%swap3A_641, %swap3A_642], %add3A_640 {strides = array<i32>} : memref<1x1024xf32, #tpu.memory_space<vmem>>, vector<1x1024xf32>,
    %swap3A_644 = arith.constant 0 : index
    %swap3A_645 = arith.constant 0 : index
    %swap3A_646 = vector.load %arg5[%swap3A_644, %swap3A_645] : memref<1x1024xf32, #tpu.memory_space<vmem>>, vector<1x1024xf32>
    tpu.vector_store %arg5[%swap3A_644, %swap3A_645], %max3A_630 {strides = array<i32>} : memref<1x1024xf32, #tpu.memory_space<vmem>>, vector<1x1024xf32>,
    %get3A_647 = arith.constant 4096 : index
    %get3A_648 = arith.constant 0 : index
    %get3A_649 = vector.load %arg2[%get3A_647, %get3A_648] : memref<16384x128xf32, #tpu.memory_space<vmem>>, vector<256x128xf32>
    %convert_element_type3A_650 = arith.truncf %get3A_649 : vector<256x128xf32> to vector<256x128xbf16>
    %get3A_651 = arith.constant 0 : index
    %get3A_652 = arith.constant 0 : index
    %get3A_653 = vector.load %arg1[%get3A_651, %get3A_652] : memref<128x1024xbf16, #tpu.memory_space<vmem>>, vector<128x1024xbf16>
    %dot_general3A_654 = arith.constant dense<0.000000e+00> : vector<256x1024xf32>
    %dot_general3A_655 = tpu.matmul %convert_element_type3A_650, %get3A_653, %dot_general3A_654 {dimension_numbers = #tpu.dot_dimension_numbers<[1], [0], [0], [1], [0, 0, 1, 1], [], []>, transpose_lhs_hint = false} : vector<256x128xbf16>, vector<128x1024xbf16>, vector<256x1024xf32> -> vector<256x1024xf32>
    %convert_element_type3A_656 = arith.truncf %dot_general3A_655 : vector<256x1024xf32> to vector<256x1024xbf16>
    %reduce_max3A_657 = arith.constant dense<0xFF80> : vector<1024xbf16>
    %reduce_max3A_658 = vector.multi_reduction <maximumf>, %convert_element_type3A_656, %reduce_max3A_657 [0] : vector<256x1024xbf16> to vector<1024xbf16>
    %broadcast_in_dim3A_659 = vector.shape_cast %reduce_max3A_658 : vector<1024xbf16> to vector<1x1024xbf16>
    %sub3A_660 = vector.broadcast %broadcast_in_dim3A_659 : vector<1x1024xbf16> to vector<256x1024xbf16>
    %sub3A_661 = arith.subf %convert_element_type3A_656, %sub3A_660 : vector<256x1024xbf16>
    %exp23A_662 = math.exp2 %sub3A_661 : vector<256x1024xbf16>
    %reduce_sum3A_663 = arith.constant dense<0.000000e+00> : vector<1024xbf16>
    %reduce_sum3A_664 = vector.multi_reduction <add>, %exp23A_662, %reduce_sum3A_663 [0] : vector<256x1024xbf16> to vector<1024xbf16>
    %broadcast_in_dim3A_665 = vector.shape_cast %reduce_sum3A_664 : vector<1024xbf16> to vector<1x1024xbf16>
    %convert_element_type3A_666 = arith.extf %broadcast_in_dim3A_665 : vector<1x1024xbf16> to vector<1x1024xf32>
    %convert_element_type3A_667 = arith.extf %broadcast_in_dim3A_659 : vector<1x1024xbf16> to vector<1x1024xf32>
    %get3A_668 = arith.constant 0 : index
    %get3A_669 = arith.constant 0 : index
    %get3A_670 = vector.load %arg5[%get3A_668, %get3A_669] : memref<1x1024xf32, #tpu.memory_space<vmem>>, vector<1x1024xf32>
    %max3A_671 = arith.maximumf %get3A_670, %convert_element_type3A_667 : vector<1x1024xf32>
    %get3A_672 = arith.constant 0 : index
    %get3A_673 = arith.constant 0 : index
    %get3A_674 = vector.load %arg6[%get3A_672, %get3A_673] : memref<1x1024xf32, #tpu.memory_space<vmem>>, vector<1x1024xf32>
    %sub3A_675 = arith.subf %get3A_670, %max3A_671 : vector<1x1024xf32>
    %exp23A_676 = math.exp2 %sub3A_675 : vector<1x1024xf32>
    %mul3A_677 = arith.mulf %get3A_674, %exp23A_676 : vector<1x1024xf32>
    %sub3A_678 = arith.subf %convert_element_type3A_667, %max3A_671 : vector<1x1024xf32>
    %exp23A_679 = math.exp2 %sub3A_678 : vector<1x1024xf32>
    %mul3A_680 = arith.mulf %convert_element_type3A_666, %exp23A_679 : vector<1x1024xf32>
    %add3A_681 = arith.addf %mul3A_677, %mul3A_680 : vector<1x1024xf32>
    %swap3A_682 = arith.constant 0 : index
    %swap3A_683 = arith.constant 0 : index
    %swap3A_684 = vector.load %arg6[%swap3A_682, %swap3A_683] : memref<1x1024xf32, #tpu.memory_space<vmem>>, vector<1x1024xf32>
    tpu.vector_store %arg6[%swap3A_682, %swap3A_683], %add3A_681 {strides = array<i32>} : memref<1x1024xf32, #tpu.memory_space<vmem>>, vector<1x1024xf32>,
    %swap3A_685 = arith.constant 0 : index
    %swap3A_686 = arith.constant 0 : index
    %swap3A_687 = vector.load %arg5[%swap3A_685, %swap3A_686] : memref<1x1024xf32, #tpu.memory_space<vmem>>, vector<1x1024xf32>
    tpu.vector_store %arg5[%swap3A_685, %swap3A_686], %max3A_671 {strides = array<i32>} : memref<1x1024xf32, #tpu.memory_space<vmem>>, vector<1x1024xf32>,
    %get3A_688 = arith.constant 4352 : index
    %get3A_689 = arith.constant 0 : index
    %get3A_690 = vector.load %arg2[%get3A_688, %get3A_689] : memref<16384x128xf32, #tpu.memory_space<vmem>>, vector<256x128xf32>
    %convert_element_type3A_691 = arith.truncf %get3A_690 : vector<256x128xf32> to vector<256x128xbf16>
    %get3A_692 = arith.constant 0 : index
    %get3A_693 = arith.constant 0 : index
    %get3A_694 = vector.load %arg1[%get3A_692, %get3A_693] : memref<128x1024xbf16, #tpu.memory_space<vmem>>, vector<128x1024xbf16>
    %dot_general3A_695 = arith.constant dense<0.000000e+00> : vector<256x1024xf32>
    %dot_general3A_696 = tpu.matmul %convert_element_type3A_691, %get3A_694, %dot_general3A_695 {dimension_numbers = #tpu.dot_dimension_numbers<[1], [0], [0], [1], [0, 0, 1, 1], [], []>, transpose_lhs_hint = false} : vector<256x128xbf16>, vector<128x1024xbf16>, vector<256x1024xf32> -> vector<256x1024xf32>
    %convert_element_type3A_697 = arith.truncf %dot_general3A_696 : vector<256x1024xf32> to vector<256x1024xbf16>
    %reduce_max3A_698 = arith.constant dense<0xFF80> : vector<1024xbf16>
    %reduce_max3A_699 = vector.multi_reduction <maximumf>, %convert_element_type3A_697, %reduce_max3A_698 [0] : vector<256x1024xbf16> to vector<1024xbf16>
    %broadcast_in_dim3A_700 = vector.shape_cast %reduce_max3A_699 : vector<1024xbf16> to vector<1x1024xbf16>
    %sub3A_701 = vector.broadcast %broadcast_in_dim3A_700 : vector<1x1024xbf16> to vector<256x1024xbf16>
    %sub3A_702 = arith.subf %convert_element_type3A_697, %sub3A_701 : vector<256x1024xbf16>
    %exp23A_703 = math.exp2 %sub3A_702 : vector<256x1024xbf16>
    %reduce_sum3A_704 = arith.constant dense<0.000000e+00> : vector<1024xbf16>
    %reduce_sum3A_705 = vector.multi_reduction <add>, %exp23A_703, %reduce_sum3A_704 [0] : vector<256x1024xbf16> to vector<1024xbf16>
    %broadcast_in_dim3A_706 = vector.shape_cast %reduce_sum3A_705 : vector<1024xbf16> to vector<1x1024xbf16>
    %convert_element_type3A_707 = arith.extf %broadcast_in_dim3A_706 : vector<1x1024xbf16> to vector<1x1024xf32>
    %convert_element_type3A_708 = arith.extf %broadcast_in_dim3A_700 : vector<1x1024xbf16> to vector<1x1024xf32>
    %get3A_709 = arith.constant 0 : index
    %get3A_710 = arith.constant 0 : index
    %get3A_711 = vector.load %arg5[%get3A_709, %get3A_710] : memref<1x1024xf32, #tpu.memory_space<vmem>>, vector<1x1024xf32>
    %max3A_712 = arith.maximumf %get3A_711, %convert_element_type3A_708 : vector<1x1024xf32>
    %get3A_713 = arith.constant 0 : index
    %get3A_714 = arith.constant 0 : index
    %get3A_715 = vector.load %arg6[%get3A_713, %get3A_714] : memref<1x1024xf32, #tpu.memory_space<vmem>>, vector<1x1024xf32>
    %sub3A_716 = arith.subf %get3A_711, %max3A_712 : vector<1x1024xf32>
    %exp23A_717 = math.exp2 %sub3A_716 : vector<1x1024xf32>
    %mul3A_718 = arith.mulf %get3A_715, %exp23A_717 : vector<1x1024xf32>
    %sub3A_719 = arith.subf %convert_element_type3A_708, %max3A_712 : vector<1x1024xf32>
    %exp23A_720 = math.exp2 %sub3A_719 : vector<1x1024xf32>
    %mul3A_721 = arith.mulf %convert_element_type3A_707, %exp23A_720 : vector<1x1024xf32>
    %add3A_722 = arith.addf %mul3A_718, %mul3A_721 : vector<1x1024xf32>
    %swap3A_723 = arith.constant 0 : index
    %swap3A_724 = arith.constant 0 : index
    %swap3A_725 = vector.load %arg6[%swap3A_723, %swap3A_724] : memref<1x1024xf32, #tpu.memory_space<vmem>>, vector<1x1024xf32>
    tpu.vector_store %arg6[%swap3A_723, %swap3A_724], %add3A_722 {strides = array<i32>} : memref<1x1024xf32, #tpu.memory_space<vmem>>, vector<1x1024xf32>,
    %swap3A_726 = arith.constant 0 : index
    %swap3A_727 = arith.constant 0 : index
    %swap3A_728 = vector.load %arg5[%swap3A_726, %swap3A_727] : memref<1x1024xf32, #tpu.memory_space<vmem>>, vector<1x1024xf32>
    tpu.vector_store %arg5[%swap3A_726, %swap3A_727], %max3A_712 {strides = array<i32>} : memref<1x1024xf32, #tpu.memory_space<vmem>>, vector<1x1024xf32>,
    %get3A_729 = arith.constant 4608 : index
    %get3A_730 = arith.constant 0 : index
    %get3A_731 = vector.load %arg2[%get3A_729, %get3A_730] : memref<16384x128xf32, #tpu.memory_space<vmem>>, vector<256x128xf32>
    %convert_element_type3A_732 = arith.truncf %get3A_731 : vector<256x128xf32> to vector<256x128xbf16>
    %get3A_733 = arith.constant 0 : index
    %get3A_734 = arith.constant 0 : index
    %get3A_735 = vector.load %arg1[%get3A_733, %get3A_734] : memref<128x1024xbf16, #tpu.memory_space<vmem>>, vector<128x1024xbf16>
    %dot_general3A_736 = arith.constant dense<0.000000e+00> : vector<256x1024xf32>
    %dot_general3A_737 = tpu.matmul %convert_element_type3A_732, %get3A_735, %dot_general3A_736 {dimension_numbers = #tpu.dot_dimension_numbers<[1], [0], [0], [1], [0, 0, 1, 1], [], []>, transpose_lhs_hint = false} : vector<256x128xbf16>, vector<128x1024xbf16>, vector<256x1024xf32> -> vector<256x1024xf32>
    %convert_element_type3A_738 = arith.truncf %dot_general3A_737 : vector<256x1024xf32> to vector<256x1024xbf16>
    %reduce_max3A_739 = arith.constant dense<0xFF80> : vector<1024xbf16>
    %reduce_max3A_740 = vector.multi_reduction <maximumf>, %convert_element_type3A_738, %reduce_max3A_739 [0] : vector<256x1024xbf16> to vector<1024xbf16>
    %broadcast_in_dim3A_741 = vector.shape_cast %reduce_max3A_740 : vector<1024xbf16> to vector<1x1024xbf16>
    %sub3A_742 = vector.broadcast %broadcast_in_dim3A_741 : vector<1x1024xbf16> to vector<256x1024xbf16>
    %sub3A_743 = arith.subf %convert_element_type3A_738, %sub3A_742 : vector<256x1024xbf16>
    %exp23A_744 = math.exp2 %sub3A_743 : vector<256x1024xbf16>
    %reduce_sum3A_745 = arith.constant dense<0.000000e+00> : vector<1024xbf16>
    %reduce_sum3A_746 = vector.multi_reduction <add>, %exp23A_744, %reduce_sum3A_745 [0] : vector<256x1024xbf16> to vector<1024xbf16>
    %broadcast_in_dim3A_747 = vector.shape_cast %reduce_sum3A_746 : vector<1024xbf16> to vector<1x1024xbf16>
    %convert_element_type3A_748 = arith.extf %broadcast_in_dim3A_747 : vector<1x1024xbf16> to vector<1x1024xf32>
    %convert_element_type3A_749 = arith.extf %broadcast_in_dim3A_741 : vector<1x1024xbf16> to vector<1x1024xf32>
    %get3A_750 = arith.constant 0 : index
    %get3A_751 = arith.constant 0 : index
    %get3A_752 = vector.load %arg5[%get3A_750, %get3A_751] : memref<1x1024xf32, #tpu.memory_space<vmem>>, vector<1x1024xf32>
    %max3A_753 = arith.maximumf %get3A_752, %convert_element_type3A_749 : vector<1x1024xf32>
    %get3A_754 = arith.constant 0 : index
    %get3A_755 = arith.constant 0 : index
    %get3A_756 = vector.load %arg6[%get3A_754, %get3A_755] : memref<1x1024xf32, #tpu.memory_space<vmem>>, vector<1x1024xf32>
    %sub3A_757 = arith.subf %get3A_752, %max3A_753 : vector<1x1024xf32>
    %exp23A_758 = math.exp2 %sub3A_757 : vector<1x1024xf32>
    %mul3A_759 = arith.mulf %get3A_756, %exp23A_758 : vector<1x1024xf32>
    %sub3A_760 = arith.subf %convert_element_type3A_749, %max3A_753 : vector<1x1024xf32>
    %exp23A_761 = math.exp2 %sub3A_760 : vector<1x1024xf32>
    %mul3A_762 = arith.mulf %convert_element_type3A_748, %exp23A_761 : vector<1x1024xf32>
    %add3A_763 = arith.addf %mul3A_759, %mul3A_762 : vector<1x1024xf32>
    %swap3A_764 = arith.constant 0 : index
    %swap3A_765 = arith.constant 0 : index
    %swap3A_766 = vector.load %arg6[%swap3A_764, %swap3A_765] : memref<1x1024xf32, #tpu.memory_space<vmem>>, vector<1x1024xf32>
    tpu.vector_store %arg6[%swap3A_764, %swap3A_765], %add3A_763 {strides = array<i32>} : memref<1x1024xf32, #tpu.memory_space<vmem>>, vector<1x1024xf32>,
    %swap3A_767 = arith.constant 0 : index
    %swap3A_768 = arith.constant 0 : index
    %swap3A_769 = vector.load %arg5[%swap3A_767, %swap3A_768] : memref<1x1024xf32, #tpu.memory_space<vmem>>, vector<1x1024xf32>
    tpu.vector_store %arg5[%swap3A_767, %swap3A_768], %max3A_753 {strides = array<i32>} : memref<1x1024xf32, #tpu.memory_space<vmem>>, vector<1x1024xf32>,
    %get3A_770 = arith.constant 4864 : index
    %get3A_771 = arith.constant 0 : index
    %get3A_772 = vector.load %arg2[%get3A_770, %get3A_771] : memref<16384x128xf32, #tpu.memory_space<vmem>>, vector<256x128xf32>
    %convert_element_type3A_773 = arith.truncf %get3A_772 : vector<256x128xf32> to vector<256x128xbf16>
    %get3A_774 = arith.constant 0 : index
    %get3A_775 = arith.constant 0 : index
    %get3A_776 = vector.load %arg1[%get3A_774, %get3A_775] : memref<128x1024xbf16, #tpu.memory_space<vmem>>, vector<128x1024xbf16>
    %dot_general3A_777 = arith.constant dense<0.000000e+00> : vector<256x1024xf32>
    %dot_general3A_778 = tpu.matmul %convert_element_type3A_773, %get3A_776, %dot_general3A_777 {dimension_numbers = #tpu.dot_dimension_numbers<[1], [0], [0], [1], [0, 0, 1, 1], [], []>, transpose_lhs_hint = false} : vector<256x128xbf16>, vector<128x1024xbf16>, vector<256x1024xf32> -> vector<256x1024xf32>
    %convert_element_type3A_779 = arith.truncf %dot_general3A_778 : vector<256x1024xf32> to vector<256x1024xbf16>
    %reduce_max3A_780 = arith.constant dense<0xFF80> : vector<1024xbf16>
    %reduce_max3A_781 = vector.multi_reduction <maximumf>, %convert_element_type3A_779, %reduce_max3A_780 [0] : vector<256x1024xbf16> to vector<1024xbf16>
    %broadcast_in_dim3A_782 = vector.shape_cast %reduce_max3A_781 : vector<1024xbf16> to vector<1x1024xbf16>
    %sub3A_783 = vector.broadcast %broadcast_in_dim3A_782 : vector<1x1024xbf16> to vector<256x1024xbf16>
    %sub3A_784 = arith.subf %convert_element_type3A_779, %sub3A_783 : vector<256x1024xbf16>
    %exp23A_785 = math.exp2 %sub3A_784 : vector<256x1024xbf16>
    %reduce_sum3A_786 = arith.constant dense<0.000000e+00> : vector<1024xbf16>
    %reduce_sum3A_787 = vector.multi_reduction <add>, %exp23A_785, %reduce_sum3A_786 [0] : vector<256x1024xbf16> to vector<1024xbf16>
    %broadcast_in_dim3A_788 = vector.shape_cast %reduce_sum3A_787 : vector<1024xbf16> to vector<1x1024xbf16>
    %convert_element_type3A_789 = arith.extf %broadcast_in_dim3A_788 : vector<1x1024xbf16> to vector<1x1024xf32>
    %convert_element_type3A_790 = arith.extf %broadcast_in_dim3A_782 : vector<1x1024xbf16> to vector<1x1024xf32>
    %get3A_791 = arith.constant 0 : index
    %get3A_792 = arith.constant 0 : index
    %get3A_793 = vector.load %arg5[%get3A_791, %get3A_792] : memref<1x1024xf32, #tpu.memory_space<vmem>>, vector<1x1024xf32>
    %max3A_794 = arith.maximumf %get3A_793, %convert_element_type3A_790 : vector<1x1024xf32>
    %get3A_795 = arith.constant 0 : index
    %get3A_796 = arith.constant 0 : index
    %get3A_797 = vector.load %arg6[%get3A_795, %get3A_796] : memref<1x1024xf32, #tpu.memory_space<vmem>>, vector<1x1024xf32>
    %sub3A_798 = arith.subf %get3A_793, %max3A_794 : vector<1x1024xf32>
    %exp23A_799 = math.exp2 %sub3A_798 : vector<1x1024xf32>
    %mul3A_800 = arith.mulf %get3A_797, %exp23A_799 : vector<1x1024xf32>
    %sub3A_801 = arith.subf %convert_element_type3A_790, %max3A_794 : vector<1x1024xf32>
    %exp23A_802 = math.exp2 %sub3A_801 : vector<1x1024xf32>
    %mul3A_803 = arith.mulf %convert_element_type3A_789, %exp23A_802 : vector<1x1024xf32>
    %add3A_804 = arith.addf %mul3A_800, %mul3A_803 : vector<1x1024xf32>
    %swap3A_805 = arith.constant 0 : index
    %swap3A_806 = arith.constant 0 : index
    %swap3A_807 = vector.load %arg6[%swap3A_805, %swap3A_806] : memref<1x1024xf32, #tpu.memory_space<vmem>>, vector<1x1024xf32>
    tpu.vector_store %arg6[%swap3A_805, %swap3A_806], %add3A_804 {strides = array<i32>} : memref<1x1024xf32, #tpu.memory_space<vmem>>, vector<1x1024xf32>,
    %swap3A_808 = arith.constant 0 : index
    %swap3A_809 = arith.constant 0 : index
    %swap3A_810 = vector.load %arg5[%swap3A_808, %swap3A_809] : memref<1x1024xf32, #tpu.memory_space<vmem>>, vector<1x1024xf32>
    tpu.vector_store %arg5[%swap3A_808, %swap3A_809], %max3A_794 {strides = array<i32>} : memref<1x1024xf32, #tpu.memory_space<vmem>>, vector<1x1024xf32>,
    %get3A_811 = arith.constant 5120 : index
    %get3A_812 = arith.constant 0 : index
    %get3A_813 = vector.load %arg2[%get3A_811, %get3A_812] : memref<16384x128xf32, #tpu.memory_space<vmem>>, vector<256x128xf32>
    %convert_element_type3A_814 = arith.truncf %get3A_813 : vector<256x128xf32> to vector<256x128xbf16>
    %get3A_815 = arith.constant 0 : index
    %get3A_816 = arith.constant 0 : index
    %get3A_817 = vector.load %arg1[%get3A_815, %get3A_816] : memref<128x1024xbf16, #tpu.memory_space<vmem>>, vector<128x1024xbf16>
    %dot_general3A_818 = arith.constant dense<0.000000e+00> : vector<256x1024xf32>
    %dot_general3A_819 = tpu.matmul %convert_element_type3A_814, %get3A_817, %dot_general3A_818 {dimension_numbers = #tpu.dot_dimension_numbers<[1], [0], [0], [1], [0, 0, 1, 1], [], []>, transpose_lhs_hint = false} : vector<256x128xbf16>, vector<128x1024xbf16>, vector<256x1024xf32> -> vector<256x1024xf32>
    %convert_element_type3A_820 = arith.truncf %dot_general3A_819 : vector<256x1024xf32> to vector<256x1024xbf16>
    %reduce_max3A_821 = arith.constant dense<0xFF80> : vector<1024xbf16>
    %reduce_max3A_822 = vector.multi_reduction <maximumf>, %convert_element_type3A_820, %reduce_max3A_821 [0] : vector<256x1024xbf16> to vector<1024xbf16>
    %broadcast_in_dim3A_823 = vector.shape_cast %reduce_max3A_822 : vector<1024xbf16> to vector<1x1024xbf16>
    %sub3A_824 = vector.broadcast %broadcast_in_dim3A_823 : vector<1x1024xbf16> to vector<256x1024xbf16>
    %sub3A_825 = arith.subf %convert_element_type3A_820, %sub3A_824 : vector<256x1024xbf16>
    %exp23A_826 = math.exp2 %sub3A_825 : vector<256x1024xbf16>
    %reduce_sum3A_827 = arith.constant dense<0.000000e+00> : vector<1024xbf16>
    %reduce_sum3A_828 = vector.multi_reduction <add>, %exp23A_826, %reduce_sum3A_827 [0] : vector<256x1024xbf16> to vector<1024xbf16>
    %broadcast_in_dim3A_829 = vector.shape_cast %reduce_sum3A_828 : vector<1024xbf16> to vector<1x1024xbf16>
    %convert_element_type3A_830 = arith.extf %broadcast_in_dim3A_829 : vector<1x1024xbf16> to vector<1x1024xf32>
    %convert_element_type3A_831 = arith.extf %broadcast_in_dim3A_823 : vector<1x1024xbf16> to vector<1x1024xf32>
    %get3A_832 = arith.constant 0 : index
    %get3A_833 = arith.constant 0 : index
    %get3A_834 = vector.load %arg5[%get3A_832, %get3A_833] : memref<1x1024xf32, #tpu.memory_space<vmem>>, vector<1x1024xf32>
    %max3A_835 = arith.maximumf %get3A_834, %convert_element_type3A_831 : vector<1x1024xf32>
    %get3A_836 = arith.constant 0 : index
    %get3A_837 = arith.constant 0 : index
    %get3A_838 = vector.load %arg6[%get3A_836, %get3A_837] : memref<1x1024xf32, #tpu.memory_space<vmem>>, vector<1x1024xf32>
    %sub3A_839 = arith.subf %get3A_834, %max3A_835 : vector<1x1024xf32>
    %exp23A_840 = math.exp2 %sub3A_839 : vector<1x1024xf32>
    %mul3A_841 = arith.mulf %get3A_838, %exp23A_840 : vector<1x1024xf32>
    %sub3A_842 = arith.subf %convert_element_type3A_831, %max3A_835 : vector<1x1024xf32>
    %exp23A_843 = math.exp2 %sub3A_842 : vector<1x1024xf32>
    %mul3A_844 = arith.mulf %convert_element_type3A_830, %exp23A_843 : vector<1x1024xf32>
    %add3A_845 = arith.addf %mul3A_841, %mul3A_844 : vector<1x1024xf32>
    %swap3A_846 = arith.constant 0 : index
    %swap3A_847 = arith.constant 0 : index
    %swap3A_848 = vector.load %arg6[%swap3A_846, %swap3A_847] : memref<1x1024xf32, #tpu.memory_space<vmem>>, vector<1x1024xf32>
    tpu.vector_store %arg6[%swap3A_846, %swap3A_847], %add3A_845 {strides = array<i32>} : memref<1x1024xf32, #tpu.memory_space<vmem>>, vector<1x1024xf32>,
    %swap3A_849 = arith.constant 0 : index
    %swap3A_850 = arith.constant 0 : index
    %swap3A_851 = vector.load %arg5[%swap3A_849, %swap3A_850] : memref<1x1024xf32, #tpu.memory_space<vmem>>, vector<1x1024xf32>
    tpu.vector_store %arg5[%swap3A_849, %swap3A_850], %max3A_835 {strides = array<i32>} : memref<1x1024xf32, #tpu.memory_space<vmem>>, vector<1x1024xf32>,
    %get3A_852 = arith.constant 5376 : index
    %get3A_853 = arith.constant 0 : index
    %get3A_854 = vector.load %arg2[%get3A_852, %get3A_853] : memref<16384x128xf32, #tpu.memory_space<vmem>>, vector<256x128xf32>
    %convert_element_type3A_855 = arith.truncf %get3A_854 : vector<256x128xf32> to vector<256x128xbf16>
    %get3A_856 = arith.constant 0 : index
    %get3A_857 = arith.constant 0 : index
    %get3A_858 = vector.load %arg1[%get3A_856, %get3A_857] : memref<128x1024xbf16, #tpu.memory_space<vmem>>, vector<128x1024xbf16>
    %dot_general3A_859 = arith.constant dense<0.000000e+00> : vector<256x1024xf32>
    %dot_general3A_860 = tpu.matmul %convert_element_type3A_855, %get3A_858, %dot_general3A_859 {dimension_numbers = #tpu.dot_dimension_numbers<[1], [0], [0], [1], [0, 0, 1, 1], [], []>, transpose_lhs_hint = false} : vector<256x128xbf16>, vector<128x1024xbf16>, vector<256x1024xf32> -> vector<256x1024xf32>
    %convert_element_type3A_861 = arith.truncf %dot_general3A_860 : vector<256x1024xf32> to vector<256x1024xbf16>
    %reduce_max3A_862 = arith.constant dense<0xFF80> : vector<1024xbf16>
    %reduce_max3A_863 = vector.multi_reduction <maximumf>, %convert_element_type3A_861, %reduce_max3A_862 [0] : vector<256x1024xbf16> to vector<1024xbf16>
    %broadcast_in_dim3A_864 = vector.shape_cast %reduce_max3A_863 : vector<1024xbf16> to vector<1x1024xbf16>
    %sub3A_865 = vector.broadcast %broadcast_in_dim3A_864 : vector<1x1024xbf16> to vector<256x1024xbf16>
    %sub3A_866 = arith.subf %convert_element_type3A_861, %sub3A_865 : vector<256x1024xbf16>
    %exp23A_867 = math.exp2 %sub3A_866 : vector<256x1024xbf16>
    %reduce_sum3A_868 = arith.constant dense<0.000000e+00> : vector<1024xbf16>
    %reduce_sum3A_869 = vector.multi_reduction <add>, %exp23A_867, %reduce_sum3A_868 [0] : vector<256x1024xbf16> to vector<1024xbf16>
    %broadcast_in_dim3A_870 = vector.shape_cast %reduce_sum3A_869 : vector<1024xbf16> to vector<1x1024xbf16>
    %convert_element_type3A_871 = arith.extf %broadcast_in_dim3A_870 : vector<1x1024xbf16> to vector<1x1024xf32>
    %convert_element_type3A_872 = arith.extf %broadcast_in_dim3A_864 : vector<1x1024xbf16> to vector<1x1024xf32>
    %get3A_873 = arith.constant 0 : index
    %get3A_874 = arith.constant 0 : index
    %get3A_875 = vector.load %arg5[%get3A_873, %get3A_874] : memref<1x1024xf32, #tpu.memory_space<vmem>>, vector<1x1024xf32>
    %max3A_876 = arith.maximumf %get3A_875, %convert_element_type3A_872 : vector<1x1024xf32>
    %get3A_877 = arith.constant 0 : index
    %get3A_878 = arith.constant 0 : index
    %get3A_879 = vector.load %arg6[%get3A_877, %get3A_878] : memref<1x1024xf32, #tpu.memory_space<vmem>>, vector<1x1024xf32>
    %sub3A_880 = arith.subf %get3A_875, %max3A_876 : vector<1x1024xf32>
    %exp23A_881 = math.exp2 %sub3A_880 : vector<1x1024xf32>
    %mul3A_882 = arith.mulf %get3A_879, %exp23A_881 : vector<1x1024xf32>
    %sub3A_883 = arith.subf %convert_element_type3A_872, %max3A_876 : vector<1x1024xf32>
    %exp23A_884 = math.exp2 %sub3A_883 : vector<1x1024xf32>
    %mul3A_885 = arith.mulf %convert_element_type3A_871, %exp23A_884 : vector<1x1024xf32>
    %add3A_886 = arith.addf %mul3A_882, %mul3A_885 : vector<1x1024xf32>
    %swap3A_887 = arith.constant 0 : index
    %swap3A_888 = arith.constant 0 : index
    %swap3A_889 = vector.load %arg6[%swap3A_887, %swap3A_888] : memref<1x1024xf32, #tpu.memory_space<vmem>>, vector<1x1024xf32>
    tpu.vector_store %arg6[%swap3A_887, %swap3A_888], %add3A_886 {strides = array<i32>} : memref<1x1024xf32, #tpu.memory_space<vmem>>, vector<1x1024xf32>,
    %swap3A_890 = arith.constant 0 : index
    %swap3A_891 = arith.constant 0 : index
    %swap3A_892 = vector.load %arg5[%swap3A_890, %swap3A_891] : memref<1x1024xf32, #tpu.memory_space<vmem>>, vector<1x1024xf32>
    tpu.vector_store %arg5[%swap3A_890, %swap3A_891], %max3A_876 {strides = array<i32>} : memref<1x1024xf32, #tpu.memory_space<vmem>>, vector<1x1024xf32>,
    %get3A_893 = arith.constant 5632 : index
    %get3A_894 = arith.constant 0 : index
    %get3A_895 = vector.load %arg2[%get3A_893, %get3A_894] : memref<16384x128xf32, #tpu.memory_space<vmem>>, vector<256x128xf32>
    %convert_element_type3A_896 = arith.truncf %get3A_895 : vector<256x128xf32> to vector<256x128xbf16>
    %get3A_897 = arith.constant 0 : index
    %get3A_898 = arith.constant 0 : index
    %get3A_899 = vector.load %arg1[%get3A_897, %get3A_898] : memref<128x1024xbf16, #tpu.memory_space<vmem>>, vector<128x1024xbf16>
    %dot_general3A_900 = arith.constant dense<0.000000e+00> : vector<256x1024xf32>
    %dot_general3A_901 = tpu.matmul %convert_element_type3A_896, %get3A_899, %dot_general3A_900 {dimension_numbers = #tpu.dot_dimension_numbers<[1], [0], [0], [1], [0, 0, 1, 1], [], []>, transpose_lhs_hint = false} : vector<256x128xbf16>, vector<128x1024xbf16>, vector<256x1024xf32> -> vector<256x1024xf32>
    %convert_element_type3A_902 = arith.truncf %dot_general3A_901 : vector<256x1024xf32> to vector<256x1024xbf16>
    %reduce_max3A_903 = arith.constant dense<0xFF80> : vector<1024xbf16>
    %reduce_max3A_904 = vector.multi_reduction <maximumf>, %convert_element_type3A_902, %reduce_max3A_903 [0] : vector<256x1024xbf16> to vector<1024xbf16>
    %broadcast_in_dim3A_905 = vector.shape_cast %reduce_max3A_904 : vector<1024xbf16> to vector<1x1024xbf16>
    %sub3A_906 = vector.broadcast %broadcast_in_dim3A_905 : vector<1x1024xbf16> to vector<256x1024xbf16>
    %sub3A_907 = arith.subf %convert_element_type3A_902, %sub3A_906 : vector<256x1024xbf16>
    %exp23A_908 = math.exp2 %sub3A_907 : vector<256x1024xbf16>
    %reduce_sum3A_909 = arith.constant dense<0.000000e+00> : vector<1024xbf16>
    %reduce_sum3A_910 = vector.multi_reduction <add>, %exp23A_908, %reduce_sum3A_909 [0] : vector<256x1024xbf16> to vector<1024xbf16>
    %broadcast_in_dim3A_911 = vector.shape_cast %reduce_sum3A_910 : vector<1024xbf16> to vector<1x1024xbf16>
    %convert_element_type3A_912 = arith.extf %broadcast_in_dim3A_911 : vector<1x1024xbf16> to vector<1x1024xf32>
    %convert_element_type3A_913 = arith.extf %broadcast_in_dim3A_905 : vector<1x1024xbf16> to vector<1x1024xf32>
    %get3A_914 = arith.constant 0 : index
    %get3A_915 = arith.constant 0 : index
    %get3A_916 = vector.load %arg5[%get3A_914, %get3A_915] : memref<1x1024xf32, #tpu.memory_space<vmem>>, vector<1x1024xf32>
    %max3A_917 = arith.maximumf %get3A_916, %convert_element_type3A_913 : vector<1x1024xf32>
    %get3A_918 = arith.constant 0 : index
    %get3A_919 = arith.constant 0 : index
    %get3A_920 = vector.load %arg6[%get3A_918, %get3A_919] : memref<1x1024xf32, #tpu.memory_space<vmem>>, vector<1x1024xf32>
    %sub3A_921 = arith.subf %get3A_916, %max3A_917 : vector<1x1024xf32>
    %exp23A_922 = math.exp2 %sub3A_921 : vector<1x1024xf32>
    %mul3A_923 = arith.mulf %get3A_920, %exp23A_922 : vector<1x1024xf32>
    %sub3A_924 = arith.subf %convert_element_type3A_913, %max3A_917 : vector<1x1024xf32>
    %exp23A_925 = math.exp2 %sub3A_924 : vector<1x1024xf32>
    %mul3A_926 = arith.mulf %convert_element_type3A_912, %exp23A_925 : vector<1x1024xf32>
    %add3A_927 = arith.addf %mul3A_923, %mul3A_926 : vector<1x1024xf32>
    %swap3A_928 = arith.constant 0 : index
    %swap3A_929 = arith.constant 0 : index
    %swap3A_930 = vector.load %arg6[%swap3A_928, %swap3A_929] : memref<1x1024xf32, #tpu.memory_space<vmem>>, vector<1x1024xf32>
    tpu.vector_store %arg6[%swap3A_928, %swap3A_929], %add3A_927 {strides = array<i32>} : memref<1x1024xf32, #tpu.memory_space<vmem>>, vector<1x1024xf32>,
    %swap3A_931 = arith.constant 0 : index
    %swap3A_932 = arith.constant 0 : index
    %swap3A_933 = vector.load %arg5[%swap3A_931, %swap3A_932] : memref<1x1024xf32, #tpu.memory_space<vmem>>, vector<1x1024xf32>
    tpu.vector_store %arg5[%swap3A_931, %swap3A_932], %max3A_917 {strides = array<i32>} : memref<1x1024xf32, #tpu.memory_space<vmem>>, vector<1x1024xf32>,
    %get3A_934 = arith.constant 5888 : index
    %get3A_935 = arith.constant 0 : index
    %get3A_936 = vector.load %arg2[%get3A_934, %get3A_935] : memref<16384x128xf32, #tpu.memory_space<vmem>>, vector<256x128xf32>
    %convert_element_type3A_937 = arith.truncf %get3A_936 : vector<256x128xf32> to vector<256x128xbf16>
    %get3A_938 = arith.constant 0 : index
    %get3A_939 = arith.constant 0 : index
    %get3A_940 = vector.load %arg1[%get3A_938, %get3A_939] : memref<128x1024xbf16, #tpu.memory_space<vmem>>, vector<128x1024xbf16>
    %dot_general3A_941 = arith.constant dense<0.000000e+00> : vector<256x1024xf32>
    %dot_general3A_942 = tpu.matmul %convert_element_type3A_937, %get3A_940, %dot_general3A_941 {dimension_numbers = #tpu.dot_dimension_numbers<[1], [0], [0], [1], [0, 0, 1, 1], [], []>, transpose_lhs_hint = false} : vector<256x128xbf16>, vector<128x1024xbf16>, vector<256x1024xf32> -> vector<256x1024xf32>
    %convert_element_type3A_943 = arith.truncf %dot_general3A_942 : vector<256x1024xf32> to vector<256x1024xbf16>
    %reduce_max3A_944 = arith.constant dense<0xFF80> : vector<1024xbf16>
    %reduce_max3A_945 = vector.multi_reduction <maximumf>, %convert_element_type3A_943, %reduce_max3A_944 [0] : vector<256x1024xbf16> to vector<1024xbf16>
    %broadcast_in_dim3A_946 = vector.shape_cast %reduce_max3A_945 : vector<1024xbf16> to vector<1x1024xbf16>
    %sub3A_947 = vector.broadcast %broadcast_in_dim3A_946 : vector<1x1024xbf16> to vector<256x1024xbf16>
    %sub3A_948 = arith.subf %convert_element_type3A_943, %sub3A_947 : vector<256x1024xbf16>
    %exp23A_949 = math.exp2 %sub3A_948 : vector<256x1024xbf16>
    %reduce_sum3A_950 = arith.constant dense<0.000000e+00> : vector<1024xbf16>
    %reduce_sum3A_951 = vector.multi_reduction <add>, %exp23A_949, %reduce_sum3A_950 [0] : vector<256x1024xbf16> to vector<1024xbf16>
    %broadcast_in_dim3A_952 = vector.shape_cast %reduce_sum3A_951 : vector<1024xbf16> to vector<1x1024xbf16>
    %convert_element_type3A_953 = arith.extf %broadcast_in_dim3A_952 : vector<1x1024xbf16> to vector<1x1024xf32>
    %convert_element_type3A_954 = arith.extf %broadcast_in_dim3A_946 : vector<1x1024xbf16> to vector<1x1024xf32>
    %get3A_955 = arith.constant 0 : index
    %get3A_956 = arith.constant 0 : index
    %get3A_957 = vector.load %arg5[%get3A_955, %get3A_956] : memref<1x1024xf32, #tpu.memory_space<vmem>>, vector<1x1024xf32>
    %max3A_958 = arith.maximumf %get3A_957, %convert_element_type3A_954 : vector<1x1024xf32>
    %get3A_959 = arith.constant 0 : index
    %get3A_960 = arith.constant 0 : index
    %get3A_961 = vector.load %arg6[%get3A_959, %get3A_960] : memref<1x1024xf32, #tpu.memory_space<vmem>>, vector<1x1024xf32>
    %sub3A_962 = arith.subf %get3A_957, %max3A_958 : vector<1x1024xf32>
    %exp23A_963 = math.exp2 %sub3A_962 : vector<1x1024xf32>
    %mul3A_964 = arith.mulf %get3A_961, %exp23A_963 : vector<1x1024xf32>
    %sub3A_965 = arith.subf %convert_element_type3A_954, %max3A_958 : vector<1x1024xf32>
    %exp23A_966 = math.exp2 %sub3A_965 : vector<1x1024xf32>
    %mul3A_967 = arith.mulf %convert_element_type3A_953, %exp23A_966 : vector<1x1024xf32>
    %add3A_968 = arith.addf %mul3A_964, %mul3A_967 : vector<1x1024xf32>
    %swap3A_969 = arith.constant 0 : index
    %swap3A_970 = arith.constant 0 : index
    %swap3A_971 = vector.load %arg6[%swap3A_969, %swap3A_970] : memref<1x1024xf32, #tpu.memory_space<vmem>>, vector<1x1024xf32>
    tpu.vector_store %arg6[%swap3A_969, %swap3A_970], %add3A_968 {strides = array<i32>} : memref<1x1024xf32, #tpu.memory_space<vmem>>, vector<1x1024xf32>,
    %swap3A_972 = arith.constant 0 : index
    %swap3A_973 = arith.constant 0 : index
    %swap3A_974 = vector.load %arg5[%swap3A_972, %swap3A_973] : memref<1x1024xf32, #tpu.memory_space<vmem>>, vector<1x1024xf32>
    tpu.vector_store %arg5[%swap3A_972, %swap3A_973], %max3A_958 {strides = array<i32>} : memref<1x1024xf32, #tpu.memory_space<vmem>>, vector<1x1024xf32>,
    %get3A_975 = arith.constant 6144 : index
    %get3A_976 = arith.constant 0 : index
    %get3A_977 = vector.load %arg2[%get3A_975, %get3A_976] : memref<16384x128xf32, #tpu.memory_space<vmem>>, vector<256x128xf32>
    %convert_element_type3A_978 = arith.truncf %get3A_977 : vector<256x128xf32> to vector<256x128xbf16>
    %get3A_979 = arith.constant 0 : index
    %get3A_980 = arith.constant 0 : index
    %get3A_981 = vector.load %arg1[%get3A_979, %get3A_980] : memref<128x1024xbf16, #tpu.memory_space<vmem>>, vector<128x1024xbf16>
    %dot_general3A_982 = arith.constant dense<0.000000e+00> : vector<256x1024xf32>
    %dot_general3A_983 = tpu.matmul %convert_element_type3A_978, %get3A_981, %dot_general3A_982 {dimension_numbers = #tpu.dot_dimension_numbers<[1], [0], [0], [1], [0, 0, 1, 1], [], []>, transpose_lhs_hint = false} : vector<256x128xbf16>, vector<128x1024xbf16>, vector<256x1024xf32> -> vector<256x1024xf32>
    %convert_element_type3A_984 = arith.truncf %dot_general3A_983 : vector<256x1024xf32> to vector<256x1024xbf16>
    %reduce_max3A_985 = arith.constant dense<0xFF80> : vector<1024xbf16>
    %reduce_max3A_986 = vector.multi_reduction <maximumf>, %convert_element_type3A_984, %reduce_max3A_985 [0] : vector<256x1024xbf16> to vector<1024xbf16>
    %broadcast_in_dim3A_987 = vector.shape_cast %reduce_max3A_986 : vector<1024xbf16> to vector<1x1024xbf16>
    %sub3A_988 = vector.broadcast %broadcast_in_dim3A_987 : vector<1x1024xbf16> to vector<256x1024xbf16>
    %sub3A_989 = arith.subf %convert_element_type3A_984, %sub3A_988 : vector<256x1024xbf16>
    %exp23A_990 = math.exp2 %sub3A_989 : vector<256x1024xbf16>
    %reduce_sum3A_991 = arith.constant dense<0.000000e+00> : vector<1024xbf16>
    %reduce_sum3A_992 = vector.multi_reduction <add>, %exp23A_990, %reduce_sum3A_991 [0] : vector<256x1024xbf16> to vector<1024xbf16>
    %broadcast_in_dim3A_993 = vector.shape_cast %reduce_sum3A_992 : vector<1024xbf16> to vector<1x1024xbf16>
    %convert_element_type3A_994 = arith.extf %broadcast_in_dim3A_993 : vector<1x1024xbf16> to vector<1x1024xf32>
    %convert_element_type3A_995 = arith.extf %broadcast_in_dim3A_987 : vector<1x1024xbf16> to vector<1x1024xf32>
    %get3A_996 = arith.constant 0 : index
    %get3A_997 = arith.constant 0 : index
    %get3A_998 = vector.load %arg5[%get3A_996, %get3A_997] : memref<1x1024xf32, #tpu.memory_space<vmem>>, vector<1x1024xf32>
    %max3A_999 = arith.maximumf %get3A_998, %convert_element_type3A_995 : vector<1x1024xf32>
    %get3A_1000 = arith.constant 0 : index
    %get3A_1001 = arith.constant 0 : index
    %get3A_1002 = vector.load %arg6[%get3A_1000, %get3A_1001] : memref<1x1024xf32, #tpu.memory_space<vmem>>, vector<1x1024xf32>
    %sub3A_1003 = arith.subf %get3A_998, %max3A_999 : vector<1x1024xf32>
    %exp23A_1004 = math.exp2 %sub3A_1003 : vector<1x1024xf32>
    %mul3A_1005 = arith.mulf %get3A_1002, %exp23A_1004 : vector<1x1024xf32>
    %sub3A_1006 = arith.subf %convert_element_type3A_995, %max3A_999 : vector<1x1024xf32>
    %exp23A_1007 = math.exp2 %sub3A_1006 : vector<1x1024xf32>
    %mul3A_1008 = arith.mulf %convert_element_type3A_994, %exp23A_1007 : vector<1x1024xf32>
    %add3A_1009 = arith.addf %mul3A_1005, %mul3A_1008 : vector<1x1024xf32>
    %swap3A_1010 = arith.constant 0 : index
    %swap3A_1011 = arith.constant 0 : index
    %swap3A_1012 = vector.load %arg6[%swap3A_1010, %swap3A_1011] : memref<1x1024xf32, #tpu.memory_space<vmem>>, vector<1x1024xf32>
    tpu.vector_store %arg6[%swap3A_1010, %swap3A_1011], %add3A_1009 {strides = array<i32>} : memref<1x1024xf32, #tpu.memory_space<vmem>>, vector<1x1024xf32>,
    %swap3A_1013 = arith.constant 0 : index
    %swap3A_1014 = arith.constant 0 : index
    %swap3A_1015 = vector.load %arg5[%swap3A_1013, %swap3A_1014] : memref<1x1024xf32, #tpu.memory_space<vmem>>, vector<1x1024xf32>
    tpu.vector_store %arg5[%swap3A_1013, %swap3A_1014], %max3A_999 {strides = array<i32>} : memref<1x1024xf32, #tpu.memory_space<vmem>>, vector<1x1024xf32>,
    %get3A_1016 = arith.constant 6400 : index
    %get3A_1017 = arith.constant 0 : index
    %get3A_1018 = vector.load %arg2[%get3A_1016, %get3A_1017] : memref<16384x128xf32, #tpu.memory_space<vmem>>, vector<256x128xf32>
    %convert_element_type3A_1019 = arith.truncf %get3A_1018 : vector<256x128xf32> to vector<256x128xbf16>
    %get3A_1020 = arith.constant 0 : index
    %get3A_1021 = arith.constant 0 : index
    %get3A_1022 = vector.load %arg1[%get3A_1020, %get3A_1021] : memref<128x1024xbf16, #tpu.memory_space<vmem>>, vector<128x1024xbf16>
    %dot_general3A_1023 = arith.constant dense<0.000000e+00> : vector<256x1024xf32>
    %dot_general3A_1024 = tpu.matmul %convert_element_type3A_1019, %get3A_1022, %dot_general3A_1023 {dimension_numbers = #tpu.dot_dimension_numbers<[1], [0], [0], [1], [0, 0, 1, 1], [], []>, transpose_lhs_hint = false} : vector<256x128xbf16>, vector<128x1024xbf16>, vector<256x1024xf32> -> vector<256x1024xf32>
    %convert_element_type3A_1025 = arith.truncf %dot_general3A_1024 : vector<256x1024xf32> to vector<256x1024xbf16>
    %reduce_max3A_1026 = arith.constant dense<0xFF80> : vector<1024xbf16>
    %reduce_max3A_1027 = vector.multi_reduction <maximumf>, %convert_element_type3A_1025, %reduce_max3A_1026 [0] : vector<256x1024xbf16> to vector<1024xbf16>
    %broadcast_in_dim3A_1028 = vector.shape_cast %reduce_max3A_1027 : vector<1024xbf16> to vector<1x1024xbf16>
    %sub3A_1029 = vector.broadcast %broadcast_in_dim3A_1028 : vector<1x1024xbf16> to vector<256x1024xbf16>
    %sub3A_1030 = arith.subf %convert_element_type3A_1025, %sub3A_1029 : vector<256x1024xbf16>
    %exp23A_1031 = math.exp2 %sub3A_1030 : vector<256x1024xbf16>
    %reduce_sum3A_1032 = arith.constant dense<0.000000e+00> : vector<1024xbf16>
    %reduce_sum3A_1033 = vector.multi_reduction <add>, %exp23A_1031, %reduce_sum3A_1032 [0] : vector<256x1024xbf16> to vector<1024xbf16>
    %broadcast_in_dim3A_1034 = vector.shape_cast %reduce_sum3A_1033 : vector<1024xbf16> to vector<1x1024xbf16>
    %convert_element_type3A_1035 = arith.extf %broadcast_in_dim3A_1034 : vector<1x1024xbf16> to vector<1x1024xf32>
    %convert_element_type3A_1036 = arith.extf %broadcast_in_dim3A_1028 : vector<1x1024xbf16> to vector<1x1024xf32>
    %get3A_1037 = arith.constant 0 : index
    %get3A_1038 = arith.constant 0 : index
    %get3A_1039 = vector.load %arg5[%get3A_1037, %get3A_1038] : memref<1x1024xf32, #tpu.memory_space<vmem>>, vector<1x1024xf32>
    %max3A_1040 = arith.maximumf %get3A_1039, %convert_element_type3A_1036 : vector<1x1024xf32>
    %get3A_1041 = arith.constant 0 : index
    %get3A_1042 = arith.constant 0 : index
    %get3A_1043 = vector.load %arg6[%get3A_1041, %get3A_1042] : memref<1x1024xf32, #tpu.memory_space<vmem>>, vector<1x1024xf32>
    %sub3A_1044 = arith.subf %get3A_1039, %max3A_1040 : vector<1x1024xf32>
    %exp23A_1045 = math.exp2 %sub3A_1044 : vector<1x1024xf32>
    %mul3A_1046 = arith.mulf %get3A_1043, %exp23A_1045 : vector<1x1024xf32>
    %sub3A_1047 = arith.subf %convert_element_type3A_1036, %max3A_1040 : vector<1x1024xf32>
    %exp23A_1048 = math.exp2 %sub3A_1047 : vector<1x1024xf32>
    %mul3A_1049 = arith.mulf %convert_element_type3A_1035, %exp23A_1048 : vector<1x1024xf32>
    %add3A_1050 = arith.addf %mul3A_1046, %mul3A_1049 : vector<1x1024xf32>
    %swap3A_1051 = arith.constant 0 : index
    %swap3A_1052 = arith.constant 0 : index
    %swap3A_1053 = vector.load %arg6[%swap3A_1051, %swap3A_1052] : memref<1x1024xf32, #tpu.memory_space<vmem>>, vector<1x1024xf32>
    tpu.vector_store %arg6[%swap3A_1051, %swap3A_1052], %add3A_1050 {strides = array<i32>} : memref<1x1024xf32, #tpu.memory_space<vmem>>, vector<1x1024xf32>,
    %swap3A_1054 = arith.constant 0 : index
    %swap3A_1055 = arith.constant 0 : index
    %swap3A_1056 = vector.load %arg5[%swap3A_1054, %swap3A_1055] : memref<1x1024xf32, #tpu.memory_space<vmem>>, vector<1x1024xf32>
    tpu.vector_store %arg5[%swap3A_1054, %swap3A_1055], %max3A_1040 {strides = array<i32>} : memref<1x1024xf32, #tpu.memory_space<vmem>>, vector<1x1024xf32>,
    %get3A_1057 = arith.constant 6656 : index
    %get3A_1058 = arith.constant 0 : index
    %get3A_1059 = vector.load %arg2[%get3A_1057, %get3A_1058] : memref<16384x128xf32, #tpu.memory_space<vmem>>, vector<256x128xf32>
    %convert_element_type3A_1060 = arith.truncf %get3A_1059 : vector<256x128xf32> to vector<256x128xbf16>
    %get3A_1061 = arith.constant 0 : index
    %get3A_1062 = arith.constant 0 : index
    %get3A_1063 = vector.load %arg1[%get3A_1061, %get3A_1062] : memref<128x1024xbf16, #tpu.memory_space<vmem>>, vector<128x1024xbf16>
    %dot_general3A_1064 = arith.constant dense<0.000000e+00> : vector<256x1024xf32>
    %dot_general3A_1065 = tpu.matmul %convert_element_type3A_1060, %get3A_1063, %dot_general3A_1064 {dimension_numbers = #tpu.dot_dimension_numbers<[1], [0], [0], [1], [0, 0, 1, 1], [], []>, transpose_lhs_hint = false} : vector<256x128xbf16>, vector<128x1024xbf16>, vector<256x1024xf32> -> vector<256x1024xf32>
    %convert_element_type3A_1066 = arith.truncf %dot_general3A_1065 : vector<256x1024xf32> to vector<256x1024xbf16>
    %reduce_max3A_1067 = arith.constant dense<0xFF80> : vector<1024xbf16>
    %reduce_max3A_1068 = vector.multi_reduction <maximumf>, %convert_element_type3A_1066, %reduce_max3A_1067 [0] : vector<256x1024xbf16> to vector<1024xbf16>
    %broadcast_in_dim3A_1069 = vector.shape_cast %reduce_max3A_1068 : vector<1024xbf16> to vector<1x1024xbf16>
    %sub3A_1070 = vector.broadcast %broadcast_in_dim3A_1069 : vector<1x1024xbf16> to vector<256x1024xbf16>
    %sub3A_1071 = arith.subf %convert_element_type3A_1066, %sub3A_1070 : vector<256x1024xbf16>
    %exp23A_1072 = math.exp2 %sub3A_1071 : vector<256x1024xbf16>
    %reduce_sum3A_1073 = arith.constant dense<0.000000e+00> : vector<1024xbf16>
    %reduce_sum3A_1074 = vector.multi_reduction <add>, %exp23A_1072, %reduce_sum3A_1073 [0] : vector<256x1024xbf16> to vector<1024xbf16>
    %broadcast_in_dim3A_1075 = vector.shape_cast %reduce_sum3A_1074 : vector<1024xbf16> to vector<1x1024xbf16>
    %convert_element_type3A_1076 = arith.extf %broadcast_in_dim3A_1075 : vector<1x1024xbf16> to vector<1x1024xf32>
    %convert_element_type3A_1077 = arith.extf %broadcast_in_dim3A_1069 : vector<1x1024xbf16> to vector<1x1024xf32>
    %get3A_1078 = arith.constant 0 : index
    %get3A_1079 = arith.constant 0 : index
    %get3A_1080 = vector.load %arg5[%get3A_1078, %get3A_1079] : memref<1x1024xf32, #tpu.memory_space<vmem>>, vector<1x1024xf32>
    %max3A_1081 = arith.maximumf %get3A_1080, %convert_element_type3A_1077 : vector<1x1024xf32>
    %get3A_1082 = arith.constant 0 : index
    %get3A_1083 = arith.constant 0 : index
    %get3A_1084 = vector.load %arg6[%get3A_1082, %get3A_1083] : memref<1x1024xf32, #tpu.memory_space<vmem>>, vector<1x1024xf32>
    %sub3A_1085 = arith.subf %get3A_1080, %max3A_1081 : vector<1x1024xf32>
    %exp23A_1086 = math.exp2 %sub3A_1085 : vector<1x1024xf32>
    %mul3A_1087 = arith.mulf %get3A_1084, %exp23A_1086 : vector<1x1024xf32>
    %sub3A_1088 = arith.subf %convert_element_type3A_1077, %max3A_1081 : vector<1x1024xf32>
    %exp23A_1089 = math.exp2 %sub3A_1088 : vector<1x1024xf32>
    %mul3A_1090 = arith.mulf %convert_element_type3A_1076, %exp23A_1089 : vector<1x1024xf32>
    %add3A_1091 = arith.addf %mul3A_1087, %mul3A_1090 : vector<1x1024xf32>
    %swap3A_1092 = arith.constant 0 : index
    %swap3A_1093 = arith.constant 0 : index
    %swap3A_1094 = vector.load %arg6[%swap3A_1092, %swap3A_1093] : memref<1x1024xf32, #tpu.memory_space<vmem>>, vector<1x1024xf32>
    tpu.vector_store %arg6[%swap3A_1092, %swap3A_1093], %add3A_1091 {strides = array<i32>} : memref<1x1024xf32, #tpu.memory_space<vmem>>, vector<1x1024xf32>,
    %swap3A_1095 = arith.constant 0 : index
    %swap3A_1096 = arith.constant 0 : index
    %swap3A_1097 = vector.load %arg5[%swap3A_1095, %swap3A_1096] : memref<1x1024xf32, #tpu.memory_space<vmem>>, vector<1x1024xf32>
    tpu.vector_store %arg5[%swap3A_1095, %swap3A_1096], %max3A_1081 {strides = array<i32>} : memref<1x1024xf32, #tpu.memory_space<vmem>>, vector<1x1024xf32>,
    %get3A_1098 = arith.constant 6912 : index
    %get3A_1099 = arith.constant 0 : index
    %get3A_1100 = vector.load %arg2[%get3A_1098, %get3A_1099] : memref<16384x128xf32, #tpu.memory_space<vmem>>, vector<256x128xf32>
    %convert_element_type3A_1101 = arith.truncf %get3A_1100 : vector<256x128xf32> to vector<256x128xbf16>
    %get3A_1102 = arith.constant 0 : index
    %get3A_1103 = arith.constant 0 : index
    %get3A_1104 = vector.load %arg1[%get3A_1102, %get3A_1103] : memref<128x1024xbf16, #tpu.memory_space<vmem>>, vector<128x1024xbf16>
    %dot_general3A_1105 = arith.constant dense<0.000000e+00> : vector<256x1024xf32>
    %dot_general3A_1106 = tpu.matmul %convert_element_type3A_1101, %get3A_1104, %dot_general3A_1105 {dimension_numbers = #tpu.dot_dimension_numbers<[1], [0], [0], [1], [0, 0, 1, 1], [], []>, transpose_lhs_hint = false} : vector<256x128xbf16>, vector<128x1024xbf16>, vector<256x1024xf32> -> vector<256x1024xf32>
    %convert_element_type3A_1107 = arith.truncf %dot_general3A_1106 : vector<256x1024xf32> to vector<256x1024xbf16>
    %reduce_max3A_1108 = arith.constant dense<0xFF80> : vector<1024xbf16>
    %reduce_max3A_1109 = vector.multi_reduction <maximumf>, %convert_element_type3A_1107, %reduce_max3A_1108 [0] : vector<256x1024xbf16> to vector<1024xbf16>
    %broadcast_in_dim3A_1110 = vector.shape_cast %reduce_max3A_1109 : vector<1024xbf16> to vector<1x1024xbf16>
    %sub3A_1111 = vector.broadcast %broadcast_in_dim3A_1110 : vector<1x1024xbf16> to vector<256x1024xbf16>
    %sub3A_1112 = arith.subf %convert_element_type3A_1107, %sub3A_1111 : vector<256x1024xbf16>
    %exp23A_1113 = math.exp2 %sub3A_1112 : vector<256x1024xbf16>
    %reduce_sum3A_1114 = arith.constant dense<0.000000e+00> : vector<1024xbf16>
    %reduce_sum3A_1115 = vector.multi_reduction <add>, %exp23A_1113, %reduce_sum3A_1114 [0] : vector<256x1024xbf16> to vector<1024xbf16>
    %broadcast_in_dim3A_1116 = vector.shape_cast %reduce_sum3A_1115 : vector<1024xbf16> to vector<1x1024xbf16>
    %convert_element_type3A_1117 = arith.extf %broadcast_in_dim3A_1116 : vector<1x1024xbf16> to vector<1x1024xf32>
    %convert_element_type3A_1118 = arith.extf %broadcast_in_dim3A_1110 : vector<1x1024xbf16> to vector<1x1024xf32>
    %get3A_1119 = arith.constant 0 : index
    %get3A_1120 = arith.constant 0 : index
    %get3A_1121 = vector.load %arg5[%get3A_1119, %get3A_1120] : memref<1x1024xf32, #tpu.memory_space<vmem>>, vector<1x1024xf32>
    %max3A_1122 = arith.maximumf %get3A_1121, %convert_element_type3A_1118 : vector<1x1024xf32>
    %get3A_1123 = arith.constant 0 : index
    %get3A_1124 = arith.constant 0 : index
    %get3A_1125 = vector.load %arg6[%get3A_1123, %get3A_1124] : memref<1x1024xf32, #tpu.memory_space<vmem>>, vector<1x1024xf32>
    %sub3A_1126 = arith.subf %get3A_1121, %max3A_1122 : vector<1x1024xf32>
    %exp23A_1127 = math.exp2 %sub3A_1126 : vector<1x1024xf32>
    %mul3A_1128 = arith.mulf %get3A_1125, %exp23A_1127 : vector<1x1024xf32>
    %sub3A_1129 = arith.subf %convert_element_type3A_1118, %max3A_1122 : vector<1x1024xf32>
    %exp23A_1130 = math.exp2 %sub3A_1129 : vector<1x1024xf32>
    %mul3A_1131 = arith.mulf %convert_element_type3A_1117, %exp23A_1130 : vector<1x1024xf32>
    %add3A_1132 = arith.addf %mul3A_1128, %mul3A_1131 : vector<1x1024xf32>
    %swap3A_1133 = arith.constant 0 : index
    %swap3A_1134 = arith.constant 0 : index
    %swap3A_1135 = vector.load %arg6[%swap3A_1133, %swap3A_1134] : memref<1x1024xf32, #tpu.memory_space<vmem>>, vector<1x1024xf32>
    tpu.vector_store %arg6[%swap3A_1133, %swap3A_1134], %add3A_1132 {strides = array<i32>} : memref<1x1024xf32, #tpu.memory_space<vmem>>, vector<1x1024xf32>,
    %swap3A_1136 = arith.constant 0 : index
    %swap3A_1137 = arith.constant 0 : index
    %swap3A_1138 = vector.load %arg5[%swap3A_1136, %swap3A_1137] : memref<1x1024xf32, #tpu.memory_space<vmem>>, vector<1x1024xf32>
    tpu.vector_store %arg5[%swap3A_1136, %swap3A_1137], %max3A_1122 {strides = array<i32>} : memref<1x1024xf32, #tpu.memory_space<vmem>>, vector<1x1024xf32>,
    %get3A_1139 = arith.constant 7168 : index
    %get3A_1140 = arith.constant 0 : index
    %get3A_1141 = vector.load %arg2[%get3A_1139, %get3A_1140] : memref<16384x128xf32, #tpu.memory_space<vmem>>, vector<256x128xf32>
    %convert_element_type3A_1142 = arith.truncf %get3A_1141 : vector<256x128xf32> to vector<256x128xbf16>
    %get3A_1143 = arith.constant 0 : index
    %get3A_1144 = arith.constant 0 : index
    %get3A_1145 = vector.load %arg1[%get3A_1143, %get3A_1144] : memref<128x1024xbf16, #tpu.memory_space<vmem>>, vector<128x1024xbf16>
    %dot_general3A_1146 = arith.constant dense<0.000000e+00> : vector<256x1024xf32>
    %dot_general3A_1147 = tpu.matmul %convert_element_type3A_1142, %get3A_1145, %dot_general3A_1146 {dimension_numbers = #tpu.dot_dimension_numbers<[1], [0], [0], [1], [0, 0, 1, 1], [], []>, transpose_lhs_hint = false} : vector<256x128xbf16>, vector<128x1024xbf16>, vector<256x1024xf32> -> vector<256x1024xf32>
    %convert_element_type3A_1148 = arith.truncf %dot_general3A_1147 : vector<256x1024xf32> to vector<256x1024xbf16>
    %reduce_max3A_1149 = arith.constant dense<0xFF80> : vector<1024xbf16>
    %reduce_max3A_1150 = vector.multi_reduction <maximumf>, %convert_element_type3A_1148, %reduce_max3A_1149 [0] : vector<256x1024xbf16> to vector<1024xbf16>
    %broadcast_in_dim3A_1151 = vector.shape_cast %reduce_max3A_1150 : vector<1024xbf16> to vector<1x1024xbf16>
    %sub3A_1152 = vector.broadcast %broadcast_in_dim3A_1151 : vector<1x1024xbf16> to vector<256x1024xbf16>
    %sub3A_1153 = arith.subf %convert_element_type3A_1148, %sub3A_1152 : vector<256x1024xbf16>
    %exp23A_1154 = math.exp2 %sub3A_1153 : vector<256x1024xbf16>
    %reduce_sum3A_1155 = arith.constant dense<0.000000e+00> : vector<1024xbf16>
    %reduce_sum3A_1156 = vector.multi_reduction <add>, %exp23A_1154, %reduce_sum3A_1155 [0] : vector<256x1024xbf16> to vector<1024xbf16>
    %broadcast_in_dim3A_1157 = vector.shape_cast %reduce_sum3A_1156 : vector<1024xbf16> to vector<1x1024xbf16>
    %convert_element_type3A_1158 = arith.extf %broadcast_in_dim3A_1157 : vector<1x1024xbf16> to vector<1x1024xf32>
    %convert_element_type3A_1159 = arith.extf %broadcast_in_dim3A_1151 : vector<1x1024xbf16> to vector<1x1024xf32>
    %get3A_1160 = arith.constant 0 : index
    %get3A_1161 = arith.constant 0 : index
    %get3A_1162 = vector.load %arg5[%get3A_1160, %get3A_1161] : memref<1x1024xf32, #tpu.memory_space<vmem>>, vector<1x1024xf32>
    %max3A_1163 = arith.maximumf %get3A_1162, %convert_element_type3A_1159 : vector<1x1024xf32>
    %get3A_1164 = arith.constant 0 : index
    %get3A_1165 = arith.constant 0 : index
    %get3A_1166 = vector.load %arg6[%get3A_1164, %get3A_1165] : memref<1x1024xf32, #tpu.memory_space<vmem>>, vector<1x1024xf32>
    %sub3A_1167 = arith.subf %get3A_1162, %max3A_1163 : vector<1x1024xf32>
    %exp23A_1168 = math.exp2 %sub3A_1167 : vector<1x1024xf32>
    %mul3A_1169 = arith.mulf %get3A_1166, %exp23A_1168 : vector<1x1024xf32>
    %sub3A_1170 = arith.subf %convert_element_type3A_1159, %max3A_1163 : vector<1x1024xf32>
    %exp23A_1171 = math.exp2 %sub3A_1170 : vector<1x1024xf32>
    %mul3A_1172 = arith.mulf %convert_element_type3A_1158, %exp23A_1171 : vector<1x1024xf32>
    %add3A_1173 = arith.addf %mul3A_1169, %mul3A_1172 : vector<1x1024xf32>
    %swap3A_1174 = arith.constant 0 : index
    %swap3A_1175 = arith.constant 0 : index
    %swap3A_1176 = vector.load %arg6[%swap3A_1174, %swap3A_1175] : memref<1x1024xf32, #tpu.memory_space<vmem>>, vector<1x1024xf32>
    tpu.vector_store %arg6[%swap3A_1174, %swap3A_1175], %add3A_1173 {strides = array<i32>} : memref<1x1024xf32, #tpu.memory_space<vmem>>, vector<1x1024xf32>,
    %swap3A_1177 = arith.constant 0 : index
    %swap3A_1178 = arith.constant 0 : index
    %swap3A_1179 = vector.load %arg5[%swap3A_1177, %swap3A_1178] : memref<1x1024xf32, #tpu.memory_space<vmem>>, vector<1x1024xf32>
    tpu.vector_store %arg5[%swap3A_1177, %swap3A_1178], %max3A_1163 {strides = array<i32>} : memref<1x1024xf32, #tpu.memory_space<vmem>>, vector<1x1024xf32>,
    %get3A_1180 = arith.constant 7424 : index
    %get3A_1181 = arith.constant 0 : index
    %get3A_1182 = vector.load %arg2[%get3A_1180, %get3A_1181] : memref<16384x128xf32, #tpu.memory_space<vmem>>, vector<256x128xf32>
    %convert_element_type3A_1183 = arith.truncf %get3A_1182 : vector<256x128xf32> to vector<256x128xbf16>
    %get3A_1184 = arith.constant 0 : index
    %get3A_1185 = arith.constant 0 : index
    %get3A_1186 = vector.load %arg1[%get3A_1184, %get3A_1185] : memref<128x1024xbf16, #tpu.memory_space<vmem>>, vector<128x1024xbf16>
    %dot_general3A_1187 = arith.constant dense<0.000000e+00> : vector<256x1024xf32>
    %dot_general3A_1188 = tpu.matmul %convert_element_type3A_1183, %get3A_1186, %dot_general3A_1187 {dimension_numbers = #tpu.dot_dimension_numbers<[1], [0], [0], [1], [0, 0, 1, 1], [], []>, transpose_lhs_hint = false} : vector<256x128xbf16>, vector<128x1024xbf16>, vector<256x1024xf32> -> vector<256x1024xf32>
    %convert_element_type3A_1189 = arith.truncf %dot_general3A_1188 : vector<256x1024xf32> to vector<256x1024xbf16>
    %reduce_max3A_1190 = arith.constant dense<0xFF80> : vector<1024xbf16>
    %reduce_max3A_1191 = vector.multi_reduction <maximumf>, %convert_element_type3A_1189, %reduce_max3A_1190 [0] : vector<256x1024xbf16> to vector<1024xbf16>
    %broadcast_in_dim3A_1192 = vector.shape_cast %reduce_max3A_1191 : vector<1024xbf16> to vector<1x1024xbf16>
    %sub3A_1193 = vector.broadcast %broadcast_in_dim3A_1192 : vector<1x1024xbf16> to vector<256x1024xbf16>
    %sub3A_1194 = arith.subf %convert_element_type3A_1189, %sub3A_1193 : vector<256x1024xbf16>
    %exp23A_1195 = math.exp2 %sub3A_1194 : vector<256x1024xbf16>
    %reduce_sum3A_1196 = arith.constant dense<0.000000e+00> : vector<1024xbf16>
    %reduce_sum3A_1197 = vector.multi_reduction <add>, %exp23A_1195, %reduce_sum3A_1196 [0] : vector<256x1024xbf16> to vector<1024xbf16>
    %broadcast_in_dim3A_1198 = vector.shape_cast %reduce_sum3A_1197 : vector<1024xbf16> to vector<1x1024xbf16>
    %convert_element_type3A_1199 = arith.extf %broadcast_in_dim3A_1198 : vector<1x1024xbf16> to vector<1x1024xf32>
    %convert_element_type3A_1200 = arith.extf %broadcast_in_dim3A_1192 : vector<1x1024xbf16> to vector<1x1024xf32>
    %get3A_1201 = arith.constant 0 : index
    %get3A_1202 = arith.constant 0 : index
    %get3A_1203 = vector.load %arg5[%get3A_1201, %get3A_1202] : memref<1x1024xf32, #tpu.memory_space<vmem>>, vector<1x1024xf32>
    %max3A_1204 = arith.maximumf %get3A_1203, %convert_element_type3A_1200 : vector<1x1024xf32>
    %get3A_1205 = arith.constant 0 : index
    %get3A_1206 = arith.constant 0 : index
    %get3A_1207 = vector.load %arg6[%get3A_1205, %get3A_1206] : memref<1x1024xf32, #tpu.memory_space<vmem>>, vector<1x1024xf32>
    %sub3A_1208 = arith.subf %get3A_1203, %max3A_1204 : vector<1x1024xf32>
    %exp23A_1209 = math.exp2 %sub3A_1208 : vector<1x1024xf32>
    %mul3A_1210 = arith.mulf %get3A_1207, %exp23A_1209 : vector<1x1024xf32>
    %sub3A_1211 = arith.subf %convert_element_type3A_1200, %max3A_1204 : vector<1x1024xf32>
    %exp23A_1212 = math.exp2 %sub3A_1211 : vector<1x1024xf32>
    %mul3A_1213 = arith.mulf %convert_element_type3A_1199, %exp23A_1212 : vector<1x1024xf32>
    %add3A_1214 = arith.addf %mul3A_1210, %mul3A_1213 : vector<1x1024xf32>
    %swap3A_1215 = arith.constant 0 : index
    %swap3A_1216 = arith.constant 0 : index
    %swap3A_1217 = vector.load %arg6[%swap3A_1215, %swap3A_1216] : memref<1x1024xf32, #tpu.memory_space<vmem>>, vector<1x1024xf32>
    tpu.vector_store %arg6[%swap3A_1215, %swap3A_1216], %add3A_1214 {strides = array<i32>} : memref<1x1024xf32, #tpu.memory_space<vmem>>, vector<1x1024xf32>,
    %swap3A_1218 = arith.constant 0 : index
    %swap3A_1219 = arith.constant 0 : index
    %swap3A_1220 = vector.load %arg5[%swap3A_1218, %swap3A_1219] : memref<1x1024xf32, #tpu.memory_space<vmem>>, vector<1x1024xf32>
    tpu.vector_store %arg5[%swap3A_1218, %swap3A_1219], %max3A_1204 {strides = array<i32>} : memref<1x1024xf32, #tpu.memory_space<vmem>>, vector<1x1024xf32>,
    %get3A_1221 = arith.constant 7680 : index
    %get3A_1222 = arith.constant 0 : index
    %get3A_1223 = vector.load %arg2[%get3A_1221, %get3A_1222] : memref<16384x128xf32, #tpu.memory_space<vmem>>, vector<256x128xf32>
    %convert_element_type3A_1224 = arith.truncf %get3A_1223 : vector<256x128xf32> to vector<256x128xbf16>
    %get3A_1225 = arith.constant 0 : index
    %get3A_1226 = arith.constant 0 : index
    %get3A_1227 = vector.load %arg1[%get3A_1225, %get3A_1226] : memref<128x1024xbf16, #tpu.memory_space<vmem>>, vector<128x1024xbf16>
    %dot_general3A_1228 = arith.constant dense<0.000000e+00> : vector<256x1024xf32>
    %dot_general3A_1229 = tpu.matmul %convert_element_type3A_1224, %get3A_1227, %dot_general3A_1228 {dimension_numbers = #tpu.dot_dimension_numbers<[1], [0], [0], [1], [0, 0, 1, 1], [], []>, transpose_lhs_hint = false} : vector<256x128xbf16>, vector<128x1024xbf16>, vector<256x1024xf32> -> vector<256x1024xf32>
    %convert_element_type3A_1230 = arith.truncf %dot_general3A_1229 : vector<256x1024xf32> to vector<256x1024xbf16>
    %reduce_max3A_1231 = arith.constant dense<0xFF80> : vector<1024xbf16>
    %reduce_max3A_1232 = vector.multi_reduction <maximumf>, %convert_element_type3A_1230, %reduce_max3A_1231 [0] : vector<256x1024xbf16> to vector<1024xbf16>
    %broadcast_in_dim3A_1233 = vector.shape_cast %reduce_max3A_1232 : vector<1024xbf16> to vector<1x1024xbf16>
    %sub3A_1234 = vector.broadcast %broadcast_in_dim3A_1233 : vector<1x1024xbf16> to vector<256x1024xbf16>
    %sub3A_1235 = arith.subf %convert_element_type3A_1230, %sub3A_1234 : vector<256x1024xbf16>
    %exp23A_1236 = math.exp2 %sub3A_1235 : vector<256x1024xbf16>
    %reduce_sum3A_1237 = arith.constant dense<0.000000e+00> : vector<1024xbf16>
    %reduce_sum3A_1238 = vector.multi_reduction <add>, %exp23A_1236, %reduce_sum3A_1237 [0] : vector<256x1024xbf16> to vector<1024xbf16>
    %broadcast_in_dim3A_1239 = vector.shape_cast %reduce_sum3A_1238 : vector<1024xbf16> to vector<1x1024xbf16>
    %convert_element_type3A_1240 = arith.extf %broadcast_in_dim3A_1239 : vector<1x1024xbf16> to vector<1x1024xf32>
    %convert_element_type3A_1241 = arith.extf %broadcast_in_dim3A_1233 : vector<1x1024xbf16> to vector<1x1024xf32>
    %get3A_1242 = arith.constant 0 : index
    %get3A_1243 = arith.constant 0 : index
    %get3A_1244 = vector.load %arg5[%get3A_1242, %get3A_1243] : memref<1x1024xf32, #tpu.memory_space<vmem>>, vector<1x1024xf32>
    %max3A_1245 = arith.maximumf %get3A_1244, %convert_element_type3A_1241 : vector<1x1024xf32>
    %get3A_1246 = arith.constant 0 : index
    %get3A_1247 = arith.constant 0 : index
    %get3A_1248 = vector.load %arg6[%get3A_1246, %get3A_1247] : memref<1x1024xf32, #tpu.memory_space<vmem>>, vector<1x1024xf32>
    %sub3A_1249 = arith.subf %get3A_1244, %max3A_1245 : vector<1x1024xf32>
    %exp23A_1250 = math.exp2 %sub3A_1249 : vector<1x1024xf32>
    %mul3A_1251 = arith.mulf %get3A_1248, %exp23A_1250 : vector<1x1024xf32>
    %sub3A_1252 = arith.subf %convert_element_type3A_1241, %max3A_1245 : vector<1x1024xf32>
    %exp23A_1253 = math.exp2 %sub3A_1252 : vector<1x1024xf32>
    %mul3A_1254 = arith.mulf %convert_element_type3A_1240, %exp23A_1253 : vector<1x1024xf32>
    %add3A_1255 = arith.addf %mul3A_1251, %mul3A_1254 : vector<1x1024xf32>
    %swap3A_1256 = arith.constant 0 : index
    %swap3A_1257 = arith.constant 0 : index
    %swap3A_1258 = vector.load %arg6[%swap3A_1256, %swap3A_1257] : memref<1x1024xf32, #tpu.memory_space<vmem>>, vector<1x1024xf32>
    tpu.vector_store %arg6[%swap3A_1256, %swap3A_1257], %add3A_1255 {strides = array<i32>} : memref<1x1024xf32, #tpu.memory_space<vmem>>, vector<1x1024xf32>,
    %swap3A_1259 = arith.constant 0 : index
    %swap3A_1260 = arith.constant 0 : index
    %swap3A_1261 = vector.load %arg5[%swap3A_1259, %swap3A_1260] : memref<1x1024xf32, #tpu.memory_space<vmem>>, vector<1x1024xf32>
    tpu.vector_store %arg5[%swap3A_1259, %swap3A_1260], %max3A_1245 {strides = array<i32>} : memref<1x1024xf32, #tpu.memory_space<vmem>>, vector<1x1024xf32>,
    %get3A_1262 = arith.constant 7936 : index
    %get3A_1263 = arith.constant 0 : index
    %get3A_1264 = vector.load %arg2[%get3A_1262, %get3A_1263] : memref<16384x128xf32, #tpu.memory_space<vmem>>, vector<256x128xf32>
    %convert_element_type3A_1265 = arith.truncf %get3A_1264 : vector<256x128xf32> to vector<256x128xbf16>
    %get3A_1266 = arith.constant 0 : index
    %get3A_1267 = arith.constant 0 : index
    %get3A_1268 = vector.load %arg1[%get3A_1266, %get3A_1267] : memref<128x1024xbf16, #tpu.memory_space<vmem>>, vector<128x1024xbf16>
    %dot_general3A_1269 = arith.constant dense<0.000000e+00> : vector<256x1024xf32>
    %dot_general3A_1270 = tpu.matmul %convert_element_type3A_1265, %get3A_1268, %dot_general3A_1269 {dimension_numbers = #tpu.dot_dimension_numbers<[1], [0], [0], [1], [0, 0, 1, 1], [], []>, transpose_lhs_hint = false} : vector<256x128xbf16>, vector<128x1024xbf16>, vector<256x1024xf32> -> vector<256x1024xf32>
    %convert_element_type3A_1271 = arith.truncf %dot_general3A_1270 : vector<256x1024xf32> to vector<256x1024xbf16>
    %reduce_max3A_1272 = arith.constant dense<0xFF80> : vector<1024xbf16>
    %reduce_max3A_1273 = vector.multi_reduction <maximumf>, %convert_element_type3A_1271, %reduce_max3A_1272 [0] : vector<256x1024xbf16> to vector<1024xbf16>
    %broadcast_in_dim3A_1274 = vector.shape_cast %reduce_max3A_1273 : vector<1024xbf16> to vector<1x1024xbf16>
    %sub3A_1275 = vector.broadcast %broadcast_in_dim3A_1274 : vector<1x1024xbf16> to vector<256x1024xbf16>
    %sub3A_1276 = arith.subf %convert_element_type3A_1271, %sub3A_1275 : vector<256x1024xbf16>
    %exp23A_1277 = math.exp2 %sub3A_1276 : vector<256x1024xbf16>
    %reduce_sum3A_1278 = arith.constant dense<0.000000e+00> : vector<1024xbf16>
    %reduce_sum3A_1279 = vector.multi_reduction <add>, %exp23A_1277, %reduce_sum3A_1278 [0] : vector<256x1024xbf16> to vector<1024xbf16>
    %broadcast_in_dim3A_1280 = vector.shape_cast %reduce_sum3A_1279 : vector<1024xbf16> to vector<1x1024xbf16>
    %convert_element_type3A_1281 = arith.extf %broadcast_in_dim3A_1280 : vector<1x1024xbf16> to vector<1x1024xf32>
    %convert_element_type3A_1282 = arith.extf %broadcast_in_dim3A_1274 : vector<1x1024xbf16> to vector<1x1024xf32>
    %get3A_1283 = arith.constant 0 : index
    %get3A_1284 = arith.constant 0 : index
    %get3A_1285 = vector.load %arg5[%get3A_1283, %get3A_1284] : memref<1x1024xf32, #tpu.memory_space<vmem>>, vector<1x1024xf32>
    %max3A_1286 = arith.maximumf %get3A_1285, %convert_element_type3A_1282 : vector<1x1024xf32>
    %get3A_1287 = arith.constant 0 : index
    %get3A_1288 = arith.constant 0 : index
    %get3A_1289 = vector.load %arg6[%get3A_1287, %get3A_1288] : memref<1x1024xf32, #tpu.memory_space<vmem>>, vector<1x1024xf32>
    %sub3A_1290 = arith.subf %get3A_1285, %max3A_1286 : vector<1x1024xf32>
    %exp23A_1291 = math.exp2 %sub3A_1290 : vector<1x1024xf32>
    %mul3A_1292 = arith.mulf %get3A_1289, %exp23A_1291 : vector<1x1024xf32>
    %sub3A_1293 = arith.subf %convert_element_type3A_1282, %max3A_1286 : vector<1x1024xf32>
    %exp23A_1294 = math.exp2 %sub3A_1293 : vector<1x1024xf32>
    %mul3A_1295 = arith.mulf %convert_element_type3A_1281, %exp23A_1294 : vector<1x1024xf32>
    %add3A_1296 = arith.addf %mul3A_1292, %mul3A_1295 : vector<1x1024xf32>
    %swap3A_1297 = arith.constant 0 : index
    %swap3A_1298 = arith.constant 0 : index
    %swap3A_1299 = vector.load %arg6[%swap3A_1297, %swap3A_1298] : memref<1x1024xf32, #tpu.memory_space<vmem>>, vector<1x1024xf32>
    tpu.vector_store %arg6[%swap3A_1297, %swap3A_1298], %add3A_1296 {strides = array<i32>} : memref<1x1024xf32, #tpu.memory_space<vmem>>, vector<1x1024xf32>,
    %swap3A_1300 = arith.constant 0 : index
    %swap3A_1301 = arith.constant 0 : index
    %swap3A_1302 = vector.load %arg5[%swap3A_1300, %swap3A_1301] : memref<1x1024xf32, #tpu.memory_space<vmem>>, vector<1x1024xf32>
    tpu.vector_store %arg5[%swap3A_1300, %swap3A_1301], %max3A_1286 {strides = array<i32>} : memref<1x1024xf32, #tpu.memory_space<vmem>>, vector<1x1024xf32>,
    %get3A_1303 = arith.constant 8192 : index
    %get3A_1304 = arith.constant 0 : index
    %get3A_1305 = vector.load %arg2[%get3A_1303, %get3A_1304] : memref<16384x128xf32, #tpu.memory_space<vmem>>, vector<256x128xf32>
    %convert_element_type3A_1306 = arith.truncf %get3A_1305 : vector<256x128xf32> to vector<256x128xbf16>
    %get3A_1307 = arith.constant 0 : index
    %get3A_1308 = arith.constant 0 : index
    %get3A_1309 = vector.load %arg1[%get3A_1307, %get3A_1308] : memref<128x1024xbf16, #tpu.memory_space<vmem>>, vector<128x1024xbf16>
    %dot_general3A_1310 = arith.constant dense<0.000000e+00> : vector<256x1024xf32>
    %dot_general3A_1311 = tpu.matmul %convert_element_type3A_1306, %get3A_1309, %dot_general3A_1310 {dimension_numbers = #tpu.dot_dimension_numbers<[1], [0], [0], [1], [0, 0, 1, 1], [], []>, transpose_lhs_hint = false} : vector<256x128xbf16>, vector<128x1024xbf16>, vector<256x1024xf32> -> vector<256x1024xf32>
    %convert_element_type3A_1312 = arith.truncf %dot_general3A_1311 : vector<256x1024xf32> to vector<256x1024xbf16>
    %reduce_max3A_1313 = arith.constant dense<0xFF80> : vector<1024xbf16>
    %reduce_max3A_1314 = vector.multi_reduction <maximumf>, %convert_element_type3A_1312, %reduce_max3A_1313 [0] : vector<256x1024xbf16> to vector<1024xbf16>
    %broadcast_in_dim3A_1315 = vector.shape_cast %reduce_max3A_1314 : vector<1024xbf16> to vector<1x1024xbf16>
    %sub3A_1316 = vector.broadcast %broadcast_in_dim3A_1315 : vector<1x1024xbf16> to vector<256x1024xbf16>
    %sub3A_1317 = arith.subf %convert_element_type3A_1312, %sub3A_1316 : vector<256x1024xbf16>
    %exp23A_1318 = math.exp2 %sub3A_1317 : vector<256x1024xbf16>
    %reduce_sum3A_1319 = arith.constant dense<0.000000e+00> : vector<1024xbf16>
    %reduce_sum3A_1320 = vector.multi_reduction <add>, %exp23A_1318, %reduce_sum3A_1319 [0] : vector<256x1024xbf16> to vector<1024xbf16>
    %broadcast_in_dim3A_1321 = vector.shape_cast %reduce_sum3A_1320 : vector<1024xbf16> to vector<1x1024xbf16>
    %convert_element_type3A_1322 = arith.extf %broadcast_in_dim3A_1321 : vector<1x1024xbf16> to vector<1x1024xf32>
    %convert_element_type3A_1323 = arith.extf %broadcast_in_dim3A_1315 : vector<1x1024xbf16> to vector<1x1024xf32>
    %get3A_1324 = arith.constant 0 : index
    %get3A_1325 = arith.constant 0 : index
    %get3A_1326 = vector.load %arg5[%get3A_1324, %get3A_1325] : memref<1x1024xf32, #tpu.memory_space<vmem>>, vector<1x1024xf32>
    %max3A_1327 = arith.maximumf %get3A_1326, %convert_element_type3A_1323 : vector<1x1024xf32>
    %get3A_1328 = arith.constant 0 : index
    %get3A_1329 = arith.constant 0 : index
    %get3A_1330 = vector.load %arg6[%get3A_1328, %get3A_1329] : memref<1x1024xf32, #tpu.memory_space<vmem>>, vector<1x1024xf32>
    %sub3A_1331 = arith.subf %get3A_1326, %max3A_1327 : vector<1x1024xf32>
    %exp23A_1332 = math.exp2 %sub3A_1331 : vector<1x1024xf32>
    %mul3A_1333 = arith.mulf %get3A_1330, %exp23A_1332 : vector<1x1024xf32>
    %sub3A_1334 = arith.subf %convert_element_type3A_1323, %max3A_1327 : vector<1x1024xf32>
    %exp23A_1335 = math.exp2 %sub3A_1334 : vector<1x1024xf32>
    %mul3A_1336 = arith.mulf %convert_element_type3A_1322, %exp23A_1335 : vector<1x1024xf32>
    %add3A_1337 = arith.addf %mul3A_1333, %mul3A_1336 : vector<1x1024xf32>
    %swap3A_1338 = arith.constant 0 : index
    %swap3A_1339 = arith.constant 0 : index
    %swap3A_1340 = vector.load %arg6[%swap3A_1338, %swap3A_1339] : memref<1x1024xf32, #tpu.memory_space<vmem>>, vector<1x1024xf32>
    tpu.vector_store %arg6[%swap3A_1338, %swap3A_1339], %add3A_1337 {strides = array<i32>} : memref<1x1024xf32, #tpu.memory_space<vmem>>, vector<1x1024xf32>,
    %swap3A_1341 = arith.constant 0 : index
    %swap3A_1342 = arith.constant 0 : index
    %swap3A_1343 = vector.load %arg5[%swap3A_1341, %swap3A_1342] : memref<1x1024xf32, #tpu.memory_space<vmem>>, vector<1x1024xf32>
    tpu.vector_store %arg5[%swap3A_1341, %swap3A_1342], %max3A_1327 {strides = array<i32>} : memref<1x1024xf32, #tpu.memory_space<vmem>>, vector<1x1024xf32>,
    %get3A_1344 = arith.constant 8448 : index
    %get3A_1345 = arith.constant 0 : index
    %get3A_1346 = vector.load %arg2[%get3A_1344, %get3A_1345] : memref<16384x128xf32, #tpu.memory_space<vmem>>, vector<256x128xf32>
    %convert_element_type3A_1347 = arith.truncf %get3A_1346 : vector<256x128xf32> to vector<256x128xbf16>
    %get3A_1348 = arith.constant 0 : index
    %get3A_1349 = arith.constant 0 : index
    %get3A_1350 = vector.load %arg1[%get3A_1348, %get3A_1349] : memref<128x1024xbf16, #tpu.memory_space<vmem>>, vector<128x1024xbf16>
    %dot_general3A_1351 = arith.constant dense<0.000000e+00> : vector<256x1024xf32>
    %dot_general3A_1352 = tpu.matmul %convert_element_type3A_1347, %get3A_1350, %dot_general3A_1351 {dimension_numbers = #tpu.dot_dimension_numbers<[1], [0], [0], [1], [0, 0, 1, 1], [], []>, transpose_lhs_hint = false} : vector<256x128xbf16>, vector<128x1024xbf16>, vector<256x1024xf32> -> vector<256x1024xf32>
    %convert_element_type3A_1353 = arith.truncf %dot_general3A_1352 : vector<256x1024xf32> to vector<256x1024xbf16>
    %reduce_max3A_1354 = arith.constant dense<0xFF80> : vector<1024xbf16>
    %reduce_max3A_1355 = vector.multi_reduction <maximumf>, %convert_element_type3A_1353, %reduce_max3A_1354 [0] : vector<256x1024xbf16> to vector<1024xbf16>
    %broadcast_in_dim3A_1356 = vector.shape_cast %reduce_max3A_1355 : vector<1024xbf16> to vector<1x1024xbf16>
    %sub3A_1357 = vector.broadcast %broadcast_in_dim3A_1356 : vector<1x1024xbf16> to vector<256x1024xbf16>
    %sub3A_1358 = arith.subf %convert_element_type3A_1353, %sub3A_1357 : vector<256x1024xbf16>
    %exp23A_1359 = math.exp2 %sub3A_1358 : vector<256x1024xbf16>
    %reduce_sum3A_1360 = arith.constant dense<0.000000e+00> : vector<1024xbf16>
    %reduce_sum3A_1361 = vector.multi_reduction <add>, %exp23A_1359, %reduce_sum3A_1360 [0] : vector<256x1024xbf16> to vector<1024xbf16>
    %broadcast_in_dim3A_1362 = vector.shape_cast %reduce_sum3A_1361 : vector<1024xbf16> to vector<1x1024xbf16>
    %convert_element_type3A_1363 = arith.extf %broadcast_in_dim3A_1362 : vector<1x1024xbf16> to vector<1x1024xf32>
    %convert_element_type3A_1364 = arith.extf %broadcast_in_dim3A_1356 : vector<1x1024xbf16> to vector<1x1024xf32>
    %get3A_1365 = arith.constant 0 : index
    %get3A_1366 = arith.constant 0 : index
    %get3A_1367 = vector.load %arg5[%get3A_1365, %get3A_1366] : memref<1x1024xf32, #tpu.memory_space<vmem>>, vector<1x1024xf32>
    %max3A_1368 = arith.maximumf %get3A_1367, %convert_element_type3A_1364 : vector<1x1024xf32>
    %get3A_1369 = arith.constant 0 : index
    %get3A_1370 = arith.constant 0 : index
    %get3A_1371 = vector.load %arg6[%get3A_1369, %get3A_1370] : memref<1x1024xf32, #tpu.memory_space<vmem>>, vector<1x1024xf32>
    %sub3A_1372 = arith.subf %get3A_1367, %max3A_1368 : vector<1x1024xf32>
    %exp23A_1373 = math.exp2 %sub3A_1372 : vector<1x1024xf32>
    %mul3A_1374 = arith.mulf %get3A_1371, %exp23A_1373 : vector<1x1024xf32>
    %sub3A_1375 = arith.subf %convert_element_type3A_1364, %max3A_1368 : vector<1x1024xf32>
    %exp23A_1376 = math.exp2 %sub3A_1375 : vector<1x1024xf32>
    %mul3A_1377 = arith.mulf %convert_element_type3A_1363, %exp23A_1376 : vector<1x1024xf32>
    %add3A_1378 = arith.addf %mul3A_1374, %mul3A_1377 : vector<1x1024xf32>
    %swap3A_1379 = arith.constant 0 : index
    %swap3A_1380 = arith.constant 0 : index
    %swap3A_1381 = vector.load %arg6[%swap3A_1379, %swap3A_1380] : memref<1x1024xf32, #tpu.memory_space<vmem>>, vector<1x1024xf32>
    tpu.vector_store %arg6[%swap3A_1379, %swap3A_1380], %add3A_1378 {strides = array<i32>} : memref<1x1024xf32, #tpu.memory_space<vmem>>, vector<1x1024xf32>,
    %swap3A_1382 = arith.constant 0 : index
    %swap3A_1383 = arith.constant 0 : index
    %swap3A_1384 = vector.load %arg5[%swap3A_1382, %swap3A_1383] : memref<1x1024xf32, #tpu.memory_space<vmem>>, vector<1x1024xf32>
    tpu.vector_store %arg5[%swap3A_1382, %swap3A_1383], %max3A_1368 {strides = array<i32>} : memref<1x1024xf32, #tpu.memory_space<vmem>>, vector<1x1024xf32>,
    %get3A_1385 = arith.constant 8704 : index
    %get3A_1386 = arith.constant 0 : index
    %get3A_1387 = vector.load %arg2[%get3A_1385, %get3A_1386] : memref<16384x128xf32, #tpu.memory_space<vmem>>, vector<256x128xf32>
    %convert_element_type3A_1388 = arith.truncf %get3A_1387 : vector<256x128xf32> to vector<256x128xbf16>
    %get3A_1389 = arith.constant 0 : index
    %get3A_1390 = arith.constant 0 : index
    %get3A_1391 = vector.load %arg1[%get3A_1389, %get3A_1390] : memref<128x1024xbf16, #tpu.memory_space<vmem>>, vector<128x1024xbf16>
    %dot_general3A_1392 = arith.constant dense<0.000000e+00> : vector<256x1024xf32>
    %dot_general3A_1393 = tpu.matmul %convert_element_type3A_1388, %get3A_1391, %dot_general3A_1392 {dimension_numbers = #tpu.dot_dimension_numbers<[1], [0], [0], [1], [0, 0, 1, 1], [], []>, transpose_lhs_hint = false} : vector<256x128xbf16>, vector<128x1024xbf16>, vector<256x1024xf32> -> vector<256x1024xf32>
    %convert_element_type3A_1394 = arith.truncf %dot_general3A_1393 : vector<256x1024xf32> to vector<256x1024xbf16>
    %reduce_max3A_1395 = arith.constant dense<0xFF80> : vector<1024xbf16>
    %reduce_max3A_1396 = vector.multi_reduction <maximumf>, %convert_element_type3A_1394, %reduce_max3A_1395 [0] : vector<256x1024xbf16> to vector<1024xbf16>
    %broadcast_in_dim3A_1397 = vector.shape_cast %reduce_max3A_1396 : vector<1024xbf16> to vector<1x1024xbf16>
    %sub3A_1398 = vector.broadcast %broadcast_in_dim3A_1397 : vector<1x1024xbf16> to vector<256x1024xbf16>
    %sub3A_1399 = arith.subf %convert_element_type3A_1394, %sub3A_1398 : vector<256x1024xbf16>
    %exp23A_1400 = math.exp2 %sub3A_1399 : vector<256x1024xbf16>
    %reduce_sum3A_1401 = arith.constant dense<0.000000e+00> : vector<1024xbf16>
    %reduce_sum3A_1402 = vector.multi_reduction <add>, %exp23A_1400, %reduce_sum3A_1401 [0] : vector<256x1024xbf16> to vector<1024xbf16>
    %broadcast_in_dim3A_1403 = vector.shape_cast %reduce_sum3A_1402 : vector<1024xbf16> to vector<1x1024xbf16>
    %convert_element_type3A_1404 = arith.extf %broadcast_in_dim3A_1403 : vector<1x1024xbf16> to vector<1x1024xf32>
    %convert_element_type3A_1405 = arith.extf %broadcast_in_dim3A_1397 : vector<1x1024xbf16> to vector<1x1024xf32>
    %get3A_1406 = arith.constant 0 : index
    %get3A_1407 = arith.constant 0 : index
    %get3A_1408 = vector.load %arg5[%get3A_1406, %get3A_1407] : memref<1x1024xf32, #tpu.memory_space<vmem>>, vector<1x1024xf32>
    %max3A_1409 = arith.maximumf %get3A_1408, %convert_element_type3A_1405 : vector<1x1024xf32>
    %get3A_1410 = arith.constant 0 : index
    %get3A_1411 = arith.constant 0 : index
    %get3A_1412 = vector.load %arg6[%get3A_1410, %get3A_1411] : memref<1x1024xf32, #tpu.memory_space<vmem>>, vector<1x1024xf32>
    %sub3A_1413 = arith.subf %get3A_1408, %max3A_1409 : vector<1x1024xf32>
    %exp23A_1414 = math.exp2 %sub3A_1413 : vector<1x1024xf32>
    %mul3A_1415 = arith.mulf %get3A_1412, %exp23A_1414 : vector<1x1024xf32>
    %sub3A_1416 = arith.subf %convert_element_type3A_1405, %max3A_1409 : vector<1x1024xf32>
    %exp23A_1417 = math.exp2 %sub3A_1416 : vector<1x1024xf32>
    %mul3A_1418 = arith.mulf %convert_element_type3A_1404, %exp23A_1417 : vector<1x1024xf32>
    %add3A_1419 = arith.addf %mul3A_1415, %mul3A_1418 : vector<1x1024xf32>
    %swap3A_1420 = arith.constant 0 : index
    %swap3A_1421 = arith.constant 0 : index
    %swap3A_1422 = vector.load %arg6[%swap3A_1420, %swap3A_1421] : memref<1x1024xf32, #tpu.memory_space<vmem>>, vector<1x1024xf32>
    tpu.vector_store %arg6[%swap3A_1420, %swap3A_1421], %add3A_1419 {strides = array<i32>} : memref<1x1024xf32, #tpu.memory_space<vmem>>, vector<1x1024xf32>,
    %swap3A_1423 = arith.constant 0 : index
    %swap3A_1424 = arith.constant 0 : index
    %swap3A_1425 = vector.load %arg5[%swap3A_1423, %swap3A_1424] : memref<1x1024xf32, #tpu.memory_space<vmem>>, vector<1x1024xf32>
    tpu.vector_store %arg5[%swap3A_1423, %swap3A_1424], %max3A_1409 {strides = array<i32>} : memref<1x1024xf32, #tpu.memory_space<vmem>>, vector<1x1024xf32>,
    %get3A_1426 = arith.constant 8960 : index
    %get3A_1427 = arith.constant 0 : index
    %get3A_1428 = vector.load %arg2[%get3A_1426, %get3A_1427] : memref<16384x128xf32, #tpu.memory_space<vmem>>, vector<256x128xf32>
    %convert_element_type3A_1429 = arith.truncf %get3A_1428 : vector<256x128xf32> to vector<256x128xbf16>
    %get3A_1430 = arith.constant 0 : index
    %get3A_1431 = arith.constant 0 : index
    %get3A_1432 = vector.load %arg1[%get3A_1430, %get3A_1431] : memref<128x1024xbf16, #tpu.memory_space<vmem>>, vector<128x1024xbf16>
    %dot_general3A_1433 = arith.constant dense<0.000000e+00> : vector<256x1024xf32>
    %dot_general3A_1434 = tpu.matmul %convert_element_type3A_1429, %get3A_1432, %dot_general3A_1433 {dimension_numbers = #tpu.dot_dimension_numbers<[1], [0], [0], [1], [0, 0, 1, 1], [], []>, transpose_lhs_hint = false} : vector<256x128xbf16>, vector<128x1024xbf16>, vector<256x1024xf32> -> vector<256x1024xf32>
    %convert_element_type3A_1435 = arith.truncf %dot_general3A_1434 : vector<256x1024xf32> to vector<256x1024xbf16>
    %reduce_max3A_1436 = arith.constant dense<0xFF80> : vector<1024xbf16>
    %reduce_max3A_1437 = vector.multi_reduction <maximumf>, %convert_element_type3A_1435, %reduce_max3A_1436 [0] : vector<256x1024xbf16> to vector<1024xbf16>
    %broadcast_in_dim3A_1438 = vector.shape_cast %reduce_max3A_1437 : vector<1024xbf16> to vector<1x1024xbf16>
    %sub3A_1439 = vector.broadcast %broadcast_in_dim3A_1438 : vector<1x1024xbf16> to vector<256x1024xbf16>
    %sub3A_1440 = arith.subf %convert_element_type3A_1435, %sub3A_1439 : vector<256x1024xbf16>
    %exp23A_1441 = math.exp2 %sub3A_1440 : vector<256x1024xbf16>
    %reduce_sum3A_1442 = arith.constant dense<0.000000e+00> : vector<1024xbf16>
    %reduce_sum3A_1443 = vector.multi_reduction <add>, %exp23A_1441, %reduce_sum3A_1442 [0] : vector<256x1024xbf16> to vector<1024xbf16>
    %broadcast_in_dim3A_1444 = vector.shape_cast %reduce_sum3A_1443 : vector<1024xbf16> to vector<1x1024xbf16>
    %convert_element_type3A_1445 = arith.extf %broadcast_in_dim3A_1444 : vector<1x1024xbf16> to vector<1x1024xf32>
    %convert_element_type3A_1446 = arith.extf %broadcast_in_dim3A_1438 : vector<1x1024xbf16> to vector<1x1024xf32>
    %get3A_1447 = arith.constant 0 : index
    %get3A_1448 = arith.constant 0 : index
    %get3A_1449 = vector.load %arg5[%get3A_1447, %get3A_1448] : memref<1x1024xf32, #tpu.memory_space<vmem>>, vector<1x1024xf32>
    %max3A_1450 = arith.maximumf %get3A_1449, %convert_element_type3A_1446 : vector<1x1024xf32>
    %get3A_1451 = arith.constant 0 : index
    %get3A_1452 = arith.constant 0 : index
    %get3A_1453 = vector.load %arg6[%get3A_1451, %get3A_1452] : memref<1x1024xf32, #tpu.memory_space<vmem>>, vector<1x1024xf32>
    %sub3A_1454 = arith.subf %get3A_1449, %max3A_1450 : vector<1x1024xf32>
    %exp23A_1455 = math.exp2 %sub3A_1454 : vector<1x1024xf32>
    %mul3A_1456 = arith.mulf %get3A_1453, %exp23A_1455 : vector<1x1024xf32>
    %sub3A_1457 = arith.subf %convert_element_type3A_1446, %max3A_1450 : vector<1x1024xf32>
    %exp23A_1458 = math.exp2 %sub3A_1457 : vector<1x1024xf32>
    %mul3A_1459 = arith.mulf %convert_element_type3A_1445, %exp23A_1458 : vector<1x1024xf32>
    %add3A_1460 = arith.addf %mul3A_1456, %mul3A_1459 : vector<1x1024xf32>
    %swap3A_1461 = arith.constant 0 : index
    %swap3A_1462 = arith.constant 0 : index
    %swap3A_1463 = vector.load %arg6[%swap3A_1461, %swap3A_1462] : memref<1x1024xf32, #tpu.memory_space<vmem>>, vector<1x1024xf32>
    tpu.vector_store %arg6[%swap3A_1461, %swap3A_1462], %add3A_1460 {strides = array<i32>} : memref<1x1024xf32, #tpu.memory_space<vmem>>, vector<1x1024xf32>,
    %swap3A_1464 = arith.constant 0 : index
    %swap3A_1465 = arith.constant 0 : index
    %swap3A_1466 = vector.load %arg5[%swap3A_1464, %swap3A_1465] : memref<1x1024xf32, #tpu.memory_space<vmem>>, vector<1x1024xf32>
    tpu.vector_store %arg5[%swap3A_1464, %swap3A_1465], %max3A_1450 {strides = array<i32>} : memref<1x1024xf32, #tpu.memory_space<vmem>>, vector<1x1024xf32>,
    %get3A_1467 = arith.constant 9216 : index
    %get3A_1468 = arith.constant 0 : index
    %get3A_1469 = vector.load %arg2[%get3A_1467, %get3A_1468] : memref<16384x128xf32, #tpu.memory_space<vmem>>, vector<256x128xf32>
    %convert_element_type3A_1470 = arith.truncf %get3A_1469 : vector<256x128xf32> to vector<256x128xbf16>
    %get3A_1471 = arith.constant 0 : index
    %get3A_1472 = arith.constant 0 : index
    %get3A_1473 = vector.load %arg1[%get3A_1471, %get3A_1472] : memref<128x1024xbf16, #tpu.memory_space<vmem>>, vector<128x1024xbf16>
    %dot_general3A_1474 = arith.constant dense<0.000000e+00> : vector<256x1024xf32>
    %dot_general3A_1475 = tpu.matmul %convert_element_type3A_1470, %get3A_1473, %dot_general3A_1474 {dimension_numbers = #tpu.dot_dimension_numbers<[1], [0], [0], [1], [0, 0, 1, 1], [], []>, transpose_lhs_hint = false} : vector<256x128xbf16>, vector<128x1024xbf16>, vector<256x1024xf32> -> vector<256x1024xf32>
    %convert_element_type3A_1476 = arith.truncf %dot_general3A_1475 : vector<256x1024xf32> to vector<256x1024xbf16>
    %reduce_max3A_1477 = arith.constant dense<0xFF80> : vector<1024xbf16>
    %reduce_max3A_1478 = vector.multi_reduction <maximumf>, %convert_element_type3A_1476, %reduce_max3A_1477 [0] : vector<256x1024xbf16> to vector<1024xbf16>
    %broadcast_in_dim3A_1479 = vector.shape_cast %reduce_max3A_1478 : vector<1024xbf16> to vector<1x1024xbf16>
    %sub3A_1480 = vector.broadcast %broadcast_in_dim3A_1479 : vector<1x1024xbf16> to vector<256x1024xbf16>
    %sub3A_1481 = arith.subf %convert_element_type3A_1476, %sub3A_1480 : vector<256x1024xbf16>
    %exp23A_1482 = math.exp2 %sub3A_1481 : vector<256x1024xbf16>
    %reduce_sum3A_1483 = arith.constant dense<0.000000e+00> : vector<1024xbf16>
    %reduce_sum3A_1484 = vector.multi_reduction <add>, %exp23A_1482, %reduce_sum3A_1483 [0] : vector<256x1024xbf16> to vector<1024xbf16>
    %broadcast_in_dim3A_1485 = vector.shape_cast %reduce_sum3A_1484 : vector<1024xbf16> to vector<1x1024xbf16>
    %convert_element_type3A_1486 = arith.extf %broadcast_in_dim3A_1485 : vector<1x1024xbf16> to vector<1x1024xf32>
    %convert_element_type3A_1487 = arith.extf %broadcast_in_dim3A_1479 : vector<1x1024xbf16> to vector<1x1024xf32>
    %get3A_1488 = arith.constant 0 : index
    %get3A_1489 = arith.constant 0 : index
    %get3A_1490 = vector.load %arg5[%get3A_1488, %get3A_1489] : memref<1x1024xf32, #tpu.memory_space<vmem>>, vector<1x1024xf32>
    %max3A_1491 = arith.maximumf %get3A_1490, %convert_element_type3A_1487 : vector<1x1024xf32>
    %get3A_1492 = arith.constant 0 : index
    %get3A_1493 = arith.constant 0 : index
    %get3A_1494 = vector.load %arg6[%get3A_1492, %get3A_1493] : memref<1x1024xf32, #tpu.memory_space<vmem>>, vector<1x1024xf32>
    %sub3A_1495 = arith.subf %get3A_1490, %max3A_1491 : vector<1x1024xf32>
    %exp23A_1496 = math.exp2 %sub3A_1495 : vector<1x1024xf32>
    %mul3A_1497 = arith.mulf %get3A_1494, %exp23A_1496 : vector<1x1024xf32>
    %sub3A_1498 = arith.subf %convert_element_type3A_1487, %max3A_1491 : vector<1x1024xf32>
    %exp23A_1499 = math.exp2 %sub3A_1498 : vector<1x1024xf32>
    %mul3A_1500 = arith.mulf %convert_element_type3A_1486, %exp23A_1499 : vector<1x1024xf32>
    %add3A_1501 = arith.addf %mul3A_1497, %mul3A_1500 : vector<1x1024xf32>
    %swap3A_1502 = arith.constant 0 : index
    %swap3A_1503 = arith.constant 0 : index
    %swap3A_1504 = vector.load %arg6[%swap3A_1502, %swap3A_1503] : memref<1x1024xf32, #tpu.memory_space<vmem>>, vector<1x1024xf32>
    tpu.vector_store %arg6[%swap3A_1502, %swap3A_1503], %add3A_1501 {strides = array<i32>} : memref<1x1024xf32, #tpu.memory_space<vmem>>, vector<1x1024xf32>,
    %swap3A_1505 = arith.constant 0 : index
    %swap3A_1506 = arith.constant 0 : index
    %swap3A_1507 = vector.load %arg5[%swap3A_1505, %swap3A_1506] : memref<1x1024xf32, #tpu.memory_space<vmem>>, vector<1x1024xf32>
    tpu.vector_store %arg5[%swap3A_1505, %swap3A_1506], %max3A_1491 {strides = array<i32>} : memref<1x1024xf32, #tpu.memory_space<vmem>>, vector<1x1024xf32>,
    %get3A_1508 = arith.constant 9472 : index
    %get3A_1509 = arith.constant 0 : index
    %get3A_1510 = vector.load %arg2[%get3A_1508, %get3A_1509] : memref<16384x128xf32, #tpu.memory_space<vmem>>, vector<256x128xf32>
    %convert_element_type3A_1511 = arith.truncf %get3A_1510 : vector<256x128xf32> to vector<256x128xbf16>
    %get3A_1512 = arith.constant 0 : index
    %get3A_1513 = arith.constant 0 : index
    %get3A_1514 = vector.load %arg1[%get3A_1512, %get3A_1513] : memref<128x1024xbf16, #tpu.memory_space<vmem>>, vector<128x1024xbf16>
    %dot_general3A_1515 = arith.constant dense<0.000000e+00> : vector<256x1024xf32>
    %dot_general3A_1516 = tpu.matmul %convert_element_type3A_1511, %get3A_1514, %dot_general3A_1515 {dimension_numbers = #tpu.dot_dimension_numbers<[1], [0], [0], [1], [0, 0, 1, 1], [], []>, transpose_lhs_hint = false} : vector<256x128xbf16>, vector<128x1024xbf16>, vector<256x1024xf32> -> vector<256x1024xf32>
    %convert_element_type3A_1517 = arith.truncf %dot_general3A_1516 : vector<256x1024xf32> to vector<256x1024xbf16>
    %reduce_max3A_1518 = arith.constant dense<0xFF80> : vector<1024xbf16>
    %reduce_max3A_1519 = vector.multi_reduction <maximumf>, %convert_element_type3A_1517, %reduce_max3A_1518 [0] : vector<256x1024xbf16> to vector<1024xbf16>
    %broadcast_in_dim3A_1520 = vector.shape_cast %reduce_max3A_1519 : vector<1024xbf16> to vector<1x1024xbf16>
    %sub3A_1521 = vector.broadcast %broadcast_in_dim3A_1520 : vector<1x1024xbf16> to vector<256x1024xbf16>
    %sub3A_1522 = arith.subf %convert_element_type3A_1517, %sub3A_1521 : vector<256x1024xbf16>
    %exp23A_1523 = math.exp2 %sub3A_1522 : vector<256x1024xbf16>
    %reduce_sum3A_1524 = arith.constant dense<0.000000e+00> : vector<1024xbf16>
    %reduce_sum3A_1525 = vector.multi_reduction <add>, %exp23A_1523, %reduce_sum3A_1524 [0] : vector<256x1024xbf16> to vector<1024xbf16>
    %broadcast_in_dim3A_1526 = vector.shape_cast %reduce_sum3A_1525 : vector<1024xbf16> to vector<1x1024xbf16>
    %convert_element_type3A_1527 = arith.extf %broadcast_in_dim3A_1526 : vector<1x1024xbf16> to vector<1x1024xf32>
    %convert_element_type3A_1528 = arith.extf %broadcast_in_dim3A_1520 : vector<1x1024xbf16> to vector<1x1024xf32>
    %get3A_1529 = arith.constant 0 : index
    %get3A_1530 = arith.constant 0 : index
    %get3A_1531 = vector.load %arg5[%get3A_1529, %get3A_1530] : memref<1x1024xf32, #tpu.memory_space<vmem>>, vector<1x1024xf32>
    %max3A_1532 = arith.maximumf %get3A_1531, %convert_element_type3A_1528 : vector<1x1024xf32>
    %get3A_1533 = arith.constant 0 : index
    %get3A_1534 = arith.constant 0 : index
    %get3A_1535 = vector.load %arg6[%get3A_1533, %get3A_1534] : memref<1x1024xf32, #tpu.memory_space<vmem>>, vector<1x1024xf32>
    %sub3A_1536 = arith.subf %get3A_1531, %max3A_1532 : vector<1x1024xf32>
    %exp23A_1537 = math.exp2 %sub3A_1536 : vector<1x1024xf32>
    %mul3A_1538 = arith.mulf %get3A_1535, %exp23A_1537 : vector<1x1024xf32>
    %sub3A_1539 = arith.subf %convert_element_type3A_1528, %max3A_1532 : vector<1x1024xf32>
    %exp23A_1540 = math.exp2 %sub3A_1539 : vector<1x1024xf32>
    %mul3A_1541 = arith.mulf %convert_element_type3A_1527, %exp23A_1540 : vector<1x1024xf32>
    %add3A_1542 = arith.addf %mul3A_1538, %mul3A_1541 : vector<1x1024xf32>
    %swap3A_1543 = arith.constant 0 : index
    %swap3A_1544 = arith.constant 0 : index
    %swap3A_1545 = vector.load %arg6[%swap3A_1543, %swap3A_1544] : memref<1x1024xf32, #tpu.memory_space<vmem>>, vector<1x1024xf32>
    tpu.vector_store %arg6[%swap3A_1543, %swap3A_1544], %add3A_1542 {strides = array<i32>} : memref<1x1024xf32, #tpu.memory_space<vmem>>, vector<1x1024xf32>,
    %swap3A_1546 = arith.constant 0 : index
    %swap3A_1547 = arith.constant 0 : index
    %swap3A_1548 = vector.load %arg5[%swap3A_1546, %swap3A_1547] : memref<1x1024xf32, #tpu.memory_space<vmem>>, vector<1x1024xf32>
    tpu.vector_store %arg5[%swap3A_1546, %swap3A_1547], %max3A_1532 {strides = array<i32>} : memref<1x1024xf32, #tpu.memory_space<vmem>>, vector<1x1024xf32>,
    %get3A_1549 = arith.constant 9728 : index
    %get3A_1550 = arith.constant 0 : index
    %get3A_1551 = vector.load %arg2[%get3A_1549, %get3A_1550] : memref<16384x128xf32, #tpu.memory_space<vmem>>, vector<256x128xf32>
    %convert_element_type3A_1552 = arith.truncf %get3A_1551 : vector<256x128xf32> to vector<256x128xbf16>
    %get3A_1553 = arith.constant 0 : index
    %get3A_1554 = arith.constant 0 : index
    %get3A_1555 = vector.load %arg1[%get3A_1553, %get3A_1554] : memref<128x1024xbf16, #tpu.memory_space<vmem>>, vector<128x1024xbf16>
    %dot_general3A_1556 = arith.constant dense<0.000000e+00> : vector<256x1024xf32>
    %dot_general3A_1557 = tpu.matmul %convert_element_type3A_1552, %get3A_1555, %dot_general3A_1556 {dimension_numbers = #tpu.dot_dimension_numbers<[1], [0], [0], [1], [0, 0, 1, 1], [], []>, transpose_lhs_hint = false} : vector<256x128xbf16>, vector<128x1024xbf16>, vector<256x1024xf32> -> vector<256x1024xf32>
    %convert_element_type3A_1558 = arith.truncf %dot_general3A_1557 : vector<256x1024xf32> to vector<256x1024xbf16>
    %reduce_max3A_1559 = arith.constant dense<0xFF80> : vector<1024xbf16>
    %reduce_max3A_1560 = vector.multi_reduction <maximumf>, %convert_element_type3A_1558, %reduce_max3A_1559 [0] : vector<256x1024xbf16> to vector<1024xbf16>
    %broadcast_in_dim3A_1561 = vector.shape_cast %reduce_max3A_1560 : vector<1024xbf16> to vector<1x1024xbf16>
    %sub3A_1562 = vector.broadcast %broadcast_in_dim3A_1561 : vector<1x1024xbf16> to vector<256x1024xbf16>
    %sub3A_1563 = arith.subf %convert_element_type3A_1558, %sub3A_1562 : vector<256x1024xbf16>
    %exp23A_1564 = math.exp2 %sub3A_1563 : vector<256x1024xbf16>
    %reduce_sum3A_1565 = arith.constant dense<0.000000e+00> : vector<1024xbf16>
    %reduce_sum3A_1566 = vector.multi_reduction <add>, %exp23A_1564, %reduce_sum3A_1565 [0] : vector<256x1024xbf16> to vector<1024xbf16>
    %broadcast_in_dim3A_1567 = vector.shape_cast %reduce_sum3A_1566 : vector<1024xbf16> to vector<1x1024xbf16>
    %convert_element_type3A_1568 = arith.extf %broadcast_in_dim3A_1567 : vector<1x1024xbf16> to vector<1x1024xf32>
    %convert_element_type3A_1569 = arith.extf %broadcast_in_dim3A_1561 : vector<1x1024xbf16> to vector<1x1024xf32>
    %get3A_1570 = arith.constant 0 : index
    %get3A_1571 = arith.constant 0 : index
    %get3A_1572 = vector.load %arg5[%get3A_1570, %get3A_1571] : memref<1x1024xf32, #tpu.memory_space<vmem>>, vector<1x1024xf32>
    %max3A_1573 = arith.maximumf %get3A_1572, %convert_element_type3A_1569 : vector<1x1024xf32>
    %get3A_1574 = arith.constant 0 : index
    %get3A_1575 = arith.constant 0 : index
    %get3A_1576 = vector.load %arg6[%get3A_1574, %get3A_1575] : memref<1x1024xf32, #tpu.memory_space<vmem>>, vector<1x1024xf32>
    %sub3A_1577 = arith.subf %get3A_1572, %max3A_1573 : vector<1x1024xf32>
    %exp23A_1578 = math.exp2 %sub3A_1577 : vector<1x1024xf32>
    %mul3A_1579 = arith.mulf %get3A_1576, %exp23A_1578 : vector<1x1024xf32>
    %sub3A_1580 = arith.subf %convert_element_type3A_1569, %max3A_1573 : vector<1x1024xf32>
    %exp23A_1581 = math.exp2 %sub3A_1580 : vector<1x1024xf32>
    %mul3A_1582 = arith.mulf %convert_element_type3A_1568, %exp23A_1581 : vector<1x1024xf32>
    %add3A_1583 = arith.addf %mul3A_1579, %mul3A_1582 : vector<1x1024xf32>
    %swap3A_1584 = arith.constant 0 : index
    %swap3A_1585 = arith.constant 0 : index
    %swap3A_1586 = vector.load %arg6[%swap3A_1584, %swap3A_1585] : memref<1x1024xf32, #tpu.memory_space<vmem>>, vector<1x1024xf32>
    tpu.vector_store %arg6[%swap3A_1584, %swap3A_1585], %add3A_1583 {strides = array<i32>} : memref<1x1024xf32, #tpu.memory_space<vmem>>, vector<1x1024xf32>,
    %swap3A_1587 = arith.constant 0 : index
    %swap3A_1588 = arith.constant 0 : index
    %swap3A_1589 = vector.load %arg5[%swap3A_1587, %swap3A_1588] : memref<1x1024xf32, #tpu.memory_space<vmem>>, vector<1x1024xf32>
    tpu.vector_store %arg5[%swap3A_1587, %swap3A_1588], %max3A_1573 {strides = array<i32>} : memref<1x1024xf32, #tpu.memory_space<vmem>>, vector<1x1024xf32>,
    %get3A_1590 = arith.constant 9984 : index
    %get3A_1591 = arith.constant 0 : index
    %get3A_1592 = vector.load %arg2[%get3A_1590, %get3A_1591] : memref<16384x128xf32, #tpu.memory_space<vmem>>, vector<256x128xf32>
    %convert_element_type3A_1593 = arith.truncf %get3A_1592 : vector<256x128xf32> to vector<256x128xbf16>
    %get3A_1594 = arith.constant 0 : index
    %get3A_1595 = arith.constant 0 : index
    %get3A_1596 = vector.load %arg1[%get3A_1594, %get3A_1595] : memref<128x1024xbf16, #tpu.memory_space<vmem>>, vector<128x1024xbf16>
    %dot_general3A_1597 = arith.constant dense<0.000000e+00> : vector<256x1024xf32>
    %dot_general3A_1598 = tpu.matmul %convert_element_type3A_1593, %get3A_1596, %dot_general3A_1597 {dimension_numbers = #tpu.dot_dimension_numbers<[1], [0], [0], [1], [0, 0, 1, 1], [], []>, transpose_lhs_hint = false} : vector<256x128xbf16>, vector<128x1024xbf16>, vector<256x1024xf32> -> vector<256x1024xf32>
    %convert_element_type3A_1599 = arith.truncf %dot_general3A_1598 : vector<256x1024xf32> to vector<256x1024xbf16>
    %reduce_max3A_1600 = arith.constant dense<0xFF80> : vector<1024xbf16>
    %reduce_max3A_1601 = vector.multi_reduction <maximumf>, %convert_element_type3A_1599, %reduce_max3A_1600 [0] : vector<256x1024xbf16> to vector<1024xbf16>
    %broadcast_in_dim3A_1602 = vector.shape_cast %reduce_max3A_1601 : vector<1024xbf16> to vector<1x1024xbf16>
    %sub3A_1603 = vector.broadcast %broadcast_in_dim3A_1602 : vector<1x1024xbf16> to vector<256x1024xbf16>
    %sub3A_1604 = arith.subf %convert_element_type3A_1599, %sub3A_1603 : vector<256x1024xbf16>
    %exp23A_1605 = math.exp2 %sub3A_1604 : vector<256x1024xbf16>
    %reduce_sum3A_1606 = arith.constant dense<0.000000e+00> : vector<1024xbf16>
    %reduce_sum3A_1607 = vector.multi_reduction <add>, %exp23A_1605, %reduce_sum3A_1606 [0] : vector<256x1024xbf16> to vector<1024xbf16>
    %broadcast_in_dim3A_1608 = vector.shape_cast %reduce_sum3A_1607 : vector<1024xbf16> to vector<1x1024xbf16>
    %convert_element_type3A_1609 = arith.extf %broadcast_in_dim3A_1608 : vector<1x1024xbf16> to vector<1x1024xf32>
    %convert_element_type3A_1610 = arith.extf %broadcast_in_dim3A_1602 : vector<1x1024xbf16> to vector<1x1024xf32>
    %get3A_1611 = arith.constant 0 : index
    %get3A_1612 = arith.constant 0 : index
    %get3A_1613 = vector.load %arg5[%get3A_1611, %get3A_1612] : memref<1x1024xf32, #tpu.memory_space<vmem>>, vector<1x1024xf32>
    %max3A_1614 = arith.maximumf %get3A_1613, %convert_element_type3A_1610 : vector<1x1024xf32>
    %get3A_1615 = arith.constant 0 : index
    %get3A_1616 = arith.constant 0 : index
    %get3A_1617 = vector.load %arg6[%get3A_1615, %get3A_1616] : memref<1x1024xf32, #tpu.memory_space<vmem>>, vector<1x1024xf32>
    %sub3A_1618 = arith.subf %get3A_1613, %max3A_1614 : vector<1x1024xf32>
    %exp23A_1619 = math.exp2 %sub3A_1618 : vector<1x1024xf32>
    %mul3A_1620 = arith.mulf %get3A_1617, %exp23A_1619 : vector<1x1024xf32>
    %sub3A_1621 = arith.subf %convert_element_type3A_1610, %max3A_1614 : vector<1x1024xf32>
    %exp23A_1622 = math.exp2 %sub3A_1621 : vector<1x1024xf32>
    %mul3A_1623 = arith.mulf %convert_element_type3A_1609, %exp23A_1622 : vector<1x1024xf32>
    %add3A_1624 = arith.addf %mul3A_1620, %mul3A_1623 : vector<1x1024xf32>
    %swap3A_1625 = arith.constant 0 : index
    %swap3A_1626 = arith.constant 0 : index
    %swap3A_1627 = vector.load %arg6[%swap3A_1625, %swap3A_1626] : memref<1x1024xf32, #tpu.memory_space<vmem>>, vector<1x1024xf32>
    tpu.vector_store %arg6[%swap3A_1625, %swap3A_1626], %add3A_1624 {strides = array<i32>} : memref<1x1024xf32, #tpu.memory_space<vmem>>, vector<1x1024xf32>,
    %swap3A_1628 = arith.constant 0 : index
    %swap3A_1629 = arith.constant 0 : index
    %swap3A_1630 = vector.load %arg5[%swap3A_1628, %swap3A_1629] : memref<1x1024xf32, #tpu.memory_space<vmem>>, vector<1x1024xf32>
    tpu.vector_store %arg5[%swap3A_1628, %swap3A_1629], %max3A_1614 {strides = array<i32>} : memref<1x1024xf32, #tpu.memory_space<vmem>>, vector<1x1024xf32>,
    %get3A_1631 = arith.constant 10240 : index
    %get3A_1632 = arith.constant 0 : index
    %get3A_1633 = vector.load %arg2[%get3A_1631, %get3A_1632] : memref<16384x128xf32, #tpu.memory_space<vmem>>, vector<256x128xf32>
    %convert_element_type3A_1634 = arith.truncf %get3A_1633 : vector<256x128xf32> to vector<256x128xbf16>
    %get3A_1635 = arith.constant 0 : index
    %get3A_1636 = arith.constant 0 : index
    %get3A_1637 = vector.load %arg1[%get3A_1635, %get3A_1636] : memref<128x1024xbf16, #tpu.memory_space<vmem>>, vector<128x1024xbf16>
    %dot_general3A_1638 = arith.constant dense<0.000000e+00> : vector<256x1024xf32>
    %dot_general3A_1639 = tpu.matmul %convert_element_type3A_1634, %get3A_1637, %dot_general3A_1638 {dimension_numbers = #tpu.dot_dimension_numbers<[1], [0], [0], [1], [0, 0, 1, 1], [], []>, transpose_lhs_hint = false} : vector<256x128xbf16>, vector<128x1024xbf16>, vector<256x1024xf32> -> vector<256x1024xf32>
    %convert_element_type3A_1640 = arith.truncf %dot_general3A_1639 : vector<256x1024xf32> to vector<256x1024xbf16>
    %reduce_max3A_1641 = arith.constant dense<0xFF80> : vector<1024xbf16>
    %reduce_max3A_1642 = vector.multi_reduction <maximumf>, %convert_element_type3A_1640, %reduce_max3A_1641 [0] : vector<256x1024xbf16> to vector<1024xbf16>
    %broadcast_in_dim3A_1643 = vector.shape_cast %reduce_max3A_1642 : vector<1024xbf16> to vector<1x1024xbf16>
    %sub3A_1644 = vector.broadcast %broadcast_in_dim3A_1643 : vector<1x1024xbf16> to vector<256x1024xbf16>
    %sub3A_1645 = arith.subf %convert_element_type3A_1640, %sub3A_1644 : vector<256x1024xbf16>
    %exp23A_1646 = math.exp2 %sub3A_1645 : vector<256x1024xbf16>
    %reduce_sum3A_1647 = arith.constant dense<0.000000e+00> : vector<1024xbf16>
    %reduce_sum3A_1648 = vector.multi_reduction <add>, %exp23A_1646, %reduce_sum3A_1647 [0] : vector<256x1024xbf16> to vector<1024xbf16>
    %broadcast_in_dim3A_1649 = vector.shape_cast %reduce_sum3A_1648 : vector<1024xbf16> to vector<1x1024xbf16>
    %convert_element_type3A_1650 = arith.extf %broadcast_in_dim3A_1649 : vector<1x1024xbf16> to vector<1x1024xf32>
    %convert_element_type3A_1651 = arith.extf %broadcast_in_dim3A_1643 : vector<1x1024xbf16> to vector<1x1024xf32>
    %get3A_1652 = arith.constant 0 : index
    %get3A_1653 = arith.constant 0 : index
    %get3A_1654 = vector.load %arg5[%get3A_1652, %get3A_1653] : memref<1x1024xf32, #tpu.memory_space<vmem>>, vector<1x1024xf32>
    %max3A_1655 = arith.maximumf %get3A_1654, %convert_element_type3A_1651 : vector<1x1024xf32>
    %get3A_1656 = arith.constant 0 : index
    %get3A_1657 = arith.constant 0 : index
    %get3A_1658 = vector.load %arg6[%get3A_1656, %get3A_1657] : memref<1x1024xf32, #tpu.memory_space<vmem>>, vector<1x1024xf32>
    %sub3A_1659 = arith.subf %get3A_1654, %max3A_1655 : vector<1x1024xf32>
    %exp23A_1660 = math.exp2 %sub3A_1659 : vector<1x1024xf32>
    %mul3A_1661 = arith.mulf %get3A_1658, %exp23A_1660 : vector<1x1024xf32>
    %sub3A_1662 = arith.subf %convert_element_type3A_1651, %max3A_1655 : vector<1x1024xf32>
    %exp23A_1663 = math.exp2 %sub3A_1662 : vector<1x1024xf32>
    %mul3A_1664 = arith.mulf %convert_element_type3A_1650, %exp23A_1663 : vector<1x1024xf32>
    %add3A_1665 = arith.addf %mul3A_1661, %mul3A_1664 : vector<1x1024xf32>
    %swap3A_1666 = arith.constant 0 : index
    %swap3A_1667 = arith.constant 0 : index
    %swap3A_1668 = vector.load %arg6[%swap3A_1666, %swap3A_1667] : memref<1x1024xf32, #tpu.memory_space<vmem>>, vector<1x1024xf32>
    tpu.vector_store %arg6[%swap3A_1666, %swap3A_1667], %add3A_1665 {strides = array<i32>} : memref<1x1024xf32, #tpu.memory_space<vmem>>, vector<1x1024xf32>,
    %swap3A_1669 = arith.constant 0 : index
    %swap3A_1670 = arith.constant 0 : index
    %swap3A_1671 = vector.load %arg5[%swap3A_1669, %swap3A_1670] : memref<1x1024xf32, #tpu.memory_space<vmem>>, vector<1x1024xf32>
    tpu.vector_store %arg5[%swap3A_1669, %swap3A_1670], %max3A_1655 {strides = array<i32>} : memref<1x1024xf32, #tpu.memory_space<vmem>>, vector<1x1024xf32>,
    %get3A_1672 = arith.constant 10496 : index
    %get3A_1673 = arith.constant 0 : index
    %get3A_1674 = vector.load %arg2[%get3A_1672, %get3A_1673] : memref<16384x128xf32, #tpu.memory_space<vmem>>, vector<256x128xf32>
    %convert_element_type3A_1675 = arith.truncf %get3A_1674 : vector<256x128xf32> to vector<256x128xbf16>
    %get3A_1676 = arith.constant 0 : index
    %get3A_1677 = arith.constant 0 : index
    %get3A_1678 = vector.load %arg1[%get3A_1676, %get3A_1677] : memref<128x1024xbf16, #tpu.memory_space<vmem>>, vector<128x1024xbf16>
    %dot_general3A_1679 = arith.constant dense<0.000000e+00> : vector<256x1024xf32>
    %dot_general3A_1680 = tpu.matmul %convert_element_type3A_1675, %get3A_1678, %dot_general3A_1679 {dimension_numbers = #tpu.dot_dimension_numbers<[1], [0], [0], [1], [0, 0, 1, 1], [], []>, transpose_lhs_hint = false} : vector<256x128xbf16>, vector<128x1024xbf16>, vector<256x1024xf32> -> vector<256x1024xf32>
    %convert_element_type3A_1681 = arith.truncf %dot_general3A_1680 : vector<256x1024xf32> to vector<256x1024xbf16>
    %reduce_max3A_1682 = arith.constant dense<0xFF80> : vector<1024xbf16>
    %reduce_max3A_1683 = vector.multi_reduction <maximumf>, %convert_element_type3A_1681, %reduce_max3A_1682 [0] : vector<256x1024xbf16> to vector<1024xbf16>
    %broadcast_in_dim3A_1684 = vector.shape_cast %reduce_max3A_1683 : vector<1024xbf16> to vector<1x1024xbf16>
    %sub3A_1685 = vector.broadcast %broadcast_in_dim3A_1684 : vector<1x1024xbf16> to vector<256x1024xbf16>
    %sub3A_1686 = arith.subf %convert_element_type3A_1681, %sub3A_1685 : vector<256x1024xbf16>
    %exp23A_1687 = math.exp2 %sub3A_1686 : vector<256x1024xbf16>
    %reduce_sum3A_1688 = arith.constant dense<0.000000e+00> : vector<1024xbf16>
    %reduce_sum3A_1689 = vector.multi_reduction <add>, %exp23A_1687, %reduce_sum3A_1688 [0] : vector<256x1024xbf16> to vector<1024xbf16>
    %broadcast_in_dim3A_1690 = vector.shape_cast %reduce_sum3A_1689 : vector<1024xbf16> to vector<1x1024xbf16>
    %convert_element_type3A_1691 = arith.extf %broadcast_in_dim3A_1690 : vector<1x1024xbf16> to vector<1x1024xf32>
    %convert_element_type3A_1692 = arith.extf %broadcast_in_dim3A_1684 : vector<1x1024xbf16> to vector<1x1024xf32>
    %get3A_1693 = arith.constant 0 : index
    %get3A_1694 = arith.constant 0 : index
    %get3A_1695 = vector.load %arg5[%get3A_1693, %get3A_1694] : memref<1x1024xf32, #tpu.memory_space<vmem>>, vector<1x1024xf32>
    %max3A_1696 = arith.maximumf %get3A_1695, %convert_element_type3A_1692 : vector<1x1024xf32>
    %get3A_1697 = arith.constant 0 : index
    %get3A_1698 = arith.constant 0 : index
    %get3A_1699 = vector.load %arg6[%get3A_1697, %get3A_1698] : memref<1x1024xf32, #tpu.memory_space<vmem>>, vector<1x1024xf32>
    %sub3A_1700 = arith.subf %get3A_1695, %max3A_1696 : vector<1x1024xf32>
    %exp23A_1701 = math.exp2 %sub3A_1700 : vector<1x1024xf32>
    %mul3A_1702 = arith.mulf %get3A_1699, %exp23A_1701 : vector<1x1024xf32>
    %sub3A_1703 = arith.subf %convert_element_type3A_1692, %max3A_1696 : vector<1x1024xf32>
    %exp23A_1704 = math.exp2 %sub3A_1703 : vector<1x1024xf32>
    %mul3A_1705 = arith.mulf %convert_element_type3A_1691, %exp23A_1704 : vector<1x1024xf32>
    %add3A_1706 = arith.addf %mul3A_1702, %mul3A_1705 : vector<1x1024xf32>
    %swap3A_1707 = arith.constant 0 : index
    %swap3A_1708 = arith.constant 0 : index
    %swap3A_1709 = vector.load %arg6[%swap3A_1707, %swap3A_1708] : memref<1x1024xf32, #tpu.memory_space<vmem>>, vector<1x1024xf32>
    tpu.vector_store %arg6[%swap3A_1707, %swap3A_1708], %add3A_1706 {strides = array<i32>} : memref<1x1024xf32, #tpu.memory_space<vmem>>, vector<1x1024xf32>,
    %swap3A_1710 = arith.constant 0 : index
    %swap3A_1711 = arith.constant 0 : index
    %swap3A_1712 = vector.load %arg5[%swap3A_1710, %swap3A_1711] : memref<1x1024xf32, #tpu.memory_space<vmem>>, vector<1x1024xf32>
    tpu.vector_store %arg5[%swap3A_1710, %swap3A_1711], %max3A_1696 {strides = array<i32>} : memref<1x1024xf32, #tpu.memory_space<vmem>>, vector<1x1024xf32>,
    %get3A_1713 = arith.constant 10752 : index
    %get3A_1714 = arith.constant 0 : index
    %get3A_1715 = vector.load %arg2[%get3A_1713, %get3A_1714] : memref<16384x128xf32, #tpu.memory_space<vmem>>, vector<256x128xf32>
    %convert_element_type3A_1716 = arith.truncf %get3A_1715 : vector<256x128xf32> to vector<256x128xbf16>
    %get3A_1717 = arith.constant 0 : index
    %get3A_1718 = arith.constant 0 : index
    %get3A_1719 = vector.load %arg1[%get3A_1717, %get3A_1718] : memref<128x1024xbf16, #tpu.memory_space<vmem>>, vector<128x1024xbf16>
    %dot_general3A_1720 = arith.constant dense<0.000000e+00> : vector<256x1024xf32>
    %dot_general3A_1721 = tpu.matmul %convert_element_type3A_1716, %get3A_1719, %dot_general3A_1720 {dimension_numbers = #tpu.dot_dimension_numbers<[1], [0], [0], [1], [0, 0, 1, 1], [], []>, transpose_lhs_hint = false} : vector<256x128xbf16>, vector<128x1024xbf16>, vector<256x1024xf32> -> vector<256x1024xf32>
    %convert_element_type3A_1722 = arith.truncf %dot_general3A_1721 : vector<256x1024xf32> to vector<256x1024xbf16>
    %reduce_max3A_1723 = arith.constant dense<0xFF80> : vector<1024xbf16>
    %reduce_max3A_1724 = vector.multi_reduction <maximumf>, %convert_element_type3A_1722, %reduce_max3A_1723 [0] : vector<256x1024xbf16> to vector<1024xbf16>
    %broadcast_in_dim3A_1725 = vector.shape_cast %reduce_max3A_1724 : vector<1024xbf16> to vector<1x1024xbf16>
    %sub3A_1726 = vector.broadcast %broadcast_in_dim3A_1725 : vector<1x1024xbf16> to vector<256x1024xbf16>
    %sub3A_1727 = arith.subf %convert_element_type3A_1722, %sub3A_1726 : vector<256x1024xbf16>
    %exp23A_1728 = math.exp2 %sub3A_1727 : vector<256x1024xbf16>
    %reduce_sum3A_1729 = arith.constant dense<0.000000e+00> : vector<1024xbf16>
    %reduce_sum3A_1730 = vector.multi_reduction <add>, %exp23A_1728, %reduce_sum3A_1729 [0] : vector<256x1024xbf16> to vector<1024xbf16>
    %broadcast_in_dim3A_1731 = vector.shape_cast %reduce_sum3A_1730 : vector<1024xbf16> to vector<1x1024xbf16>
    %convert_element_type3A_1732 = arith.extf %broadcast_in_dim3A_1731 : vector<1x1024xbf16> to vector<1x1024xf32>
    %convert_element_type3A_1733 = arith.extf %broadcast_in_dim3A_1725 : vector<1x1024xbf16> to vector<1x1024xf32>
    %get3A_1734 = arith.constant 0 : index
    %get3A_1735 = arith.constant 0 : index
    %get3A_1736 = vector.load %arg5[%get3A_1734, %get3A_1735] : memref<1x1024xf32, #tpu.memory_space<vmem>>, vector<1x1024xf32>
    %max3A_1737 = arith.maximumf %get3A_1736, %convert_element_type3A_1733 : vector<1x1024xf32>
    %get3A_1738 = arith.constant 0 : index
    %get3A_1739 = arith.constant 0 : index
    %get3A_1740 = vector.load %arg6[%get3A_1738, %get3A_1739] : memref<1x1024xf32, #tpu.memory_space<vmem>>, vector<1x1024xf32>
    %sub3A_1741 = arith.subf %get3A_1736, %max3A_1737 : vector<1x1024xf32>
    %exp23A_1742 = math.exp2 %sub3A_1741 : vector<1x1024xf32>
    %mul3A_1743 = arith.mulf %get3A_1740, %exp23A_1742 : vector<1x1024xf32>
    %sub3A_1744 = arith.subf %convert_element_type3A_1733, %max3A_1737 : vector<1x1024xf32>
    %exp23A_1745 = math.exp2 %sub3A_1744 : vector<1x1024xf32>
    %mul3A_1746 = arith.mulf %convert_element_type3A_1732, %exp23A_1745 : vector<1x1024xf32>
    %add3A_1747 = arith.addf %mul3A_1743, %mul3A_1746 : vector<1x1024xf32>
    %swap3A_1748 = arith.constant 0 : index
    %swap3A_1749 = arith.constant 0 : index
    %swap3A_1750 = vector.load %arg6[%swap3A_1748, %swap3A_1749] : memref<1x1024xf32, #tpu.memory_space<vmem>>, vector<1x1024xf32>
    tpu.vector_store %arg6[%swap3A_1748, %swap3A_1749], %add3A_1747 {strides = array<i32>} : memref<1x1024xf32, #tpu.memory_space<vmem>>, vector<1x1024xf32>,
    %swap3A_1751 = arith.constant 0 : index
    %swap3A_1752 = arith.constant 0 : index
    %swap3A_1753 = vector.load %arg5[%swap3A_1751, %swap3A_1752] : memref<1x1024xf32, #tpu.memory_space<vmem>>, vector<1x1024xf32>
    tpu.vector_store %arg5[%swap3A_1751, %swap3A_1752], %max3A_1737 {strides = array<i32>} : memref<1x1024xf32, #tpu.memory_space<vmem>>, vector<1x1024xf32>,
    %get3A_1754 = arith.constant 11008 : index
    %get3A_1755 = arith.constant 0 : index
    %get3A_1756 = vector.load %arg2[%get3A_1754, %get3A_1755] : memref<16384x128xf32, #tpu.memory_space<vmem>>, vector<256x128xf32>
    %convert_element_type3A_1757 = arith.truncf %get3A_1756 : vector<256x128xf32> to vector<256x128xbf16>
    %get3A_1758 = arith.constant 0 : index
    %get3A_1759 = arith.constant 0 : index
    %get3A_1760 = vector.load %arg1[%get3A_1758, %get3A_1759] : memref<128x1024xbf16, #tpu.memory_space<vmem>>, vector<128x1024xbf16>
    %dot_general3A_1761 = arith.constant dense<0.000000e+00> : vector<256x1024xf32>
    %dot_general3A_1762 = tpu.matmul %convert_element_type3A_1757, %get3A_1760, %dot_general3A_1761 {dimension_numbers = #tpu.dot_dimension_numbers<[1], [0], [0], [1], [0, 0, 1, 1], [], []>, transpose_lhs_hint = false} : vector<256x128xbf16>, vector<128x1024xbf16>, vector<256x1024xf32> -> vector<256x1024xf32>
    %convert_element_type3A_1763 = arith.truncf %dot_general3A_1762 : vector<256x1024xf32> to vector<256x1024xbf16>
    %reduce_max3A_1764 = arith.constant dense<0xFF80> : vector<1024xbf16>
    %reduce_max3A_1765 = vector.multi_reduction <maximumf>, %convert_element_type3A_1763, %reduce_max3A_1764 [0] : vector<256x1024xbf16> to vector<1024xbf16>
    %broadcast_in_dim3A_1766 = vector.shape_cast %reduce_max3A_1765 : vector<1024xbf16> to vector<1x1024xbf16>
    %sub3A_1767 = vector.broadcast %broadcast_in_dim3A_1766 : vector<1x1024xbf16> to vector<256x1024xbf16>
    %sub3A_1768 = arith.subf %convert_element_type3A_1763, %sub3A_1767 : vector<256x1024xbf16>
    %exp23A_1769 = math.exp2 %sub3A_1768 : vector<256x1024xbf16>
    %reduce_sum3A_1770 = arith.constant dense<0.000000e+00> : vector<1024xbf16>
    %reduce_sum3A_1771 = vector.multi_reduction <add>, %exp23A_1769, %reduce_sum3A_1770 [0] : vector<256x1024xbf16> to vector<1024xbf16>
    %broadcast_in_dim3A_1772 = vector.shape_cast %reduce_sum3A_1771 : vector<1024xbf16> to vector<1x1024xbf16>
    %convert_element_type3A_1773 = arith.extf %broadcast_in_dim3A_1772 : vector<1x1024xbf16> to vector<1x1024xf32>
    %convert_element_type3A_1774 = arith.extf %broadcast_in_dim3A_1766 : vector<1x1024xbf16> to vector<1x1024xf32>
    %get3A_1775 = arith.constant 0 : index
    %get3A_1776 = arith.constant 0 : index
    %get3A_1777 = vector.load %arg5[%get3A_1775, %get3A_1776] : memref<1x1024xf32, #tpu.memory_space<vmem>>, vector<1x1024xf32>
    %max3A_1778 = arith.maximumf %get3A_1777, %convert_element_type3A_1774 : vector<1x1024xf32>
    %get3A_1779 = arith.constant 0 : index
    %get3A_1780 = arith.constant 0 : index
    %get3A_1781 = vector.load %arg6[%get3A_1779, %get3A_1780] : memref<1x1024xf32, #tpu.memory_space<vmem>>, vector<1x1024xf32>
    %sub3A_1782 = arith.subf %get3A_1777, %max3A_1778 : vector<1x1024xf32>
    %exp23A_1783 = math.exp2 %sub3A_1782 : vector<1x1024xf32>
    %mul3A_1784 = arith.mulf %get3A_1781, %exp23A_1783 : vector<1x1024xf32>
    %sub3A_1785 = arith.subf %convert_element_type3A_1774, %max3A_1778 : vector<1x1024xf32>
    %exp23A_1786 = math.exp2 %sub3A_1785 : vector<1x1024xf32>
    %mul3A_1787 = arith.mulf %convert_element_type3A_1773, %exp23A_1786 : vector<1x1024xf32>
    %add3A_1788 = arith.addf %mul3A_1784, %mul3A_1787 : vector<1x1024xf32>
    %swap3A_1789 = arith.constant 0 : index
    %swap3A_1790 = arith.constant 0 : index
    %swap3A_1791 = vector.load %arg6[%swap3A_1789, %swap3A_1790] : memref<1x1024xf32, #tpu.memory_space<vmem>>, vector<1x1024xf32>
    tpu.vector_store %arg6[%swap3A_1789, %swap3A_1790], %add3A_1788 {strides = array<i32>} : memref<1x1024xf32, #tpu.memory_space<vmem>>, vector<1x1024xf32>,
    %swap3A_1792 = arith.constant 0 : index
    %swap3A_1793 = arith.constant 0 : index
    %swap3A_1794 = vector.load %arg5[%swap3A_1792, %swap3A_1793] : memref<1x1024xf32, #tpu.memory_space<vmem>>, vector<1x1024xf32>
    tpu.vector_store %arg5[%swap3A_1792, %swap3A_1793], %max3A_1778 {strides = array<i32>} : memref<1x1024xf32, #tpu.memory_space<vmem>>, vector<1x1024xf32>,
    %get3A_1795 = arith.constant 11264 : index
    %get3A_1796 = arith.constant 0 : index
    %get3A_1797 = vector.load %arg2[%get3A_1795, %get3A_1796] : memref<16384x128xf32, #tpu.memory_space<vmem>>, vector<256x128xf32>
    %convert_element_type3A_1798 = arith.truncf %get3A_1797 : vector<256x128xf32> to vector<256x128xbf16>
    %get3A_1799 = arith.constant 0 : index
    %get3A_1800 = arith.constant 0 : index
    %get3A_1801 = vector.load %arg1[%get3A_1799, %get3A_1800] : memref<128x1024xbf16, #tpu.memory_space<vmem>>, vector<128x1024xbf16>
    %dot_general3A_1802 = arith.constant dense<0.000000e+00> : vector<256x1024xf32>
    %dot_general3A_1803 = tpu.matmul %convert_element_type3A_1798, %get3A_1801, %dot_general3A_1802 {dimension_numbers = #tpu.dot_dimension_numbers<[1], [0], [0], [1], [0, 0, 1, 1], [], []>, transpose_lhs_hint = false} : vector<256x128xbf16>, vector<128x1024xbf16>, vector<256x1024xf32> -> vector<256x1024xf32>
    %convert_element_type3A_1804 = arith.truncf %dot_general3A_1803 : vector<256x1024xf32> to vector<256x1024xbf16>
    %reduce_max3A_1805 = arith.constant dense<0xFF80> : vector<1024xbf16>
    %reduce_max3A_1806 = vector.multi_reduction <maximumf>, %convert_element_type3A_1804, %reduce_max3A_1805 [0] : vector<256x1024xbf16> to vector<1024xbf16>
    %broadcast_in_dim3A_1807 = vector.shape_cast %reduce_max3A_1806 : vector<1024xbf16> to vector<1x1024xbf16>
    %sub3A_1808 = vector.broadcast %broadcast_in_dim3A_1807 : vector<1x1024xbf16> to vector<256x1024xbf16>
    %sub3A_1809 = arith.subf %convert_element_type3A_1804, %sub3A_1808 : vector<256x1024xbf16>
    %exp23A_1810 = math.exp2 %sub3A_1809 : vector<256x1024xbf16>
    %reduce_sum3A_1811 = arith.constant dense<0.000000e+00> : vector<1024xbf16>
    %reduce_sum3A_1812 = vector.multi_reduction <add>, %exp23A_1810, %reduce_sum3A_1811 [0] : vector<256x1024xbf16> to vector<1024xbf16>
    %broadcast_in_dim3A_1813 = vector.shape_cast %reduce_sum3A_1812 : vector<1024xbf16> to vector<1x1024xbf16>
    %convert_element_type3A_1814 = arith.extf %broadcast_in_dim3A_1813 : vector<1x1024xbf16> to vector<1x1024xf32>
    %convert_element_type3A_1815 = arith.extf %broadcast_in_dim3A_1807 : vector<1x1024xbf16> to vector<1x1024xf32>
    %get3A_1816 = arith.constant 0 : index
    %get3A_1817 = arith.constant 0 : index
    %get3A_1818 = vector.load %arg5[%get3A_1816, %get3A_1817] : memref<1x1024xf32, #tpu.memory_space<vmem>>, vector<1x1024xf32>
    %max3A_1819 = arith.maximumf %get3A_1818, %convert_element_type3A_1815 : vector<1x1024xf32>
    %get3A_1820 = arith.constant 0 : index
    %get3A_1821 = arith.constant 0 : index
    %get3A_1822 = vector.load %arg6[%get3A_1820, %get3A_1821] : memref<1x1024xf32, #tpu.memory_space<vmem>>, vector<1x1024xf32>
    %sub3A_1823 = arith.subf %get3A_1818, %max3A_1819 : vector<1x1024xf32>
    %exp23A_1824 = math.exp2 %sub3A_1823 : vector<1x1024xf32>
    %mul3A_1825 = arith.mulf %get3A_1822, %exp23A_1824 : vector<1x1024xf32>
    %sub3A_1826 = arith.subf %convert_element_type3A_1815, %max3A_1819 : vector<1x1024xf32>
    %exp23A_1827 = math.exp2 %sub3A_1826 : vector<1x1024xf32>
    %mul3A_1828 = arith.mulf %convert_element_type3A_1814, %exp23A_1827 : vector<1x1024xf32>
    %add3A_1829 = arith.addf %mul3A_1825, %mul3A_1828 : vector<1x1024xf32>
    %swap3A_1830 = arith.constant 0 : index
    %swap3A_1831 = arith.constant 0 : index
    %swap3A_1832 = vector.load %arg6[%swap3A_1830, %swap3A_1831] : memref<1x1024xf32, #tpu.memory_space<vmem>>, vector<1x1024xf32>
    tpu.vector_store %arg6[%swap3A_1830, %swap3A_1831], %add3A_1829 {strides = array<i32>} : memref<1x1024xf32, #tpu.memory_space<vmem>>, vector<1x1024xf32>,
    %swap3A_1833 = arith.constant 0 : index
    %swap3A_1834 = arith.constant 0 : index
    %swap3A_1835 = vector.load %arg5[%swap3A_1833, %swap3A_1834] : memref<1x1024xf32, #tpu.memory_space<vmem>>, vector<1x1024xf32>
    tpu.vector_store %arg5[%swap3A_1833, %swap3A_1834], %max3A_1819 {strides = array<i32>} : memref<1x1024xf32, #tpu.memory_space<vmem>>, vector<1x1024xf32>,
    %get3A_1836 = arith.constant 11520 : index
    %get3A_1837 = arith.constant 0 : index
    %get3A_1838 = vector.load %arg2[%get3A_1836, %get3A_1837] : memref<16384x128xf32, #tpu.memory_space<vmem>>, vector<256x128xf32>
    %convert_element_type3A_1839 = arith.truncf %get3A_1838 : vector<256x128xf32> to vector<256x128xbf16>
    %get3A_1840 = arith.constant 0 : index
    %get3A_1841 = arith.constant 0 : index
    %get3A_1842 = vector.load %arg1[%get3A_1840, %get3A_1841] : memref<128x1024xbf16, #tpu.memory_space<vmem>>, vector<128x1024xbf16>
    %dot_general3A_1843 = arith.constant dense<0.000000e+00> : vector<256x1024xf32>
    %dot_general3A_1844 = tpu.matmul %convert_element_type3A_1839, %get3A_1842, %dot_general3A_1843 {dimension_numbers = #tpu.dot_dimension_numbers<[1], [0], [0], [1], [0, 0, 1, 1], [], []>, transpose_lhs_hint = false} : vector<256x128xbf16>, vector<128x1024xbf16>, vector<256x1024xf32> -> vector<256x1024xf32>
    %convert_element_type3A_1845 = arith.truncf %dot_general3A_1844 : vector<256x1024xf32> to vector<256x1024xbf16>
    %reduce_max3A_1846 = arith.constant dense<0xFF80> : vector<1024xbf16>
    %reduce_max3A_1847 = vector.multi_reduction <maximumf>, %convert_element_type3A_1845, %reduce_max3A_1846 [0] : vector<256x1024xbf16> to vector<1024xbf16>
    %broadcast_in_dim3A_1848 = vector.shape_cast %reduce_max3A_1847 : vector<1024xbf16> to vector<1x1024xbf16>
    %sub3A_1849 = vector.broadcast %broadcast_in_dim3A_1848 : vector<1x1024xbf16> to vector<256x1024xbf16>
    %sub3A_1850 = arith.subf %convert_element_type3A_1845, %sub3A_1849 : vector<256x1024xbf16>
    %exp23A_1851 = math.exp2 %sub3A_1850 : vector<256x1024xbf16>
    %reduce_sum3A_1852 = arith.constant dense<0.000000e+00> : vector<1024xbf16>
    %reduce_sum3A_1853 = vector.multi_reduction <add>, %exp23A_1851, %reduce_sum3A_1852 [0] : vector<256x1024xbf16> to vector<1024xbf16>
    %broadcast_in_dim3A_1854 = vector.shape_cast %reduce_sum3A_1853 : vector<1024xbf16> to vector<1x1024xbf16>
    %convert_element_type3A_1855 = arith.extf %broadcast_in_dim3A_1854 : vector<1x1024xbf16> to vector<1x1024xf32>
    %convert_element_type3A_1856 = arith.extf %broadcast_in_dim3A_1848 : vector<1x1024xbf16> to vector<1x1024xf32>
    %get3A_1857 = arith.constant 0 : index
    %get3A_1858 = arith.constant 0 : index
    %get3A_1859 = vector.load %arg5[%get3A_1857, %get3A_1858] : memref<1x1024xf32, #tpu.memory_space<vmem>>, vector<1x1024xf32>
    %max3A_1860 = arith.maximumf %get3A_1859, %convert_element_type3A_1856 : vector<1x1024xf32>
    %get3A_1861 = arith.constant 0 : index
    %get3A_1862 = arith.constant 0 : index
    %get3A_1863 = vector.load %arg6[%get3A_1861, %get3A_1862] : memref<1x1024xf32, #tpu.memory_space<vmem>>, vector<1x1024xf32>
    %sub3A_1864 = arith.subf %get3A_1859, %max3A_1860 : vector<1x1024xf32>
    %exp23A_1865 = math.exp2 %sub3A_1864 : vector<1x1024xf32>
    %mul3A_1866 = arith.mulf %get3A_1863, %exp23A_1865 : vector<1x1024xf32>
    %sub3A_1867 = arith.subf %convert_element_type3A_1856, %max3A_1860 : vector<1x1024xf32>
    %exp23A_1868 = math.exp2 %sub3A_1867 : vector<1x1024xf32>
    %mul3A_1869 = arith.mulf %convert_element_type3A_1855, %exp23A_1868 : vector<1x1024xf32>
    %add3A_1870 = arith.addf %mul3A_1866, %mul3A_1869 : vector<1x1024xf32>
    %swap3A_1871 = arith.constant 0 : index
    %swap3A_1872 = arith.constant 0 : index
    %swap3A_1873 = vector.load %arg6[%swap3A_1871, %swap3A_1872] : memref<1x1024xf32, #tpu.memory_space<vmem>>, vector<1x1024xf32>
    tpu.vector_store %arg6[%swap3A_1871, %swap3A_1872], %add3A_1870 {strides = array<i32>} : memref<1x1024xf32, #tpu.memory_space<vmem>>, vector<1x1024xf32>,
    %swap3A_1874 = arith.constant 0 : index
    %swap3A_1875 = arith.constant 0 : index
    %swap3A_1876 = vector.load %arg5[%swap3A_1874, %swap3A_1875] : memref<1x1024xf32, #tpu.memory_space<vmem>>, vector<1x1024xf32>
    tpu.vector_store %arg5[%swap3A_1874, %swap3A_1875], %max3A_1860 {strides = array<i32>} : memref<1x1024xf32, #tpu.memory_space<vmem>>, vector<1x1024xf32>,
    %get3A_1877 = arith.constant 11776 : index
    %get3A_1878 = arith.constant 0 : index
    %get3A_1879 = vector.load %arg2[%get3A_1877, %get3A_1878] : memref<16384x128xf32, #tpu.memory_space<vmem>>, vector<256x128xf32>
    %convert_element_type3A_1880 = arith.truncf %get3A_1879 : vector<256x128xf32> to vector<256x128xbf16>
    %get3A_1881 = arith.constant 0 : index
    %get3A_1882 = arith.constant 0 : index
    %get3A_1883 = vector.load %arg1[%get3A_1881, %get3A_1882] : memref<128x1024xbf16, #tpu.memory_space<vmem>>, vector<128x1024xbf16>
    %dot_general3A_1884 = arith.constant dense<0.000000e+00> : vector<256x1024xf32>
    %dot_general3A_1885 = tpu.matmul %convert_element_type3A_1880, %get3A_1883, %dot_general3A_1884 {dimension_numbers = #tpu.dot_dimension_numbers<[1], [0], [0], [1], [0, 0, 1, 1], [], []>, transpose_lhs_hint = false} : vector<256x128xbf16>, vector<128x1024xbf16>, vector<256x1024xf32> -> vector<256x1024xf32>
    %convert_element_type3A_1886 = arith.truncf %dot_general3A_1885 : vector<256x1024xf32> to vector<256x1024xbf16>
    %reduce_max3A_1887 = arith.constant dense<0xFF80> : vector<1024xbf16>
    %reduce_max3A_1888 = vector.multi_reduction <maximumf>, %convert_element_type3A_1886, %reduce_max3A_1887 [0] : vector<256x1024xbf16> to vector<1024xbf16>
    %broadcast_in_dim3A_1889 = vector.shape_cast %reduce_max3A_1888 : vector<1024xbf16> to vector<1x1024xbf16>
    %sub3A_1890 = vector.broadcast %broadcast_in_dim3A_1889 : vector<1x1024xbf16> to vector<256x1024xbf16>
    %sub3A_1891 = arith.subf %convert_element_type3A_1886, %sub3A_1890 : vector<256x1024xbf16>
    %exp23A_1892 = math.exp2 %sub3A_1891 : vector<256x1024xbf16>
    %reduce_sum3A_1893 = arith.constant dense<0.000000e+00> : vector<1024xbf16>
    %reduce_sum3A_1894 = vector.multi_reduction <add>, %exp23A_1892, %reduce_sum3A_1893 [0] : vector<256x1024xbf16> to vector<1024xbf16>
    %broadcast_in_dim3A_1895 = vector.shape_cast %reduce_sum3A_1894 : vector<1024xbf16> to vector<1x1024xbf16>
    %convert_element_type3A_1896 = arith.extf %broadcast_in_dim3A_1895 : vector<1x1024xbf16> to vector<1x1024xf32>
    %convert_element_type3A_1897 = arith.extf %broadcast_in_dim3A_1889 : vector<1x1024xbf16> to vector<1x1024xf32>
    %get3A_1898 = arith.constant 0 : index
    %get3A_1899 = arith.constant 0 : index
    %get3A_1900 = vector.load %arg5[%get3A_1898, %get3A_1899] : memref<1x1024xf32, #tpu.memory_space<vmem>>, vector<1x1024xf32>
    %max3A_1901 = arith.maximumf %get3A_1900, %convert_element_type3A_1897 : vector<1x1024xf32>
    %get3A_1902 = arith.constant 0 : index
    %get3A_1903 = arith.constant 0 : index
    %get3A_1904 = vector.load %arg6[%get3A_1902, %get3A_1903] : memref<1x1024xf32, #tpu.memory_space<vmem>>, vector<1x1024xf32>
    %sub3A_1905 = arith.subf %get3A_1900, %max3A_1901 : vector<1x1024xf32>
    %exp23A_1906 = math.exp2 %sub3A_1905 : vector<1x1024xf32>
    %mul3A_1907 = arith.mulf %get3A_1904, %exp23A_1906 : vector<1x1024xf32>
    %sub3A_1908 = arith.subf %convert_element_type3A_1897, %max3A_1901 : vector<1x1024xf32>
    %exp23A_1909 = math.exp2 %sub3A_1908 : vector<1x1024xf32>
    %mul3A_1910 = arith.mulf %convert_element_type3A_1896, %exp23A_1909 : vector<1x1024xf32>
    %add3A_1911 = arith.addf %mul3A_1907, %mul3A_1910 : vector<1x1024xf32>
    %swap3A_1912 = arith.constant 0 : index
    %swap3A_1913 = arith.constant 0 : index
    %swap3A_1914 = vector.load %arg6[%swap3A_1912, %swap3A_1913] : memref<1x1024xf32, #tpu.memory_space<vmem>>, vector<1x1024xf32>
    tpu.vector_store %arg6[%swap3A_1912, %swap3A_1913], %add3A_1911 {strides = array<i32>} : memref<1x1024xf32, #tpu.memory_space<vmem>>, vector<1x1024xf32>,
    %swap3A_1915 = arith.constant 0 : index
    %swap3A_1916 = arith.constant 0 : index
    %swap3A_1917 = vector.load %arg5[%swap3A_1915, %swap3A_1916] : memref<1x1024xf32, #tpu.memory_space<vmem>>, vector<1x1024xf32>
    tpu.vector_store %arg5[%swap3A_1915, %swap3A_1916], %max3A_1901 {strides = array<i32>} : memref<1x1024xf32, #tpu.memory_space<vmem>>, vector<1x1024xf32>,
    %get3A_1918 = arith.constant 12032 : index
    %get3A_1919 = arith.constant 0 : index
    %get3A_1920 = vector.load %arg2[%get3A_1918, %get3A_1919] : memref<16384x128xf32, #tpu.memory_space<vmem>>, vector<256x128xf32>
    %convert_element_type3A_1921 = arith.truncf %get3A_1920 : vector<256x128xf32> to vector<256x128xbf16>
    %get3A_1922 = arith.constant 0 : index
    %get3A_1923 = arith.constant 0 : index
    %get3A_1924 = vector.load %arg1[%get3A_1922, %get3A_1923] : memref<128x1024xbf16, #tpu.memory_space<vmem>>, vector<128x1024xbf16>
    %dot_general3A_1925 = arith.constant dense<0.000000e+00> : vector<256x1024xf32>
    %dot_general3A_1926 = tpu.matmul %convert_element_type3A_1921, %get3A_1924, %dot_general3A_1925 {dimension_numbers = #tpu.dot_dimension_numbers<[1], [0], [0], [1], [0, 0, 1, 1], [], []>, transpose_lhs_hint = false} : vector<256x128xbf16>, vector<128x1024xbf16>, vector<256x1024xf32> -> vector<256x1024xf32>
    %convert_element_type3A_1927 = arith.truncf %dot_general3A_1926 : vector<256x1024xf32> to vector<256x1024xbf16>
    %reduce_max3A_1928 = arith.constant dense<0xFF80> : vector<1024xbf16>
    %reduce_max3A_1929 = vector.multi_reduction <maximumf>, %convert_element_type3A_1927, %reduce_max3A_1928 [0] : vector<256x1024xbf16> to vector<1024xbf16>
    %broadcast_in_dim3A_1930 = vector.shape_cast %reduce_max3A_1929 : vector<1024xbf16> to vector<1x1024xbf16>
    %sub3A_1931 = vector.broadcast %broadcast_in_dim3A_1930 : vector<1x1024xbf16> to vector<256x1024xbf16>
    %sub3A_1932 = arith.subf %convert_element_type3A_1927, %sub3A_1931 : vector<256x1024xbf16>
    %exp23A_1933 = math.exp2 %sub3A_1932 : vector<256x1024xbf16>
    %reduce_sum3A_1934 = arith.constant dense<0.000000e+00> : vector<1024xbf16>
    %reduce_sum3A_1935 = vector.multi_reduction <add>, %exp23A_1933, %reduce_sum3A_1934 [0] : vector<256x1024xbf16> to vector<1024xbf16>
    %broadcast_in_dim3A_1936 = vector.shape_cast %reduce_sum3A_1935 : vector<1024xbf16> to vector<1x1024xbf16>
    %convert_element_type3A_1937 = arith.extf %broadcast_in_dim3A_1936 : vector<1x1024xbf16> to vector<1x1024xf32>
    %convert_element_type3A_1938 = arith.extf %broadcast_in_dim3A_1930 : vector<1x1024xbf16> to vector<1x1024xf32>
    %get3A_1939 = arith.constant 0 : index
    %get3A_1940 = arith.constant 0 : index
    %get3A_1941 = vector.load %arg5[%get3A_1939, %get3A_1940] : memref<1x1024xf32, #tpu.memory_space<vmem>>, vector<1x1024xf32>
    %max3A_1942 = arith.maximumf %get3A_1941, %convert_element_type3A_1938 : vector<1x1024xf32>
    %get3A_1943 = arith.constant 0 : index
    %get3A_1944 = arith.constant 0 : index
    %get3A_1945 = vector.load %arg6[%get3A_1943, %get3A_1944] : memref<1x1024xf32, #tpu.memory_space<vmem>>, vector<1x1024xf32>
    %sub3A_1946 = arith.subf %get3A_1941, %max3A_1942 : vector<1x1024xf32>
    %exp23A_1947 = math.exp2 %sub3A_1946 : vector<1x1024xf32>
    %mul3A_1948 = arith.mulf %get3A_1945, %exp23A_1947 : vector<1x1024xf32>
    %sub3A_1949 = arith.subf %convert_element_type3A_1938, %max3A_1942 : vector<1x1024xf32>
    %exp23A_1950 = math.exp2 %sub3A_1949 : vector<1x1024xf32>
    %mul3A_1951 = arith.mulf %convert_element_type3A_1937, %exp23A_1950 : vector<1x1024xf32>
    %add3A_1952 = arith.addf %mul3A_1948, %mul3A_1951 : vector<1x1024xf32>
    %swap3A_1953 = arith.constant 0 : index
    %swap3A_1954 = arith.constant 0 : index
    %swap3A_1955 = vector.load %arg6[%swap3A_1953, %swap3A_1954] : memref<1x1024xf32, #tpu.memory_space<vmem>>, vector<1x1024xf32>
    tpu.vector_store %arg6[%swap3A_1953, %swap3A_1954], %add3A_1952 {strides = array<i32>} : memref<1x1024xf32, #tpu.memory_space<vmem>>, vector<1x1024xf32>,
    %swap3A_1956 = arith.constant 0 : index
    %swap3A_1957 = arith.constant 0 : index
    %swap3A_1958 = vector.load %arg5[%swap3A_1956, %swap3A_1957] : memref<1x1024xf32, #tpu.memory_space<vmem>>, vector<1x1024xf32>
    tpu.vector_store %arg5[%swap3A_1956, %swap3A_1957], %max3A_1942 {strides = array<i32>} : memref<1x1024xf32, #tpu.memory_space<vmem>>, vector<1x1024xf32>,
    %get3A_1959 = arith.constant 12288 : index
    %get3A_1960 = arith.constant 0 : index
    %get3A_1961 = vector.load %arg2[%get3A_1959, %get3A_1960] : memref<16384x128xf32, #tpu.memory_space<vmem>>, vector<256x128xf32>
    %convert_element_type3A_1962 = arith.truncf %get3A_1961 : vector<256x128xf32> to vector<256x128xbf16>
    %get3A_1963 = arith.constant 0 : index
    %get3A_1964 = arith.constant 0 : index
    %get3A_1965 = vector.load %arg1[%get3A_1963, %get3A_1964] : memref<128x1024xbf16, #tpu.memory_space<vmem>>, vector<128x1024xbf16>
    %dot_general3A_1966 = arith.constant dense<0.000000e+00> : vector<256x1024xf32>
    %dot_general3A_1967 = tpu.matmul %convert_element_type3A_1962, %get3A_1965, %dot_general3A_1966 {dimension_numbers = #tpu.dot_dimension_numbers<[1], [0], [0], [1], [0, 0, 1, 1], [], []>, transpose_lhs_hint = false} : vector<256x128xbf16>, vector<128x1024xbf16>, vector<256x1024xf32> -> vector<256x1024xf32>
    %convert_element_type3A_1968 = arith.truncf %dot_general3A_1967 : vector<256x1024xf32> to vector<256x1024xbf16>
    %reduce_max3A_1969 = arith.constant dense<0xFF80> : vector<1024xbf16>
    %reduce_max3A_1970 = vector.multi_reduction <maximumf>, %convert_element_type3A_1968, %reduce_max3A_1969 [0] : vector<256x1024xbf16> to vector<1024xbf16>
    %broadcast_in_dim3A_1971 = vector.shape_cast %reduce_max3A_1970 : vector<1024xbf16> to vector<1x1024xbf16>
    %sub3A_1972 = vector.broadcast %broadcast_in_dim3A_1971 : vector<1x1024xbf16> to vector<256x1024xbf16>
    %sub3A_1973 = arith.subf %convert_element_type3A_1968, %sub3A_1972 : vector<256x1024xbf16>
    %exp23A_1974 = math.exp2 %sub3A_1973 : vector<256x1024xbf16>
    %reduce_sum3A_1975 = arith.constant dense<0.000000e+00> : vector<1024xbf16>
    %reduce_sum3A_1976 = vector.multi_reduction <add>, %exp23A_1974, %reduce_sum3A_1975 [0] : vector<256x1024xbf16> to vector<1024xbf16>
    %broadcast_in_dim3A_1977 = vector.shape_cast %reduce_sum3A_1976 : vector<1024xbf16> to vector<1x1024xbf16>
    %convert_element_type3A_1978 = arith.extf %broadcast_in_dim3A_1977 : vector<1x1024xbf16> to vector<1x1024xf32>
    %convert_element_type3A_1979 = arith.extf %broadcast_in_dim3A_1971 : vector<1x1024xbf16> to vector<1x1024xf32>
    %get3A_1980 = arith.constant 0 : index
    %get3A_1981 = arith.constant 0 : index
    %get3A_1982 = vector.load %arg5[%get3A_1980, %get3A_1981] : memref<1x1024xf32, #tpu.memory_space<vmem>>, vector<1x1024xf32>
    %max3A_1983 = arith.maximumf %get3A_1982, %convert_element_type3A_1979 : vector<1x1024xf32>
    %get3A_1984 = arith.constant 0 : index
    %get3A_1985 = arith.constant 0 : index
    %get3A_1986 = vector.load %arg6[%get3A_1984, %get3A_1985] : memref<1x1024xf32, #tpu.memory_space<vmem>>, vector<1x1024xf32>
    %sub3A_1987 = arith.subf %get3A_1982, %max3A_1983 : vector<1x1024xf32>
    %exp23A_1988 = math.exp2 %sub3A_1987 : vector<1x1024xf32>
    %mul3A_1989 = arith.mulf %get3A_1986, %exp23A_1988 : vector<1x1024xf32>
    %sub3A_1990 = arith.subf %convert_element_type3A_1979, %max3A_1983 : vector<1x1024xf32>
    %exp23A_1991 = math.exp2 %sub3A_1990 : vector<1x1024xf32>
    %mul3A_1992 = arith.mulf %convert_element_type3A_1978, %exp23A_1991 : vector<1x1024xf32>
    %add3A_1993 = arith.addf %mul3A_1989, %mul3A_1992 : vector<1x1024xf32>
    %swap3A_1994 = arith.constant 0 : index
    %swap3A_1995 = arith.constant 0 : index
    %swap3A_1996 = vector.load %arg6[%swap3A_1994, %swap3A_1995] : memref<1x1024xf32, #tpu.memory_space<vmem>>, vector<1x1024xf32>
    tpu.vector_store %arg6[%swap3A_1994, %swap3A_1995], %add3A_1993 {strides = array<i32>} : memref<1x1024xf32, #tpu.memory_space<vmem>>, vector<1x1024xf32>,
    %swap3A_1997 = arith.constant 0 : index
    %swap3A_1998 = arith.constant 0 : index
    %swap3A_1999 = vector.load %arg5[%swap3A_1997, %swap3A_1998] : memref<1x1024xf32, #tpu.memory_space<vmem>>, vector<1x1024xf32>
    tpu.vector_store %arg5[%swap3A_1997, %swap3A_1998], %max3A_1983 {strides = array<i32>} : memref<1x1024xf32, #tpu.memory_space<vmem>>, vector<1x1024xf32>,
    %get3A_2000 = arith.constant 12544 : index
    %get3A_2001 = arith.constant 0 : index
    %get3A_2002 = vector.load %arg2[%get3A_2000, %get3A_2001] : memref<16384x128xf32, #tpu.memory_space<vmem>>, vector<256x128xf32>
    %convert_element_type3A_2003 = arith.truncf %get3A_2002 : vector<256x128xf32> to vector<256x128xbf16>
    %get3A_2004 = arith.constant 0 : index
    %get3A_2005 = arith.constant 0 : index
    %get3A_2006 = vector.load %arg1[%get3A_2004, %get3A_2005] : memref<128x1024xbf16, #tpu.memory_space<vmem>>, vector<128x1024xbf16>
    %dot_general3A_2007 = arith.constant dense<0.000000e+00> : vector<256x1024xf32>
    %dot_general3A_2008 = tpu.matmul %convert_element_type3A_2003, %get3A_2006, %dot_general3A_2007 {dimension_numbers = #tpu.dot_dimension_numbers<[1], [0], [0], [1], [0, 0, 1, 1], [], []>, transpose_lhs_hint = false} : vector<256x128xbf16>, vector<128x1024xbf16>, vector<256x1024xf32> -> vector<256x1024xf32>
    %convert_element_type3A_2009 = arith.truncf %dot_general3A_2008 : vector<256x1024xf32> to vector<256x1024xbf16>
    %reduce_max3A_2010 = arith.constant dense<0xFF80> : vector<1024xbf16>
    %reduce_max3A_2011 = vector.multi_reduction <maximumf>, %convert_element_type3A_2009, %reduce_max3A_2010 [0] : vector<256x1024xbf16> to vector<1024xbf16>
    %broadcast_in_dim3A_2012 = vector.shape_cast %reduce_max3A_2011 : vector<1024xbf16> to vector<1x1024xbf16>
    %sub3A_2013 = vector.broadcast %broadcast_in_dim3A_2012 : vector<1x1024xbf16> to vector<256x1024xbf16>
    %sub3A_2014 = arith.subf %convert_element_type3A_2009, %sub3A_2013 : vector<256x1024xbf16>
    %exp23A_2015 = math.exp2 %sub3A_2014 : vector<256x1024xbf16>
    %reduce_sum3A_2016 = arith.constant dense<0.000000e+00> : vector<1024xbf16>
    %reduce_sum3A_2017 = vector.multi_reduction <add>, %exp23A_2015, %reduce_sum3A_2016 [0] : vector<256x1024xbf16> to vector<1024xbf16>
    %broadcast_in_dim3A_2018 = vector.shape_cast %reduce_sum3A_2017 : vector<1024xbf16> to vector<1x1024xbf16>
    %convert_element_type3A_2019 = arith.extf %broadcast_in_dim3A_2018 : vector<1x1024xbf16> to vector<1x1024xf32>
    %convert_element_type3A_2020 = arith.extf %broadcast_in_dim3A_2012 : vector<1x1024xbf16> to vector<1x1024xf32>
    %get3A_2021 = arith.constant 0 : index
    %get3A_2022 = arith.constant 0 : index
    %get3A_2023 = vector.load %arg5[%get3A_2021, %get3A_2022] : memref<1x1024xf32, #tpu.memory_space<vmem>>, vector<1x1024xf32>
    %max3A_2024 = arith.maximumf %get3A_2023, %convert_element_type3A_2020 : vector<1x1024xf32>
    %get3A_2025 = arith.constant 0 : index
    %get3A_2026 = arith.constant 0 : index
    %get3A_2027 = vector.load %arg6[%get3A_2025, %get3A_2026] : memref<1x1024xf32, #tpu.memory_space<vmem>>, vector<1x1024xf32>
    %sub3A_2028 = arith.subf %get3A_2023, %max3A_2024 : vector<1x1024xf32>
    %exp23A_2029 = math.exp2 %sub3A_2028 : vector<1x1024xf32>
    %mul3A_2030 = arith.mulf %get3A_2027, %exp23A_2029 : vector<1x1024xf32>
    %sub3A_2031 = arith.subf %convert_element_type3A_2020, %max3A_2024 : vector<1x1024xf32>
    %exp23A_2032 = math.exp2 %sub3A_2031 : vector<1x1024xf32>
    %mul3A_2033 = arith.mulf %convert_element_type3A_2019, %exp23A_2032 : vector<1x1024xf32>
    %add3A_2034 = arith.addf %mul3A_2030, %mul3A_2033 : vector<1x1024xf32>
    %swap3A_2035 = arith.constant 0 : index
    %swap3A_2036 = arith.constant 0 : index
    %swap3A_2037 = vector.load %arg6[%swap3A_2035, %swap3A_2036] : memref<1x1024xf32, #tpu.memory_space<vmem>>, vector<1x1024xf32>
    tpu.vector_store %arg6[%swap3A_2035, %swap3A_2036], %add3A_2034 {strides = array<i32>} : memref<1x1024xf32, #tpu.memory_space<vmem>>, vector<1x1024xf32>,
    %swap3A_2038 = arith.constant 0 : index
    %swap3A_2039 = arith.constant 0 : index
    %swap3A_2040 = vector.load %arg5[%swap3A_2038, %swap3A_2039] : memref<1x1024xf32, #tpu.memory_space<vmem>>, vector<1x1024xf32>
    tpu.vector_store %arg5[%swap3A_2038, %swap3A_2039], %max3A_2024 {strides = array<i32>} : memref<1x1024xf32, #tpu.memory_space<vmem>>, vector<1x1024xf32>,
    %get3A_2041 = arith.constant 12800 : index
    %get3A_2042 = arith.constant 0 : index
    %get3A_2043 = vector.load %arg2[%get3A_2041, %get3A_2042] : memref<16384x128xf32, #tpu.memory_space<vmem>>, vector<256x128xf32>
    %convert_element_type3A_2044 = arith.truncf %get3A_2043 : vector<256x128xf32> to vector<256x128xbf16>
    %get3A_2045 = arith.constant 0 : index
    %get3A_2046 = arith.constant 0 : index
    %get3A_2047 = vector.load %arg1[%get3A_2045, %get3A_2046] : memref<128x1024xbf16, #tpu.memory_space<vmem>>, vector<128x1024xbf16>
    %dot_general3A_2048 = arith.constant dense<0.000000e+00> : vector<256x1024xf32>
    %dot_general3A_2049 = tpu.matmul %convert_element_type3A_2044, %get3A_2047, %dot_general3A_2048 {dimension_numbers = #tpu.dot_dimension_numbers<[1], [0], [0], [1], [0, 0, 1, 1], [], []>, transpose_lhs_hint = false} : vector<256x128xbf16>, vector<128x1024xbf16>, vector<256x1024xf32> -> vector<256x1024xf32>
    %convert_element_type3A_2050 = arith.truncf %dot_general3A_2049 : vector<256x1024xf32> to vector<256x1024xbf16>
    %reduce_max3A_2051 = arith.constant dense<0xFF80> : vector<1024xbf16>
    %reduce_max3A_2052 = vector.multi_reduction <maximumf>, %convert_element_type3A_2050, %reduce_max3A_2051 [0] : vector<256x1024xbf16> to vector<1024xbf16>
    %broadcast_in_dim3A_2053 = vector.shape_cast %reduce_max3A_2052 : vector<1024xbf16> to vector<1x1024xbf16>
    %sub3A_2054 = vector.broadcast %broadcast_in_dim3A_2053 : vector<1x1024xbf16> to vector<256x1024xbf16>
    %sub3A_2055 = arith.subf %convert_element_type3A_2050, %sub3A_2054 : vector<256x1024xbf16>
    %exp23A_2056 = math.exp2 %sub3A_2055 : vector<256x1024xbf16>
    %reduce_sum3A_2057 = arith.constant dense<0.000000e+00> : vector<1024xbf16>
    %reduce_sum3A_2058 = vector.multi_reduction <add>, %exp23A_2056, %reduce_sum3A_2057 [0] : vector<256x1024xbf16> to vector<1024xbf16>
    %broadcast_in_dim3A_2059 = vector.shape_cast %reduce_sum3A_2058 : vector<1024xbf16> to vector<1x1024xbf16>
    %convert_element_type3A_2060 = arith.extf %broadcast_in_dim3A_2059 : vector<1x1024xbf16> to vector<1x1024xf32>
    %convert_element_type3A_2061 = arith.extf %broadcast_in_dim3A_2053 : vector<1x1024xbf16> to vector<1x1024xf32>
    %get3A_2062 = arith.constant 0 : index
    %get3A_2063 = arith.constant 0 : index
    %get3A_2064 = vector.load %arg5[%get3A_2062, %get3A_2063] : memref<1x1024xf32, #tpu.memory_space<vmem>>, vector<1x1024xf32>
    %max3A_2065 = arith.maximumf %get3A_2064, %convert_element_type3A_2061 : vector<1x1024xf32>
    %get3A_2066 = arith.constant 0 : index
    %get3A_2067 = arith.constant 0 : index
    %get3A_2068 = vector.load %arg6[%get3A_2066, %get3A_2067] : memref<1x1024xf32, #tpu.memory_space<vmem>>, vector<1x1024xf32>
    %sub3A_2069 = arith.subf %get3A_2064, %max3A_2065 : vector<1x1024xf32>
    %exp23A_2070 = math.exp2 %sub3A_2069 : vector<1x1024xf32>
    %mul3A_2071 = arith.mulf %get3A_2068, %exp23A_2070 : vector<1x1024xf32>
    %sub3A_2072 = arith.subf %convert_element_type3A_2061, %max3A_2065 : vector<1x1024xf32>
    %exp23A_2073 = math.exp2 %sub3A_2072 : vector<1x1024xf32>
    %mul3A_2074 = arith.mulf %convert_element_type3A_2060, %exp23A_2073 : vector<1x1024xf32>
    %add3A_2075 = arith.addf %mul3A_2071, %mul3A_2074 : vector<1x1024xf32>
    %swap3A_2076 = arith.constant 0 : index
    %swap3A_2077 = arith.constant 0 : index
    %swap3A_2078 = vector.load %arg6[%swap3A_2076, %swap3A_2077] : memref<1x1024xf32, #tpu.memory_space<vmem>>, vector<1x1024xf32>
    tpu.vector_store %arg6[%swap3A_2076, %swap3A_2077], %add3A_2075 {strides = array<i32>} : memref<1x1024xf32, #tpu.memory_space<vmem>>, vector<1x1024xf32>,
    %swap3A_2079 = arith.constant 0 : index
    %swap3A_2080 = arith.constant 0 : index
    %swap3A_2081 = vector.load %arg5[%swap3A_2079, %swap3A_2080] : memref<1x1024xf32, #tpu.memory_space<vmem>>, vector<1x1024xf32>
    tpu.vector_store %arg5[%swap3A_2079, %swap3A_2080], %max3A_2065 {strides = array<i32>} : memref<1x1024xf32, #tpu.memory_space<vmem>>, vector<1x1024xf32>,
    %get3A_2082 = arith.constant 13056 : index
    %get3A_2083 = arith.constant 0 : index
    %get3A_2084 = vector.load %arg2[%get3A_2082, %get3A_2083] : memref<16384x128xf32, #tpu.memory_space<vmem>>, vector<256x128xf32>
    %convert_element_type3A_2085 = arith.truncf %get3A_2084 : vector<256x128xf32> to vector<256x128xbf16>
    %get3A_2086 = arith.constant 0 : index
    %get3A_2087 = arith.constant 0 : index
    %get3A_2088 = vector.load %arg1[%get3A_2086, %get3A_2087] : memref<128x1024xbf16, #tpu.memory_space<vmem>>, vector<128x1024xbf16>
    %dot_general3A_2089 = arith.constant dense<0.000000e+00> : vector<256x1024xf32>
    %dot_general3A_2090 = tpu.matmul %convert_element_type3A_2085, %get3A_2088, %dot_general3A_2089 {dimension_numbers = #tpu.dot_dimension_numbers<[1], [0], [0], [1], [0, 0, 1, 1], [], []>, transpose_lhs_hint = false} : vector<256x128xbf16>, vector<128x1024xbf16>, vector<256x1024xf32> -> vector<256x1024xf32>
    %convert_element_type3A_2091 = arith.truncf %dot_general3A_2090 : vector<256x1024xf32> to vector<256x1024xbf16>
    %reduce_max3A_2092 = arith.constant dense<0xFF80> : vector<1024xbf16>
    %reduce_max3A_2093 = vector.multi_reduction <maximumf>, %convert_element_type3A_2091, %reduce_max3A_2092 [0] : vector<256x1024xbf16> to vector<1024xbf16>
    %broadcast_in_dim3A_2094 = vector.shape_cast %reduce_max3A_2093 : vector<1024xbf16> to vector<1x1024xbf16>
    %sub3A_2095 = vector.broadcast %broadcast_in_dim3A_2094 : vector<1x1024xbf16> to vector<256x1024xbf16>
    %sub3A_2096 = arith.subf %convert_element_type3A_2091, %sub3A_2095 : vector<256x1024xbf16>
    %exp23A_2097 = math.exp2 %sub3A_2096 : vector<256x1024xbf16>
    %reduce_sum3A_2098 = arith.constant dense<0.000000e+00> : vector<1024xbf16>
    %reduce_sum3A_2099 = vector.multi_reduction <add>, %exp23A_2097, %reduce_sum3A_2098 [0] : vector<256x1024xbf16> to vector<1024xbf16>
    %broadcast_in_dim3A_2100 = vector.shape_cast %reduce_sum3A_2099 : vector<1024xbf16> to vector<1x1024xbf16>
    %convert_element_type3A_2101 = arith.extf %broadcast_in_dim3A_2100 : vector<1x1024xbf16> to vector<1x1024xf32>
    %convert_element_type3A_2102 = arith.extf %broadcast_in_dim3A_2094 : vector<1x1024xbf16> to vector<1x1024xf32>
    %get3A_2103 = arith.constant 0 : index
    %get3A_2104 = arith.constant 0 : index
    %get3A_2105 = vector.load %arg5[%get3A_2103, %get3A_2104] : memref<1x1024xf32, #tpu.memory_space<vmem>>, vector<1x1024xf32>
    %max3A_2106 = arith.maximumf %get3A_2105, %convert_element_type3A_2102 : vector<1x1024xf32>
    %get3A_2107 = arith.constant 0 : index
    %get3A_2108 = arith.constant 0 : index
    %get3A_2109 = vector.load %arg6[%get3A_2107, %get3A_2108] : memref<1x1024xf32, #tpu.memory_space<vmem>>, vector<1x1024xf32>
    %sub3A_2110 = arith.subf %get3A_2105, %max3A_2106 : vector<1x1024xf32>
    %exp23A_2111 = math.exp2 %sub3A_2110 : vector<1x1024xf32>
    %mul3A_2112 = arith.mulf %get3A_2109, %exp23A_2111 : vector<1x1024xf32>
    %sub3A_2113 = arith.subf %convert_element_type3A_2102, %max3A_2106 : vector<1x1024xf32>
    %exp23A_2114 = math.exp2 %sub3A_2113 : vector<1x1024xf32>
    %mul3A_2115 = arith.mulf %convert_element_type3A_2101, %exp23A_2114 : vector<1x1024xf32>
    %add3A_2116 = arith.addf %mul3A_2112, %mul3A_2115 : vector<1x1024xf32>
    %swap3A_2117 = arith.constant 0 : index
    %swap3A_2118 = arith.constant 0 : index
    %swap3A_2119 = vector.load %arg6[%swap3A_2117, %swap3A_2118] : memref<1x1024xf32, #tpu.memory_space<vmem>>, vector<1x1024xf32>
    tpu.vector_store %arg6[%swap3A_2117, %swap3A_2118], %add3A_2116 {strides = array<i32>} : memref<1x1024xf32, #tpu.memory_space<vmem>>, vector<1x1024xf32>,
    %swap3A_2120 = arith.constant 0 : index
    %swap3A_2121 = arith.constant 0 : index
    %swap3A_2122 = vector.load %arg5[%swap3A_2120, %swap3A_2121] : memref<1x1024xf32, #tpu.memory_space<vmem>>, vector<1x1024xf32>
    tpu.vector_store %arg5[%swap3A_2120, %swap3A_2121], %max3A_2106 {strides = array<i32>} : memref<1x1024xf32, #tpu.memory_space<vmem>>, vector<1x1024xf32>,
    %get3A_2123 = arith.constant 13312 : index
    %get3A_2124 = arith.constant 0 : index
    %get3A_2125 = vector.load %arg2[%get3A_2123, %get3A_2124] : memref<16384x128xf32, #tpu.memory_space<vmem>>, vector<256x128xf32>
    %convert_element_type3A_2126 = arith.truncf %get3A_2125 : vector<256x128xf32> to vector<256x128xbf16>
    %get3A_2127 = arith.constant 0 : index
    %get3A_2128 = arith.constant 0 : index
    %get3A_2129 = vector.load %arg1[%get3A_2127, %get3A_2128] : memref<128x1024xbf16, #tpu.memory_space<vmem>>, vector<128x1024xbf16>
    %dot_general3A_2130 = arith.constant dense<0.000000e+00> : vector<256x1024xf32>
    %dot_general3A_2131 = tpu.matmul %convert_element_type3A_2126, %get3A_2129, %dot_general3A_2130 {dimension_numbers = #tpu.dot_dimension_numbers<[1], [0], [0], [1], [0, 0, 1, 1], [], []>, transpose_lhs_hint = false} : vector<256x128xbf16>, vector<128x1024xbf16>, vector<256x1024xf32> -> vector<256x1024xf32>
    %convert_element_type3A_2132 = arith.truncf %dot_general3A_2131 : vector<256x1024xf32> to vector<256x1024xbf16>
    %reduce_max3A_2133 = arith.constant dense<0xFF80> : vector<1024xbf16>
    %reduce_max3A_2134 = vector.multi_reduction <maximumf>, %convert_element_type3A_2132, %reduce_max3A_2133 [0] : vector<256x1024xbf16> to vector<1024xbf16>
    %broadcast_in_dim3A_2135 = vector.shape_cast %reduce_max3A_2134 : vector<1024xbf16> to vector<1x1024xbf16>
    %sub3A_2136 = vector.broadcast %broadcast_in_dim3A_2135 : vector<1x1024xbf16> to vector<256x1024xbf16>
    %sub3A_2137 = arith.subf %convert_element_type3A_2132, %sub3A_2136 : vector<256x1024xbf16>
    %exp23A_2138 = math.exp2 %sub3A_2137 : vector<256x1024xbf16>
    %reduce_sum3A_2139 = arith.constant dense<0.000000e+00> : vector<1024xbf16>
    %reduce_sum3A_2140 = vector.multi_reduction <add>, %exp23A_2138, %reduce_sum3A_2139 [0] : vector<256x1024xbf16> to vector<1024xbf16>
    %broadcast_in_dim3A_2141 = vector.shape_cast %reduce_sum3A_2140 : vector<1024xbf16> to vector<1x1024xbf16>
    %convert_element_type3A_2142 = arith.extf %broadcast_in_dim3A_2141 : vector<1x1024xbf16> to vector<1x1024xf32>
    %convert_element_type3A_2143 = arith.extf %broadcast_in_dim3A_2135 : vector<1x1024xbf16> to vector<1x1024xf32>
    %get3A_2144 = arith.constant 0 : index
    %get3A_2145 = arith.constant 0 : index
    %get3A_2146 = vector.load %arg5[%get3A_2144, %get3A_2145] : memref<1x1024xf32, #tpu.memory_space<vmem>>, vector<1x1024xf32>
    %max3A_2147 = arith.maximumf %get3A_2146, %convert_element_type3A_2143 : vector<1x1024xf32>
    %get3A_2148 = arith.constant 0 : index
    %get3A_2149 = arith.constant 0 : index
    %get3A_2150 = vector.load %arg6[%get3A_2148, %get3A_2149] : memref<1x1024xf32, #tpu.memory_space<vmem>>, vector<1x1024xf32>
    %sub3A_2151 = arith.subf %get3A_2146, %max3A_2147 : vector<1x1024xf32>
    %exp23A_2152 = math.exp2 %sub3A_2151 : vector<1x1024xf32>
    %mul3A_2153 = arith.mulf %get3A_2150, %exp23A_2152 : vector<1x1024xf32>
    %sub3A_2154 = arith.subf %convert_element_type3A_2143, %max3A_2147 : vector<1x1024xf32>
    %exp23A_2155 = math.exp2 %sub3A_2154 : vector<1x1024xf32>
    %mul3A_2156 = arith.mulf %convert_element_type3A_2142, %exp23A_2155 : vector<1x1024xf32>
    %add3A_2157 = arith.addf %mul3A_2153, %mul3A_2156 : vector<1x1024xf32>
    %swap3A_2158 = arith.constant 0 : index
    %swap3A_2159 = arith.constant 0 : index
    %swap3A_2160 = vector.load %arg6[%swap3A_2158, %swap3A_2159] : memref<1x1024xf32, #tpu.memory_space<vmem>>, vector<1x1024xf32>
    tpu.vector_store %arg6[%swap3A_2158, %swap3A_2159], %add3A_2157 {strides = array<i32>} : memref<1x1024xf32, #tpu.memory_space<vmem>>, vector<1x1024xf32>,
    %swap3A_2161 = arith.constant 0 : index
    %swap3A_2162 = arith.constant 0 : index
    %swap3A_2163 = vector.load %arg5[%swap3A_2161, %swap3A_2162] : memref<1x1024xf32, #tpu.memory_space<vmem>>, vector<1x1024xf32>
    tpu.vector_store %arg5[%swap3A_2161, %swap3A_2162], %max3A_2147 {strides = array<i32>} : memref<1x1024xf32, #tpu.memory_space<vmem>>, vector<1x1024xf32>,
    %get3A_2164 = arith.constant 13568 : index
    %get3A_2165 = arith.constant 0 : index
    %get3A_2166 = vector.load %arg2[%get3A_2164, %get3A_2165] : memref<16384x128xf32, #tpu.memory_space<vmem>>, vector<256x128xf32>
    %convert_element_type3A_2167 = arith.truncf %get3A_2166 : vector<256x128xf32> to vector<256x128xbf16>
    %get3A_2168 = arith.constant 0 : index
    %get3A_2169 = arith.constant 0 : index
    %get3A_2170 = vector.load %arg1[%get3A_2168, %get3A_2169] : memref<128x1024xbf16, #tpu.memory_space<vmem>>, vector<128x1024xbf16>
    %dot_general3A_2171 = arith.constant dense<0.000000e+00> : vector<256x1024xf32>
    %dot_general3A_2172 = tpu.matmul %convert_element_type3A_2167, %get3A_2170, %dot_general3A_2171 {dimension_numbers = #tpu.dot_dimension_numbers<[1], [0], [0], [1], [0, 0, 1, 1], [], []>, transpose_lhs_hint = false} : vector<256x128xbf16>, vector<128x1024xbf16>, vector<256x1024xf32> -> vector<256x1024xf32>
    %convert_element_type3A_2173 = arith.truncf %dot_general3A_2172 : vector<256x1024xf32> to vector<256x1024xbf16>
    %reduce_max3A_2174 = arith.constant dense<0xFF80> : vector<1024xbf16>
    %reduce_max3A_2175 = vector.multi_reduction <maximumf>, %convert_element_type3A_2173, %reduce_max3A_2174 [0] : vector<256x1024xbf16> to vector<1024xbf16>
    %broadcast_in_dim3A_2176 = vector.shape_cast %reduce_max3A_2175 : vector<1024xbf16> to vector<1x1024xbf16>
    %sub3A_2177 = vector.broadcast %broadcast_in_dim3A_2176 : vector<1x1024xbf16> to vector<256x1024xbf16>
    %sub3A_2178 = arith.subf %convert_element_type3A_2173, %sub3A_2177 : vector<256x1024xbf16>
    %exp23A_2179 = math.exp2 %sub3A_2178 : vector<256x1024xbf16>
    %reduce_sum3A_2180 = arith.constant dense<0.000000e+00> : vector<1024xbf16>
    %reduce_sum3A_2181 = vector.multi_reduction <add>, %exp23A_2179, %reduce_sum3A_2180 [0] : vector<256x1024xbf16> to vector<1024xbf16>
    %broadcast_in_dim3A_2182 = vector.shape_cast %reduce_sum3A_2181 : vector<1024xbf16> to vector<1x1024xbf16>
    %convert_element_type3A_2183 = arith.extf %broadcast_in_dim3A_2182 : vector<1x1024xbf16> to vector<1x1024xf32>
    %convert_element_type3A_2184 = arith.extf %broadcast_in_dim3A_2176 : vector<1x1024xbf16> to vector<1x1024xf32>
    %get3A_2185 = arith.constant 0 : index
    %get3A_2186 = arith.constant 0 : index
    %get3A_2187 = vector.load %arg5[%get3A_2185, %get3A_2186] : memref<1x1024xf32, #tpu.memory_space<vmem>>, vector<1x1024xf32>
    %max3A_2188 = arith.maximumf %get3A_2187, %convert_element_type3A_2184 : vector<1x1024xf32>
    %get3A_2189 = arith.constant 0 : index
    %get3A_2190 = arith.constant 0 : index
    %get3A_2191 = vector.load %arg6[%get3A_2189, %get3A_2190] : memref<1x1024xf32, #tpu.memory_space<vmem>>, vector<1x1024xf32>
    %sub3A_2192 = arith.subf %get3A_2187, %max3A_2188 : vector<1x1024xf32>
    %exp23A_2193 = math.exp2 %sub3A_2192 : vector<1x1024xf32>
    %mul3A_2194 = arith.mulf %get3A_2191, %exp23A_2193 : vector<1x1024xf32>
    %sub3A_2195 = arith.subf %convert_element_type3A_2184, %max3A_2188 : vector<1x1024xf32>
    %exp23A_2196 = math.exp2 %sub3A_2195 : vector<1x1024xf32>
    %mul3A_2197 = arith.mulf %convert_element_type3A_2183, %exp23A_2196 : vector<1x1024xf32>
    %add3A_2198 = arith.addf %mul3A_2194, %mul3A_2197 : vector<1x1024xf32>
    %swap3A_2199 = arith.constant 0 : index
    %swap3A_2200 = arith.constant 0 : index
    %swap3A_2201 = vector.load %arg6[%swap3A_2199, %swap3A_2200] : memref<1x1024xf32, #tpu.memory_space<vmem>>, vector<1x1024xf32>
    tpu.vector_store %arg6[%swap3A_2199, %swap3A_2200], %add3A_2198 {strides = array<i32>} : memref<1x1024xf32, #tpu.memory_space<vmem>>, vector<1x1024xf32>,
    %swap3A_2202 = arith.constant 0 : index
    %swap3A_2203 = arith.constant 0 : index
    %swap3A_2204 = vector.load %arg5[%swap3A_2202, %swap3A_2203] : memref<1x1024xf32, #tpu.memory_space<vmem>>, vector<1x1024xf32>
    tpu.vector_store %arg5[%swap3A_2202, %swap3A_2203], %max3A_2188 {strides = array<i32>} : memref<1x1024xf32, #tpu.memory_space<vmem>>, vector<1x1024xf32>,
    %get3A_2205 = arith.constant 13824 : index
    %get3A_2206 = arith.constant 0 : index
    %get3A_2207 = vector.load %arg2[%get3A_2205, %get3A_2206] : memref<16384x128xf32, #tpu.memory_space<vmem>>, vector<256x128xf32>
    %convert_element_type3A_2208 = arith.truncf %get3A_2207 : vector<256x128xf32> to vector<256x128xbf16>
    %get3A_2209 = arith.constant 0 : index
    %get3A_2210 = arith.constant 0 : index
    %get3A_2211 = vector.load %arg1[%get3A_2209, %get3A_2210] : memref<128x1024xbf16, #tpu.memory_space<vmem>>, vector<128x1024xbf16>
    %dot_general3A_2212 = arith.constant dense<0.000000e+00> : vector<256x1024xf32>
    %dot_general3A_2213 = tpu.matmul %convert_element_type3A_2208, %get3A_2211, %dot_general3A_2212 {dimension_numbers = #tpu.dot_dimension_numbers<[1], [0], [0], [1], [0, 0, 1, 1], [], []>, transpose_lhs_hint = false} : vector<256x128xbf16>, vector<128x1024xbf16>, vector<256x1024xf32> -> vector<256x1024xf32>
    %convert_element_type3A_2214 = arith.truncf %dot_general3A_2213 : vector<256x1024xf32> to vector<256x1024xbf16>
    %reduce_max3A_2215 = arith.constant dense<0xFF80> : vector<1024xbf16>
    %reduce_max3A_2216 = vector.multi_reduction <maximumf>, %convert_element_type3A_2214, %reduce_max3A_2215 [0] : vector<256x1024xbf16> to vector<1024xbf16>
    %broadcast_in_dim3A_2217 = vector.shape_cast %reduce_max3A_2216 : vector<1024xbf16> to vector<1x1024xbf16>
    %sub3A_2218 = vector.broadcast %broadcast_in_dim3A_2217 : vector<1x1024xbf16> to vector<256x1024xbf16>
    %sub3A_2219 = arith.subf %convert_element_type3A_2214, %sub3A_2218 : vector<256x1024xbf16>
    %exp23A_2220 = math.exp2 %sub3A_2219 : vector<256x1024xbf16>
    %reduce_sum3A_2221 = arith.constant dense<0.000000e+00> : vector<1024xbf16>
    %reduce_sum3A_2222 = vector.multi_reduction <add>, %exp23A_2220, %reduce_sum3A_2221 [0] : vector<256x1024xbf16> to vector<1024xbf16>
    %broadcast_in_dim3A_2223 = vector.shape_cast %reduce_sum3A_2222 : vector<1024xbf16> to vector<1x1024xbf16>
    %convert_element_type3A_2224 = arith.extf %broadcast_in_dim3A_2223 : vector<1x1024xbf16> to vector<1x1024xf32>
    %convert_element_type3A_2225 = arith.extf %broadcast_in_dim3A_2217 : vector<1x1024xbf16> to vector<1x1024xf32>
    %get3A_2226 = arith.constant 0 : index
    %get3A_2227 = arith.constant 0 : index
    %get3A_2228 = vector.load %arg5[%get3A_2226, %get3A_2227] : memref<1x1024xf32, #tpu.memory_space<vmem>>, vector<1x1024xf32>
    %max3A_2229 = arith.maximumf %get3A_2228, %convert_element_type3A_2225 : vector<1x1024xf32>
    %get3A_2230 = arith.constant 0 : index
    %get3A_2231 = arith.constant 0 : index
    %get3A_2232 = vector.load %arg6[%get3A_2230, %get3A_2231] : memref<1x1024xf32, #tpu.memory_space<vmem>>, vector<1x1024xf32>
    %sub3A_2233 = arith.subf %get3A_2228, %max3A_2229 : vector<1x1024xf32>
    %exp23A_2234 = math.exp2 %sub3A_2233 : vector<1x1024xf32>
    %mul3A_2235 = arith.mulf %get3A_2232, %exp23A_2234 : vector<1x1024xf32>
    %sub3A_2236 = arith.subf %convert_element_type3A_2225, %max3A_2229 : vector<1x1024xf32>
    %exp23A_2237 = math.exp2 %sub3A_2236 : vector<1x1024xf32>
    %mul3A_2238 = arith.mulf %convert_element_type3A_2224, %exp23A_2237 : vector<1x1024xf32>
    %add3A_2239 = arith.addf %mul3A_2235, %mul3A_2238 : vector<1x1024xf32>
    %swap3A_2240 = arith.constant 0 : index
    %swap3A_2241 = arith.constant 0 : index
    %swap3A_2242 = vector.load %arg6[%swap3A_2240, %swap3A_2241] : memref<1x1024xf32, #tpu.memory_space<vmem>>, vector<1x1024xf32>
    tpu.vector_store %arg6[%swap3A_2240, %swap3A_2241], %add3A_2239 {strides = array<i32>} : memref<1x1024xf32, #tpu.memory_space<vmem>>, vector<1x1024xf32>,
    %swap3A_2243 = arith.constant 0 : index
    %swap3A_2244 = arith.constant 0 : index
    %swap3A_2245 = vector.load %arg5[%swap3A_2243, %swap3A_2244] : memref<1x1024xf32, #tpu.memory_space<vmem>>, vector<1x1024xf32>
    tpu.vector_store %arg5[%swap3A_2243, %swap3A_2244], %max3A_2229 {strides = array<i32>} : memref<1x1024xf32, #tpu.memory_space<vmem>>, vector<1x1024xf32>,
    %get3A_2246 = arith.constant 14080 : index
    %get3A_2247 = arith.constant 0 : index
    %get3A_2248 = vector.load %arg2[%get3A_2246, %get3A_2247] : memref<16384x128xf32, #tpu.memory_space<vmem>>, vector<256x128xf32>
    %convert_element_type3A_2249 = arith.truncf %get3A_2248 : vector<256x128xf32> to vector<256x128xbf16>
    %get3A_2250 = arith.constant 0 : index
    %get3A_2251 = arith.constant 0 : index
    %get3A_2252 = vector.load %arg1[%get3A_2250, %get3A_2251] : memref<128x1024xbf16, #tpu.memory_space<vmem>>, vector<128x1024xbf16>
    %dot_general3A_2253 = arith.constant dense<0.000000e+00> : vector<256x1024xf32>
    %dot_general3A_2254 = tpu.matmul %convert_element_type3A_2249, %get3A_2252, %dot_general3A_2253 {dimension_numbers = #tpu.dot_dimension_numbers<[1], [0], [0], [1], [0, 0, 1, 1], [], []>, transpose_lhs_hint = false} : vector<256x128xbf16>, vector<128x1024xbf16>, vector<256x1024xf32> -> vector<256x1024xf32>
    %convert_element_type3A_2255 = arith.truncf %dot_general3A_2254 : vector<256x1024xf32> to vector<256x1024xbf16>
    %reduce_max3A_2256 = arith.constant dense<0xFF80> : vector<1024xbf16>
    %reduce_max3A_2257 = vector.multi_reduction <maximumf>, %convert_element_type3A_2255, %reduce_max3A_2256 [0] : vector<256x1024xbf16> to vector<1024xbf16>
    %broadcast_in_dim3A_2258 = vector.shape_cast %reduce_max3A_2257 : vector<1024xbf16> to vector<1x1024xbf16>
    %sub3A_2259 = vector.broadcast %broadcast_in_dim3A_2258 : vector<1x1024xbf16> to vector<256x1024xbf16>
    %sub3A_2260 = arith.subf %convert_element_type3A_2255, %sub3A_2259 : vector<256x1024xbf16>
    %exp23A_2261 = math.exp2 %sub3A_2260 : vector<256x1024xbf16>
    %reduce_sum3A_2262 = arith.constant dense<0.000000e+00> : vector<1024xbf16>
    %reduce_sum3A_2263 = vector.multi_reduction <add>, %exp23A_2261, %reduce_sum3A_2262 [0] : vector<256x1024xbf16> to vector<1024xbf16>
    %broadcast_in_dim3A_2264 = vector.shape_cast %reduce_sum3A_2263 : vector<1024xbf16> to vector<1x1024xbf16>
    %convert_element_type3A_2265 = arith.extf %broadcast_in_dim3A_2264 : vector<1x1024xbf16> to vector<1x1024xf32>
    %convert_element_type3A_2266 = arith.extf %broadcast_in_dim3A_2258 : vector<1x1024xbf16> to vector<1x1024xf32>
    %get3A_2267 = arith.constant 0 : index
    %get3A_2268 = arith.constant 0 : index
    %get3A_2269 = vector.load %arg5[%get3A_2267, %get3A_2268] : memref<1x1024xf32, #tpu.memory_space<vmem>>, vector<1x1024xf32>
    %max3A_2270 = arith.maximumf %get3A_2269, %convert_element_type3A_2266 : vector<1x1024xf32>
    %get3A_2271 = arith.constant 0 : index
    %get3A_2272 = arith.constant 0 : index
    %get3A_2273 = vector.load %arg6[%get3A_2271, %get3A_2272] : memref<1x1024xf32, #tpu.memory_space<vmem>>, vector<1x1024xf32>
    %sub3A_2274 = arith.subf %get3A_2269, %max3A_2270 : vector<1x1024xf32>
    %exp23A_2275 = math.exp2 %sub3A_2274 : vector<1x1024xf32>
    %mul3A_2276 = arith.mulf %get3A_2273, %exp23A_2275 : vector<1x1024xf32>
    %sub3A_2277 = arith.subf %convert_element_type3A_2266, %max3A_2270 : vector<1x1024xf32>
    %exp23A_2278 = math.exp2 %sub3A_2277 : vector<1x1024xf32>
    %mul3A_2279 = arith.mulf %convert_element_type3A_2265, %exp23A_2278 : vector<1x1024xf32>
    %add3A_2280 = arith.addf %mul3A_2276, %mul3A_2279 : vector<1x1024xf32>
    %swap3A_2281 = arith.constant 0 : index
    %swap3A_2282 = arith.constant 0 : index
    %swap3A_2283 = vector.load %arg6[%swap3A_2281, %swap3A_2282] : memref<1x1024xf32, #tpu.memory_space<vmem>>, vector<1x1024xf32>
    tpu.vector_store %arg6[%swap3A_2281, %swap3A_2282], %add3A_2280 {strides = array<i32>} : memref<1x1024xf32, #tpu.memory_space<vmem>>, vector<1x1024xf32>,
    %swap3A_2284 = arith.constant 0 : index
    %swap3A_2285 = arith.constant 0 : index
    %swap3A_2286 = vector.load %arg5[%swap3A_2284, %swap3A_2285] : memref<1x1024xf32, #tpu.memory_space<vmem>>, vector<1x1024xf32>
    tpu.vector_store %arg5[%swap3A_2284, %swap3A_2285], %max3A_2270 {strides = array<i32>} : memref<1x1024xf32, #tpu.memory_space<vmem>>, vector<1x1024xf32>,
    %get3A_2287 = arith.constant 14336 : index
    %get3A_2288 = arith.constant 0 : index
    %get3A_2289 = vector.load %arg2[%get3A_2287, %get3A_2288] : memref<16384x128xf32, #tpu.memory_space<vmem>>, vector<256x128xf32>
    %convert_element_type3A_2290 = arith.truncf %get3A_2289 : vector<256x128xf32> to vector<256x128xbf16>
    %get3A_2291 = arith.constant 0 : index
    %get3A_2292 = arith.constant 0 : index
    %get3A_2293 = vector.load %arg1[%get3A_2291, %get3A_2292] : memref<128x1024xbf16, #tpu.memory_space<vmem>>, vector<128x1024xbf16>
    %dot_general3A_2294 = arith.constant dense<0.000000e+00> : vector<256x1024xf32>
    %dot_general3A_2295 = tpu.matmul %convert_element_type3A_2290, %get3A_2293, %dot_general3A_2294 {dimension_numbers = #tpu.dot_dimension_numbers<[1], [0], [0], [1], [0, 0, 1, 1], [], []>, transpose_lhs_hint = false} : vector<256x128xbf16>, vector<128x1024xbf16>, vector<256x1024xf32> -> vector<256x1024xf32>
    %convert_element_type3A_2296 = arith.truncf %dot_general3A_2295 : vector<256x1024xf32> to vector<256x1024xbf16>
    %reduce_max3A_2297 = arith.constant dense<0xFF80> : vector<1024xbf16>
    %reduce_max3A_2298 = vector.multi_reduction <maximumf>, %convert_element_type3A_2296, %reduce_max3A_2297 [0] : vector<256x1024xbf16> to vector<1024xbf16>
    %broadcast_in_dim3A_2299 = vector.shape_cast %reduce_max3A_2298 : vector<1024xbf16> to vector<1x1024xbf16>
    %sub3A_2300 = vector.broadcast %broadcast_in_dim3A_2299 : vector<1x1024xbf16> to vector<256x1024xbf16>
    %sub3A_2301 = arith.subf %convert_element_type3A_2296, %sub3A_2300 : vector<256x1024xbf16>
    %exp23A_2302 = math.exp2 %sub3A_2301 : vector<256x1024xbf16>
    %reduce_sum3A_2303 = arith.constant dense<0.000000e+00> : vector<1024xbf16>
    %reduce_sum3A_2304 = vector.multi_reduction <add>, %exp23A_2302, %reduce_sum3A_2303 [0] : vector<256x1024xbf16> to vector<1024xbf16>
    %broadcast_in_dim3A_2305 = vector.shape_cast %reduce_sum3A_2304 : vector<1024xbf16> to vector<1x1024xbf16>
    %convert_element_type3A_2306 = arith.extf %broadcast_in_dim3A_2305 : vector<1x1024xbf16> to vector<1x1024xf32>
    %convert_element_type3A_2307 = arith.extf %broadcast_in_dim3A_2299 : vector<1x1024xbf16> to vector<1x1024xf32>
    %get3A_2308 = arith.constant 0 : index
    %get3A_2309 = arith.constant 0 : index
    %get3A_2310 = vector.load %arg5[%get3A_2308, %get3A_2309] : memref<1x1024xf32, #tpu.memory_space<vmem>>, vector<1x1024xf32>
    %max3A_2311 = arith.maximumf %get3A_2310, %convert_element_type3A_2307 : vector<1x1024xf32>
    %get3A_2312 = arith.constant 0 : index
    %get3A_2313 = arith.constant 0 : index
    %get3A_2314 = vector.load %arg6[%get3A_2312, %get3A_2313] : memref<1x1024xf32, #tpu.memory_space<vmem>>, vector<1x1024xf32>
    %sub3A_2315 = arith.subf %get3A_2310, %max3A_2311 : vector<1x1024xf32>
    %exp23A_2316 = math.exp2 %sub3A_2315 : vector<1x1024xf32>
    %mul3A_2317 = arith.mulf %get3A_2314, %exp23A_2316 : vector<1x1024xf32>
    %sub3A_2318 = arith.subf %convert_element_type3A_2307, %max3A_2311 : vector<1x1024xf32>
    %exp23A_2319 = math.exp2 %sub3A_2318 : vector<1x1024xf32>
    %mul3A_2320 = arith.mulf %convert_element_type3A_2306, %exp23A_2319 : vector<1x1024xf32>
    %add3A_2321 = arith.addf %mul3A_2317, %mul3A_2320 : vector<1x1024xf32>
    %swap3A_2322 = arith.constant 0 : index
    %swap3A_2323 = arith.constant 0 : index
    %swap3A_2324 = vector.load %arg6[%swap3A_2322, %swap3A_2323] : memref<1x1024xf32, #tpu.memory_space<vmem>>, vector<1x1024xf32>
    tpu.vector_store %arg6[%swap3A_2322, %swap3A_2323], %add3A_2321 {strides = array<i32>} : memref<1x1024xf32, #tpu.memory_space<vmem>>, vector<1x1024xf32>,
    %swap3A_2325 = arith.constant 0 : index
    %swap3A_2326 = arith.constant 0 : index
    %swap3A_2327 = vector.load %arg5[%swap3A_2325, %swap3A_2326] : memref<1x1024xf32, #tpu.memory_space<vmem>>, vector<1x1024xf32>
    tpu.vector_store %arg5[%swap3A_2325, %swap3A_2326], %max3A_2311 {strides = array<i32>} : memref<1x1024xf32, #tpu.memory_space<vmem>>, vector<1x1024xf32>,
    %get3A_2328 = arith.constant 14592 : index
    %get3A_2329 = arith.constant 0 : index
    %get3A_2330 = vector.load %arg2[%get3A_2328, %get3A_2329] : memref<16384x128xf32, #tpu.memory_space<vmem>>, vector<256x128xf32>
    %convert_element_type3A_2331 = arith.truncf %get3A_2330 : vector<256x128xf32> to vector<256x128xbf16>
    %get3A_2332 = arith.constant 0 : index
    %get3A_2333 = arith.constant 0 : index
    %get3A_2334 = vector.load %arg1[%get3A_2332, %get3A_2333] : memref<128x1024xbf16, #tpu.memory_space<vmem>>, vector<128x1024xbf16>
    %dot_general3A_2335 = arith.constant dense<0.000000e+00> : vector<256x1024xf32>
    %dot_general3A_2336 = tpu.matmul %convert_element_type3A_2331, %get3A_2334, %dot_general3A_2335 {dimension_numbers = #tpu.dot_dimension_numbers<[1], [0], [0], [1], [0, 0, 1, 1], [], []>, transpose_lhs_hint = false} : vector<256x128xbf16>, vector<128x1024xbf16>, vector<256x1024xf32> -> vector<256x1024xf32>
    %convert_element_type3A_2337 = arith.truncf %dot_general3A_2336 : vector<256x1024xf32> to vector<256x1024xbf16>
    %reduce_max3A_2338 = arith.constant dense<0xFF80> : vector<1024xbf16>
    %reduce_max3A_2339 = vector.multi_reduction <maximumf>, %convert_element_type3A_2337, %reduce_max3A_2338 [0] : vector<256x1024xbf16> to vector<1024xbf16>
    %broadcast_in_dim3A_2340 = vector.shape_cast %reduce_max3A_2339 : vector<1024xbf16> to vector<1x1024xbf16>
    %sub3A_2341 = vector.broadcast %broadcast_in_dim3A_2340 : vector<1x1024xbf16> to vector<256x1024xbf16>
    %sub3A_2342 = arith.subf %convert_element_type3A_2337, %sub3A_2341 : vector<256x1024xbf16>
    %exp23A_2343 = math.exp2 %sub3A_2342 : vector<256x1024xbf16>
    %reduce_sum3A_2344 = arith.constant dense<0.000000e+00> : vector<1024xbf16>
    %reduce_sum3A_2345 = vector.multi_reduction <add>, %exp23A_2343, %reduce_sum3A_2344 [0] : vector<256x1024xbf16> to vector<1024xbf16>
    %broadcast_in_dim3A_2346 = vector.shape_cast %reduce_sum3A_2345 : vector<1024xbf16> to vector<1x1024xbf16>
    %convert_element_type3A_2347 = arith.extf %broadcast_in_dim3A_2346 : vector<1x1024xbf16> to vector<1x1024xf32>
    %convert_element_type3A_2348 = arith.extf %broadcast_in_dim3A_2340 : vector<1x1024xbf16> to vector<1x1024xf32>
    %get3A_2349 = arith.constant 0 : index
    %get3A_2350 = arith.constant 0 : index
    %get3A_2351 = vector.load %arg5[%get3A_2349, %get3A_2350] : memref<1x1024xf32, #tpu.memory_space<vmem>>, vector<1x1024xf32>
    %max3A_2352 = arith.maximumf %get3A_2351, %convert_element_type3A_2348 : vector<1x1024xf32>
    %get3A_2353 = arith.constant 0 : index
    %get3A_2354 = arith.constant 0 : index
    %get3A_2355 = vector.load %arg6[%get3A_2353, %get3A_2354] : memref<1x1024xf32, #tpu.memory_space<vmem>>, vector<1x1024xf32>
    %sub3A_2356 = arith.subf %get3A_2351, %max3A_2352 : vector<1x1024xf32>
    %exp23A_2357 = math.exp2 %sub3A_2356 : vector<1x1024xf32>
    %mul3A_2358 = arith.mulf %get3A_2355, %exp23A_2357 : vector<1x1024xf32>
    %sub3A_2359 = arith.subf %convert_element_type3A_2348, %max3A_2352 : vector<1x1024xf32>
    %exp23A_2360 = math.exp2 %sub3A_2359 : vector<1x1024xf32>
    %mul3A_2361 = arith.mulf %convert_element_type3A_2347, %exp23A_2360 : vector<1x1024xf32>
    %add3A_2362 = arith.addf %mul3A_2358, %mul3A_2361 : vector<1x1024xf32>
    %swap3A_2363 = arith.constant 0 : index
    %swap3A_2364 = arith.constant 0 : index
    %swap3A_2365 = vector.load %arg6[%swap3A_2363, %swap3A_2364] : memref<1x1024xf32, #tpu.memory_space<vmem>>, vector<1x1024xf32>
    tpu.vector_store %arg6[%swap3A_2363, %swap3A_2364], %add3A_2362 {strides = array<i32>} : memref<1x1024xf32, #tpu.memory_space<vmem>>, vector<1x1024xf32>,
    %swap3A_2366 = arith.constant 0 : index
    %swap3A_2367 = arith.constant 0 : index
    %swap3A_2368 = vector.load %arg5[%swap3A_2366, %swap3A_2367] : memref<1x1024xf32, #tpu.memory_space<vmem>>, vector<1x1024xf32>
    tpu.vector_store %arg5[%swap3A_2366, %swap3A_2367], %max3A_2352 {strides = array<i32>} : memref<1x1024xf32, #tpu.memory_space<vmem>>, vector<1x1024xf32>,
    %get3A_2369 = arith.constant 14848 : index
    %get3A_2370 = arith.constant 0 : index
    %get3A_2371 = vector.load %arg2[%get3A_2369, %get3A_2370] : memref<16384x128xf32, #tpu.memory_space<vmem>>, vector<256x128xf32>
    %convert_element_type3A_2372 = arith.truncf %get3A_2371 : vector<256x128xf32> to vector<256x128xbf16>
    %get3A_2373 = arith.constant 0 : index
    %get3A_2374 = arith.constant 0 : index
    %get3A_2375 = vector.load %arg1[%get3A_2373, %get3A_2374] : memref<128x1024xbf16, #tpu.memory_space<vmem>>, vector<128x1024xbf16>
    %dot_general3A_2376 = arith.constant dense<0.000000e+00> : vector<256x1024xf32>
    %dot_general3A_2377 = tpu.matmul %convert_element_type3A_2372, %get3A_2375, %dot_general3A_2376 {dimension_numbers = #tpu.dot_dimension_numbers<[1], [0], [0], [1], [0, 0, 1, 1], [], []>, transpose_lhs_hint = false} : vector<256x128xbf16>, vector<128x1024xbf16>, vector<256x1024xf32> -> vector<256x1024xf32>
    %convert_element_type3A_2378 = arith.truncf %dot_general3A_2377 : vector<256x1024xf32> to vector<256x1024xbf16>
    %reduce_max3A_2379 = arith.constant dense<0xFF80> : vector<1024xbf16>
    %reduce_max3A_2380 = vector.multi_reduction <maximumf>, %convert_element_type3A_2378, %reduce_max3A_2379 [0] : vector<256x1024xbf16> to vector<1024xbf16>
    %broadcast_in_dim3A_2381 = vector.shape_cast %reduce_max3A_2380 : vector<1024xbf16> to vector<1x1024xbf16>
    %sub3A_2382 = vector.broadcast %broadcast_in_dim3A_2381 : vector<1x1024xbf16> to vector<256x1024xbf16>
    %sub3A_2383 = arith.subf %convert_element_type3A_2378, %sub3A_2382 : vector<256x1024xbf16>
    %exp23A_2384 = math.exp2 %sub3A_2383 : vector<256x1024xbf16>
    %reduce_sum3A_2385 = arith.constant dense<0.000000e+00> : vector<1024xbf16>
    %reduce_sum3A_2386 = vector.multi_reduction <add>, %exp23A_2384, %reduce_sum3A_2385 [0] : vector<256x1024xbf16> to vector<1024xbf16>
    %broadcast_in_dim3A_2387 = vector.shape_cast %reduce_sum3A_2386 : vector<1024xbf16> to vector<1x1024xbf16>
    %convert_element_type3A_2388 = arith.extf %broadcast_in_dim3A_2387 : vector<1x1024xbf16> to vector<1x1024xf32>
    %convert_element_type3A_2389 = arith.extf %broadcast_in_dim3A_2381 : vector<1x1024xbf16> to vector<1x1024xf32>
    %get3A_2390 = arith.constant 0 : index
    %get3A_2391 = arith.constant 0 : index
    %get3A_2392 = vector.load %arg5[%get3A_2390, %get3A_2391] : memref<1x1024xf32, #tpu.memory_space<vmem>>, vector<1x1024xf32>
    %max3A_2393 = arith.maximumf %get3A_2392, %convert_element_type3A_2389 : vector<1x1024xf32>
    %get3A_2394 = arith.constant 0 : index
    %get3A_2395 = arith.constant 0 : index
    %get3A_2396 = vector.load %arg6[%get3A_2394, %get3A_2395] : memref<1x1024xf32, #tpu.memory_space<vmem>>, vector<1x1024xf32>
    %sub3A_2397 = arith.subf %get3A_2392, %max3A_2393 : vector<1x1024xf32>
    %exp23A_2398 = math.exp2 %sub3A_2397 : vector<1x1024xf32>
    %mul3A_2399 = arith.mulf %get3A_2396, %exp23A_2398 : vector<1x1024xf32>
    %sub3A_2400 = arith.subf %convert_element_type3A_2389, %max3A_2393 : vector<1x1024xf32>
    %exp23A_2401 = math.exp2 %sub3A_2400 : vector<1x1024xf32>
    %mul3A_2402 = arith.mulf %convert_element_type3A_2388, %exp23A_2401 : vector<1x1024xf32>
    %add3A_2403 = arith.addf %mul3A_2399, %mul3A_2402 : vector<1x1024xf32>
    %swap3A_2404 = arith.constant 0 : index
    %swap3A_2405 = arith.constant 0 : index
    %swap3A_2406 = vector.load %arg6[%swap3A_2404, %swap3A_2405] : memref<1x1024xf32, #tpu.memory_space<vmem>>, vector<1x1024xf32>
    tpu.vector_store %arg6[%swap3A_2404, %swap3A_2405], %add3A_2403 {strides = array<i32>} : memref<1x1024xf32, #tpu.memory_space<vmem>>, vector<1x1024xf32>,
    %swap3A_2407 = arith.constant 0 : index
    %swap3A_2408 = arith.constant 0 : index
    %swap3A_2409 = vector.load %arg5[%swap3A_2407, %swap3A_2408] : memref<1x1024xf32, #tpu.memory_space<vmem>>, vector<1x1024xf32>
    tpu.vector_store %arg5[%swap3A_2407, %swap3A_2408], %max3A_2393 {strides = array<i32>} : memref<1x1024xf32, #tpu.memory_space<vmem>>, vector<1x1024xf32>,
    %get3A_2410 = arith.constant 15104 : index
    %get3A_2411 = arith.constant 0 : index
    %get3A_2412 = vector.load %arg2[%get3A_2410, %get3A_2411] : memref<16384x128xf32, #tpu.memory_space<vmem>>, vector<256x128xf32>
    %convert_element_type3A_2413 = arith.truncf %get3A_2412 : vector<256x128xf32> to vector<256x128xbf16>
    %get3A_2414 = arith.constant 0 : index
    %get3A_2415 = arith.constant 0 : index
    %get3A_2416 = vector.load %arg1[%get3A_2414, %get3A_2415] : memref<128x1024xbf16, #tpu.memory_space<vmem>>, vector<128x1024xbf16>
    %dot_general3A_2417 = arith.constant dense<0.000000e+00> : vector<256x1024xf32>
    %dot_general3A_2418 = tpu.matmul %convert_element_type3A_2413, %get3A_2416, %dot_general3A_2417 {dimension_numbers = #tpu.dot_dimension_numbers<[1], [0], [0], [1], [0, 0, 1, 1], [], []>, transpose_lhs_hint = false} : vector<256x128xbf16>, vector<128x1024xbf16>, vector<256x1024xf32> -> vector<256x1024xf32>
    %convert_element_type3A_2419 = arith.truncf %dot_general3A_2418 : vector<256x1024xf32> to vector<256x1024xbf16>
    %reduce_max3A_2420 = arith.constant dense<0xFF80> : vector<1024xbf16>
    %reduce_max3A_2421 = vector.multi_reduction <maximumf>, %convert_element_type3A_2419, %reduce_max3A_2420 [0] : vector<256x1024xbf16> to vector<1024xbf16>
    %broadcast_in_dim3A_2422 = vector.shape_cast %reduce_max3A_2421 : vector<1024xbf16> to vector<1x1024xbf16>
    %sub3A_2423 = vector.broadcast %broadcast_in_dim3A_2422 : vector<1x1024xbf16> to vector<256x1024xbf16>
    %sub3A_2424 = arith.subf %convert_element_type3A_2419, %sub3A_2423 : vector<256x1024xbf16>
    %exp23A_2425 = math.exp2 %sub3A_2424 : vector<256x1024xbf16>
    %reduce_sum3A_2426 = arith.constant dense<0.000000e+00> : vector<1024xbf16>
    %reduce_sum3A_2427 = vector.multi_reduction <add>, %exp23A_2425, %reduce_sum3A_2426 [0] : vector<256x1024xbf16> to vector<1024xbf16>
    %broadcast_in_dim3A_2428 = vector.shape_cast %reduce_sum3A_2427 : vector<1024xbf16> to vector<1x1024xbf16>
    %convert_element_type3A_2429 = arith.extf %broadcast_in_dim3A_2428 : vector<1x1024xbf16> to vector<1x1024xf32>
    %convert_element_type3A_2430 = arith.extf %broadcast_in_dim3A_2422 : vector<1x1024xbf16> to vector<1x1024xf32>
    %get3A_2431 = arith.constant 0 : index
    %get3A_2432 = arith.constant 0 : index
    %get3A_2433 = vector.load %arg5[%get3A_2431, %get3A_2432] : memref<1x1024xf32, #tpu.memory_space<vmem>>, vector<1x1024xf32>
    %max3A_2434 = arith.maximumf %get3A_2433, %convert_element_type3A_2430 : vector<1x1024xf32>
    %get3A_2435 = arith.constant 0 : index
    %get3A_2436 = arith.constant 0 : index
    %get3A_2437 = vector.load %arg6[%get3A_2435, %get3A_2436] : memref<1x1024xf32, #tpu.memory_space<vmem>>, vector<1x1024xf32>
    %sub3A_2438 = arith.subf %get3A_2433, %max3A_2434 : vector<1x1024xf32>
    %exp23A_2439 = math.exp2 %sub3A_2438 : vector<1x1024xf32>
    %mul3A_2440 = arith.mulf %get3A_2437, %exp23A_2439 : vector<1x1024xf32>
    %sub3A_2441 = arith.subf %convert_element_type3A_2430, %max3A_2434 : vector<1x1024xf32>
    %exp23A_2442 = math.exp2 %sub3A_2441 : vector<1x1024xf32>
    %mul3A_2443 = arith.mulf %convert_element_type3A_2429, %exp23A_2442 : vector<1x1024xf32>
    %add3A_2444 = arith.addf %mul3A_2440, %mul3A_2443 : vector<1x1024xf32>
    %swap3A_2445 = arith.constant 0 : index
    %swap3A_2446 = arith.constant 0 : index
    %swap3A_2447 = vector.load %arg6[%swap3A_2445, %swap3A_2446] : memref<1x1024xf32, #tpu.memory_space<vmem>>, vector<1x1024xf32>
    tpu.vector_store %arg6[%swap3A_2445, %swap3A_2446], %add3A_2444 {strides = array<i32>} : memref<1x1024xf32, #tpu.memory_space<vmem>>, vector<1x1024xf32>,
    %swap3A_2448 = arith.constant 0 : index
    %swap3A_2449 = arith.constant 0 : index
    %swap3A_2450 = vector.load %arg5[%swap3A_2448, %swap3A_2449] : memref<1x1024xf32, #tpu.memory_space<vmem>>, vector<1x1024xf32>
    tpu.vector_store %arg5[%swap3A_2448, %swap3A_2449], %max3A_2434 {strides = array<i32>} : memref<1x1024xf32, #tpu.memory_space<vmem>>, vector<1x1024xf32>,
    %get3A_2451 = arith.constant 15360 : index
    %get3A_2452 = arith.constant 0 : index
    %get3A_2453 = vector.load %arg2[%get3A_2451, %get3A_2452] : memref<16384x128xf32, #tpu.memory_space<vmem>>, vector<256x128xf32>
    %convert_element_type3A_2454 = arith.truncf %get3A_2453 : vector<256x128xf32> to vector<256x128xbf16>
    %get3A_2455 = arith.constant 0 : index
    %get3A_2456 = arith.constant 0 : index
    %get3A_2457 = vector.load %arg1[%get3A_2455, %get3A_2456] : memref<128x1024xbf16, #tpu.memory_space<vmem>>, vector<128x1024xbf16>
    %dot_general3A_2458 = arith.constant dense<0.000000e+00> : vector<256x1024xf32>
    %dot_general3A_2459 = tpu.matmul %convert_element_type3A_2454, %get3A_2457, %dot_general3A_2458 {dimension_numbers = #tpu.dot_dimension_numbers<[1], [0], [0], [1], [0, 0, 1, 1], [], []>, transpose_lhs_hint = false} : vector<256x128xbf16>, vector<128x1024xbf16>, vector<256x1024xf32> -> vector<256x1024xf32>
    %convert_element_type3A_2460 = arith.truncf %dot_general3A_2459 : vector<256x1024xf32> to vector<256x1024xbf16>
    %reduce_max3A_2461 = arith.constant dense<0xFF80> : vector<1024xbf16>
    %reduce_max3A_2462 = vector.multi_reduction <maximumf>, %convert_element_type3A_2460, %reduce_max3A_2461 [0] : vector<256x1024xbf16> to vector<1024xbf16>
    %broadcast_in_dim3A_2463 = vector.shape_cast %reduce_max3A_2462 : vector<1024xbf16> to vector<1x1024xbf16>
    %sub3A_2464 = vector.broadcast %broadcast_in_dim3A_2463 : vector<1x1024xbf16> to vector<256x1024xbf16>
    %sub3A_2465 = arith.subf %convert_element_type3A_2460, %sub3A_2464 : vector<256x1024xbf16>
    %exp23A_2466 = math.exp2 %sub3A_2465 : vector<256x1024xbf16>
    %reduce_sum3A_2467 = arith.constant dense<0.000000e+00> : vector<1024xbf16>
    %reduce_sum3A_2468 = vector.multi_reduction <add>, %exp23A_2466, %reduce_sum3A_2467 [0] : vector<256x1024xbf16> to vector<1024xbf16>
    %broadcast_in_dim3A_2469 = vector.shape_cast %reduce_sum3A_2468 : vector<1024xbf16> to vector<1x1024xbf16>
    %convert_element_type3A_2470 = arith.extf %broadcast_in_dim3A_2469 : vector<1x1024xbf16> to vector<1x1024xf32>
    %convert_element_type3A_2471 = arith.extf %broadcast_in_dim3A_2463 : vector<1x1024xbf16> to vector<1x1024xf32>
    %get3A_2472 = arith.constant 0 : index
    %get3A_2473 = arith.constant 0 : index
    %get3A_2474 = vector.load %arg5[%get3A_2472, %get3A_2473] : memref<1x1024xf32, #tpu.memory_space<vmem>>, vector<1x1024xf32>
    %max3A_2475 = arith.maximumf %get3A_2474, %convert_element_type3A_2471 : vector<1x1024xf32>
    %get3A_2476 = arith.constant 0 : index
    %get3A_2477 = arith.constant 0 : index
    %get3A_2478 = vector.load %arg6[%get3A_2476, %get3A_2477] : memref<1x1024xf32, #tpu.memory_space<vmem>>, vector<1x1024xf32>
    %sub3A_2479 = arith.subf %get3A_2474, %max3A_2475 : vector<1x1024xf32>
    %exp23A_2480 = math.exp2 %sub3A_2479 : vector<1x1024xf32>
    %mul3A_2481 = arith.mulf %get3A_2478, %exp23A_2480 : vector<1x1024xf32>
    %sub3A_2482 = arith.subf %convert_element_type3A_2471, %max3A_2475 : vector<1x1024xf32>
    %exp23A_2483 = math.exp2 %sub3A_2482 : vector<1x1024xf32>
    %mul3A_2484 = arith.mulf %convert_element_type3A_2470, %exp23A_2483 : vector<1x1024xf32>
    %add3A_2485 = arith.addf %mul3A_2481, %mul3A_2484 : vector<1x1024xf32>
    %swap3A_2486 = arith.constant 0 : index
    %swap3A_2487 = arith.constant 0 : index
    %swap3A_2488 = vector.load %arg6[%swap3A_2486, %swap3A_2487] : memref<1x1024xf32, #tpu.memory_space<vmem>>, vector<1x1024xf32>
    tpu.vector_store %arg6[%swap3A_2486, %swap3A_2487], %add3A_2485 {strides = array<i32>} : memref<1x1024xf32, #tpu.memory_space<vmem>>, vector<1x1024xf32>,
    %swap3A_2489 = arith.constant 0 : index
    %swap3A_2490 = arith.constant 0 : index
    %swap3A_2491 = vector.load %arg5[%swap3A_2489, %swap3A_2490] : memref<1x1024xf32, #tpu.memory_space<vmem>>, vector<1x1024xf32>
    tpu.vector_store %arg5[%swap3A_2489, %swap3A_2490], %max3A_2475 {strides = array<i32>} : memref<1x1024xf32, #tpu.memory_space<vmem>>, vector<1x1024xf32>,
    %get3A_2492 = arith.constant 15616 : index
    %get3A_2493 = arith.constant 0 : index
    %get3A_2494 = vector.load %arg2[%get3A_2492, %get3A_2493] : memref<16384x128xf32, #tpu.memory_space<vmem>>, vector<256x128xf32>
    %convert_element_type3A_2495 = arith.truncf %get3A_2494 : vector<256x128xf32> to vector<256x128xbf16>
    %get3A_2496 = arith.constant 0 : index
    %get3A_2497 = arith.constant 0 : index
    %get3A_2498 = vector.load %arg1[%get3A_2496, %get3A_2497] : memref<128x1024xbf16, #tpu.memory_space<vmem>>, vector<128x1024xbf16>
    %dot_general3A_2499 = arith.constant dense<0.000000e+00> : vector<256x1024xf32>
    %dot_general3A_2500 = tpu.matmul %convert_element_type3A_2495, %get3A_2498, %dot_general3A_2499 {dimension_numbers = #tpu.dot_dimension_numbers<[1], [0], [0], [1], [0, 0, 1, 1], [], []>, transpose_lhs_hint = false} : vector<256x128xbf16>, vector<128x1024xbf16>, vector<256x1024xf32> -> vector<256x1024xf32>
    %convert_element_type3A_2501 = arith.truncf %dot_general3A_2500 : vector<256x1024xf32> to vector<256x1024xbf16>
    %reduce_max3A_2502 = arith.constant dense<0xFF80> : vector<1024xbf16>
    %reduce_max3A_2503 = vector.multi_reduction <maximumf>, %convert_element_type3A_2501, %reduce_max3A_2502 [0] : vector<256x1024xbf16> to vector<1024xbf16>
    %broadcast_in_dim3A_2504 = vector.shape_cast %reduce_max3A_2503 : vector<1024xbf16> to vector<1x1024xbf16>
    %sub3A_2505 = vector.broadcast %broadcast_in_dim3A_2504 : vector<1x1024xbf16> to vector<256x1024xbf16>
    %sub3A_2506 = arith.subf %convert_element_type3A_2501, %sub3A_2505 : vector<256x1024xbf16>
    %exp23A_2507 = math.exp2 %sub3A_2506 : vector<256x1024xbf16>
    %reduce_sum3A_2508 = arith.constant dense<0.000000e+00> : vector<1024xbf16>
    %reduce_sum3A_2509 = vector.multi_reduction <add>, %exp23A_2507, %reduce_sum3A_2508 [0] : vector<256x1024xbf16> to vector<1024xbf16>
    %broadcast_in_dim3A_2510 = vector.shape_cast %reduce_sum3A_2509 : vector<1024xbf16> to vector<1x1024xbf16>
    %convert_element_type3A_2511 = arith.extf %broadcast_in_dim3A_2510 : vector<1x1024xbf16> to vector<1x1024xf32>
    %convert_element_type3A_2512 = arith.extf %broadcast_in_dim3A_2504 : vector<1x1024xbf16> to vector<1x1024xf32>
    %get3A_2513 = arith.constant 0 : index
    %get3A_2514 = arith.constant 0 : index
    %get3A_2515 = vector.load %arg5[%get3A_2513, %get3A_2514] : memref<1x1024xf32, #tpu.memory_space<vmem>>, vector<1x1024xf32>
    %max3A_2516 = arith.maximumf %get3A_2515, %convert_element_type3A_2512 : vector<1x1024xf32>
    %get3A_2517 = arith.constant 0 : index
    %get3A_2518 = arith.constant 0 : index
    %get3A_2519 = vector.load %arg6[%get3A_2517, %get3A_2518] : memref<1x1024xf32, #tpu.memory_space<vmem>>, vector<1x1024xf32>
    %sub3A_2520 = arith.subf %get3A_2515, %max3A_2516 : vector<1x1024xf32>
    %exp23A_2521 = math.exp2 %sub3A_2520 : vector<1x1024xf32>
    %mul3A_2522 = arith.mulf %get3A_2519, %exp23A_2521 : vector<1x1024xf32>
    %sub3A_2523 = arith.subf %convert_element_type3A_2512, %max3A_2516 : vector<1x1024xf32>
    %exp23A_2524 = math.exp2 %sub3A_2523 : vector<1x1024xf32>
    %mul3A_2525 = arith.mulf %convert_element_type3A_2511, %exp23A_2524 : vector<1x1024xf32>
    %add3A_2526 = arith.addf %mul3A_2522, %mul3A_2525 : vector<1x1024xf32>
    %swap3A_2527 = arith.constant 0 : index
    %swap3A_2528 = arith.constant 0 : index
    %swap3A_2529 = vector.load %arg6[%swap3A_2527, %swap3A_2528] : memref<1x1024xf32, #tpu.memory_space<vmem>>, vector<1x1024xf32>
    tpu.vector_store %arg6[%swap3A_2527, %swap3A_2528], %add3A_2526 {strides = array<i32>} : memref<1x1024xf32, #tpu.memory_space<vmem>>, vector<1x1024xf32>,
    %swap3A_2530 = arith.constant 0 : index
    %swap3A_2531 = arith.constant 0 : index
    %swap3A_2532 = vector.load %arg5[%swap3A_2530, %swap3A_2531] : memref<1x1024xf32, #tpu.memory_space<vmem>>, vector<1x1024xf32>
    tpu.vector_store %arg5[%swap3A_2530, %swap3A_2531], %max3A_2516 {strides = array<i32>} : memref<1x1024xf32, #tpu.memory_space<vmem>>, vector<1x1024xf32>,
    %get3A_2533 = arith.constant 15872 : index
    %get3A_2534 = arith.constant 0 : index
    %get3A_2535 = vector.load %arg2[%get3A_2533, %get3A_2534] : memref<16384x128xf32, #tpu.memory_space<vmem>>, vector<256x128xf32>
    %convert_element_type3A_2536 = arith.truncf %get3A_2535 : vector<256x128xf32> to vector<256x128xbf16>
    %get3A_2537 = arith.constant 0 : index
    %get3A_2538 = arith.constant 0 : index
    %get3A_2539 = vector.load %arg1[%get3A_2537, %get3A_2538] : memref<128x1024xbf16, #tpu.memory_space<vmem>>, vector<128x1024xbf16>
    %dot_general3A_2540 = arith.constant dense<0.000000e+00> : vector<256x1024xf32>
    %dot_general3A_2541 = tpu.matmul %convert_element_type3A_2536, %get3A_2539, %dot_general3A_2540 {dimension_numbers = #tpu.dot_dimension_numbers<[1], [0], [0], [1], [0, 0, 1, 1], [], []>, transpose_lhs_hint = false} : vector<256x128xbf16>, vector<128x1024xbf16>, vector<256x1024xf32> -> vector<256x1024xf32>
    %convert_element_type3A_2542 = arith.truncf %dot_general3A_2541 : vector<256x1024xf32> to vector<256x1024xbf16>
    %reduce_max3A_2543 = arith.constant dense<0xFF80> : vector<1024xbf16>
    %reduce_max3A_2544 = vector.multi_reduction <maximumf>, %convert_element_type3A_2542, %reduce_max3A_2543 [0] : vector<256x1024xbf16> to vector<1024xbf16>
    %broadcast_in_dim3A_2545 = vector.shape_cast %reduce_max3A_2544 : vector<1024xbf16> to vector<1x1024xbf16>
    %sub3A_2546 = vector.broadcast %broadcast_in_dim3A_2545 : vector<1x1024xbf16> to vector<256x1024xbf16>
    %sub3A_2547 = arith.subf %convert_element_type3A_2542, %sub3A_2546 : vector<256x1024xbf16>
    %exp23A_2548 = math.exp2 %sub3A_2547 : vector<256x1024xbf16>
    %reduce_sum3A_2549 = arith.constant dense<0.000000e+00> : vector<1024xbf16>
    %reduce_sum3A_2550 = vector.multi_reduction <add>, %exp23A_2548, %reduce_sum3A_2549 [0] : vector<256x1024xbf16> to vector<1024xbf16>
    %broadcast_in_dim3A_2551 = vector.shape_cast %reduce_sum3A_2550 : vector<1024xbf16> to vector<1x1024xbf16>
    %convert_element_type3A_2552 = arith.extf %broadcast_in_dim3A_2551 : vector<1x1024xbf16> to vector<1x1024xf32>
    %convert_element_type3A_2553 = arith.extf %broadcast_in_dim3A_2545 : vector<1x1024xbf16> to vector<1x1024xf32>
    %get3A_2554 = arith.constant 0 : index
    %get3A_2555 = arith.constant 0 : index
    %get3A_2556 = vector.load %arg5[%get3A_2554, %get3A_2555] : memref<1x1024xf32, #tpu.memory_space<vmem>>, vector<1x1024xf32>
    %max3A_2557 = arith.maximumf %get3A_2556, %convert_element_type3A_2553 : vector<1x1024xf32>
    %get3A_2558 = arith.constant 0 : index
    %get3A_2559 = arith.constant 0 : index
    %get3A_2560 = vector.load %arg6[%get3A_2558, %get3A_2559] : memref<1x1024xf32, #tpu.memory_space<vmem>>, vector<1x1024xf32>
    %sub3A_2561 = arith.subf %get3A_2556, %max3A_2557 : vector<1x1024xf32>
    %exp23A_2562 = math.exp2 %sub3A_2561 : vector<1x1024xf32>
    %mul3A_2563 = arith.mulf %get3A_2560, %exp23A_2562 : vector<1x1024xf32>
    %sub3A_2564 = arith.subf %convert_element_type3A_2553, %max3A_2557 : vector<1x1024xf32>
    %exp23A_2565 = math.exp2 %sub3A_2564 : vector<1x1024xf32>
    %mul3A_2566 = arith.mulf %convert_element_type3A_2552, %exp23A_2565 : vector<1x1024xf32>
    %add3A_2567 = arith.addf %mul3A_2563, %mul3A_2566 : vector<1x1024xf32>
    %swap3A_2568 = arith.constant 0 : index
    %swap3A_2569 = arith.constant 0 : index
    %swap3A_2570 = vector.load %arg6[%swap3A_2568, %swap3A_2569] : memref<1x1024xf32, #tpu.memory_space<vmem>>, vector<1x1024xf32>
    tpu.vector_store %arg6[%swap3A_2568, %swap3A_2569], %add3A_2567 {strides = array<i32>} : memref<1x1024xf32, #tpu.memory_space<vmem>>, vector<1x1024xf32>,
    %swap3A_2571 = arith.constant 0 : index
    %swap3A_2572 = arith.constant 0 : index
    %swap3A_2573 = vector.load %arg5[%swap3A_2571, %swap3A_2572] : memref<1x1024xf32, #tpu.memory_space<vmem>>, vector<1x1024xf32>
    tpu.vector_store %arg5[%swap3A_2571, %swap3A_2572], %max3A_2557 {strides = array<i32>} : memref<1x1024xf32, #tpu.memory_space<vmem>>, vector<1x1024xf32>,
    %get3A_2574 = arith.constant 16128 : index
    %get3A_2575 = arith.constant 0 : index
    %get3A_2576 = vector.load %arg2[%get3A_2574, %get3A_2575] : memref<16384x128xf32, #tpu.memory_space<vmem>>, vector<256x128xf32>
    %convert_element_type3A_2577 = arith.truncf %get3A_2576 : vector<256x128xf32> to vector<256x128xbf16>
    %get3A_2578 = arith.constant 0 : index
    %get3A_2579 = arith.constant 0 : index
    %get3A_2580 = vector.load %arg1[%get3A_2578, %get3A_2579] : memref<128x1024xbf16, #tpu.memory_space<vmem>>, vector<128x1024xbf16>
    %dot_general3A_2581 = arith.constant dense<0.000000e+00> : vector<256x1024xf32>
    %dot_general3A_2582 = tpu.matmul %convert_element_type3A_2577, %get3A_2580, %dot_general3A_2581 {dimension_numbers = #tpu.dot_dimension_numbers<[1], [0], [0], [1], [0, 0, 1, 1], [], []>, transpose_lhs_hint = false} : vector<256x128xbf16>, vector<128x1024xbf16>, vector<256x1024xf32> -> vector<256x1024xf32>
    %convert_element_type3A_2583 = arith.truncf %dot_general3A_2582 : vector<256x1024xf32> to vector<256x1024xbf16>
    %reduce_max3A_2584 = arith.constant dense<0xFF80> : vector<1024xbf16>
    %reduce_max3A_2585 = vector.multi_reduction <maximumf>, %convert_element_type3A_2583, %reduce_max3A_2584 [0] : vector<256x1024xbf16> to vector<1024xbf16>
    %broadcast_in_dim3A_2586 = vector.shape_cast %reduce_max3A_2585 : vector<1024xbf16> to vector<1x1024xbf16>
    %sub3A_2587 = vector.broadcast %broadcast_in_dim3A_2586 : vector<1x1024xbf16> to vector<256x1024xbf16>
    %sub3A_2588 = arith.subf %convert_element_type3A_2583, %sub3A_2587 : vector<256x1024xbf16>
    %exp23A_2589 = math.exp2 %sub3A_2588 : vector<256x1024xbf16>
    %reduce_sum3A_2590 = arith.constant dense<0.000000e+00> : vector<1024xbf16>
    %reduce_sum3A_2591 = vector.multi_reduction <add>, %exp23A_2589, %reduce_sum3A_2590 [0] : vector<256x1024xbf16> to vector<1024xbf16>
    %broadcast_in_dim3A_2592 = vector.shape_cast %reduce_sum3A_2591 : vector<1024xbf16> to vector<1x1024xbf16>
    %convert_element_type3A_2593 = arith.extf %broadcast_in_dim3A_2592 : vector<1x1024xbf16> to vector<1x1024xf32>
    %convert_element_type3A_2594 = arith.extf %broadcast_in_dim3A_2586 : vector<1x1024xbf16> to vector<1x1024xf32>
    %get3A_2595 = arith.constant 0 : index
    %get3A_2596 = arith.constant 0 : index
    %get3A_2597 = vector.load %arg5[%get3A_2595, %get3A_2596] : memref<1x1024xf32, #tpu.memory_space<vmem>>, vector<1x1024xf32>
    %max3A_2598 = arith.maximumf %get3A_2597, %convert_element_type3A_2594 : vector<1x1024xf32>
    %get3A_2599 = arith.constant 0 : index
    %get3A_2600 = arith.constant 0 : index
    %get3A_2601 = vector.load %arg6[%get3A_2599, %get3A_2600] : memref<1x1024xf32, #tpu.memory_space<vmem>>, vector<1x1024xf32>
    %sub3A_2602 = arith.subf %get3A_2597, %max3A_2598 : vector<1x1024xf32>
    %exp23A_2603 = math.exp2 %sub3A_2602 : vector<1x1024xf32>
    %mul3A_2604 = arith.mulf %get3A_2601, %exp23A_2603 : vector<1x1024xf32>
    %sub3A_2605 = arith.subf %convert_element_type3A_2594, %max3A_2598 : vector<1x1024xf32>
    %exp23A_2606 = math.exp2 %sub3A_2605 : vector<1x1024xf32>
    %mul3A_2607 = arith.mulf %convert_element_type3A_2593, %exp23A_2606 : vector<1x1024xf32>
    %add3A_2608 = arith.addf %mul3A_2604, %mul3A_2607 : vector<1x1024xf32>
    %swap3A_2609 = arith.constant 0 : index
    %swap3A_2610 = arith.constant 0 : index
    %swap3A_2611 = vector.load %arg6[%swap3A_2609, %swap3A_2610] : memref<1x1024xf32, #tpu.memory_space<vmem>>, vector<1x1024xf32>
    tpu.vector_store %arg6[%swap3A_2609, %swap3A_2610], %add3A_2608 {strides = array<i32>} : memref<1x1024xf32, #tpu.memory_space<vmem>>, vector<1x1024xf32>,
    %swap3A_2612 = arith.constant 0 : index
    %swap3A_2613 = arith.constant 0 : index
    %swap3A_2614 = vector.load %arg5[%swap3A_2612, %swap3A_2613] : memref<1x1024xf32, #tpu.memory_space<vmem>>, vector<1x1024xf32>
    tpu.vector_store %arg5[%swap3A_2612, %swap3A_2613], %max3A_2598 {strides = array<i32>} : memref<1x1024xf32, #tpu.memory_space<vmem>>, vector<1x1024xf32>,
    %eq3A_2615 = arith.constant 5 : i32
    %eq3A_2616 = arith.cmpi eq, %arg0, %eq3A_2615 : i32
    %convert_element_type3A_2617 = arith.extui %eq3A_2616 : i1 to i32
    %cond3A_2618 = arith.constant 0 : i32
    %cond3A_2619 = arith.cmpi ne, %convert_element_type3A_2617, %cond3A_2618 : i32
    scf.if %cond3A_2619 {
      %get3A_2620 = arith.constant 0 : index
      %get3A_2621 = arith.constant 0 : index
      %get3A_2622 = vector.load %arg5[%get3A_2620, %get3A_2621] : memref<1x1024xf32, #tpu.memory_space<vmem>>, vector<1x1024xf32>
      %swap3A_2623 = arith.constant 0 : index
      %swap3A_2624 = arith.constant 0 : index
      %swap3A_2625 = vector.load %arg3[%swap3A_2623, %swap3A_2624] : memref<1x1024xf32, #tpu.memory_space<vmem>>, vector<1x1024xf32>
      tpu.vector_store %arg3[%swap3A_2623, %swap3A_2624], %get3A_2622 {strides = array<i32>} : memref<1x1024xf32, #tpu.memory_space<vmem>>, vector<1x1024xf32>,
      %get3A_2626 = arith.constant 0 : index
      %get3A_2627 = arith.constant 0 : index
      %get3A_2628 = vector.load %arg6[%get3A_2626, %get3A_2627] : memref<1x1024xf32, #tpu.memory_space<vmem>>, vector<1x1024xf32>
      %swap3A_2629 = arith.constant 0 : index
      %swap3A_2630 = arith.constant 0 : index
      %swap3A_2631 = vector.load %arg4[%swap3A_2629, %swap3A_2630] : memref<1x1024xf32, #tpu.memory_space<vmem>>, vector<1x1024xf32>
      tpu.vector_store %arg4[%swap3A_2629, %swap3A_2630], %get3A_2628 {strides = array<i32>} : memref<1x1024xf32, #tpu.memory_space<vmem>>, vector<1x1024xf32>,
    } else {
    }
    return
  }
  func.func @transform_0(%arg0: i32) -> (i32, i32) {
    %c0_i32 = arith.constant 0 : i32
    %c0_i32_0 = arith.constant 0 : i32
    %c0_i32_1 = arith.constant 0 : i32
    return %c0_i32, %c0_i32_0 : i32, i32
  }
  func.func @transform_1(%arg0: i32) -> (i32, i32) {
    %c0_i32 = arith.constant 0 : i32
    %c0_i32_0 = arith.constant 0 : i32
    return %arg0, %c0_i32 : i32, i32
  }
  func.func @transform_2(%arg0: i32) -> (i32, i32) {
    %c0_i32 = arith.constant 0 : i32
    %c0_i32_0 = arith.constant 0 : i32
    %c0_i32_1 = arith.constant 0 : i32
    return %c0_i32, %c0_i32_0 : i32, i32
  }
  func.func @transform_3(%arg0: i32) -> (i32, i32) {
    %c0_i32 = arith.constant 0 : i32
    %c0_i32_0 = arith.constant 0 : i32
    %c0_i32_1 = arith.constant 0 : i32
    return %c0_i32, %c0_i32_0 : i32, i32
  }
}

module attributes {stable_mosaic.version = 14 : i64} {
  func.func @_combine_body(%arg0: memref<128x1024xbf16, #tpu.memory_space<vmem>>, %arg1: memref<1696x128xf32, #tpu.memory_space<vmem>>, %arg2: memref<1024x128xf32, #tpu.memory_space<vmem>>, %arg3: memref<1024x128xf32, #tpu.memory_space<vmem>>, %arg4: memref<1x1024xf32, #tpu.memory_space<vmem>>, %arg5: memref<1x1024xf32, #tpu.memory_space<vmem>>, %arg6: memref<1x1xf32, #tpu.memory_space<vmem>>, %arg7: memref<1x1024xf32, #tpu.memory_space<vmem>>, %arg8: memref<1x1024xf32, #tpu.memory_space<vmem>>) attributes {dimension_semantics = [], scalar_prefetch = 0 : i64, scratch_operands = 2 : i64, tpu.core_type = #tpu.core_type<tc>} {
    %get3A = arith.constant 0 : index
    %get3A_0 = arith.constant 0 : index
    %get3A_1 = vector.load %arg4[%get3A, %get3A_0] : memref<1x1024xf32, #tpu.memory_space<vmem>>, vector<1x1024xf32>
    %swap3A = arith.constant 0 : index
    %swap3A_2 = arith.constant 0 : index
    %swap3A_3 = vector.load %arg7[%swap3A, %swap3A_2] : memref<1x1024xf32, #tpu.memory_space<vmem>>, vector<1x1024xf32>
    tpu.vector_store %arg7[%swap3A, %swap3A_2], %get3A_1 {strides = array<i32>} : memref<1x1024xf32, #tpu.memory_space<vmem>>, vector<1x1024xf32>,
    %get3A_4 = arith.constant 0 : index
    %get3A_5 = arith.constant 0 : index
    %get3A_6 = vector.load %arg5[%get3A_4, %get3A_5] : memref<1x1024xf32, #tpu.memory_space<vmem>>, vector<1x1024xf32>
    %swap3A_7 = arith.constant 0 : index
    %swap3A_8 = arith.constant 0 : index
    %swap3A_9 = vector.load %arg8[%swap3A_7, %swap3A_8] : memref<1x1024xf32, #tpu.memory_space<vmem>>, vector<1x1024xf32>
    tpu.vector_store %arg8[%swap3A_7, %swap3A_8], %get3A_6 {strides = array<i32>} : memref<1x1024xf32, #tpu.memory_space<vmem>>, vector<1x1024xf32>,
    %get3A_10 = arith.constant 0 : index
    %get3A_11 = arith.constant 0 : index
    %get3A_12 = vector.load %arg1[%get3A_10, %get3A_11] : memref<1696x128xf32, #tpu.memory_space<vmem>>, vector<1696x128xf32>
    %convert_element_type3A = arith.truncf %get3A_12 : vector<1696x128xf32> to vector<1696x128xbf16>
    %get3A_13 = arith.constant 0 : index
    %get3A_14 = arith.constant 0 : index
    %get3A_15 = vector.load %arg0[%get3A_13, %get3A_14] : memref<128x1024xbf16, #tpu.memory_space<vmem>>, vector<128x1024xbf16>
    %dot_general3A = arith.constant dense<0.000000e+00> : vector<1696x1024xf32>
    %dot_general3A_16 = tpu.matmul %convert_element_type3A, %get3A_15, %dot_general3A {dimension_numbers = #tpu.dot_dimension_numbers<[1], [0], [0], [1], [0, 0, 1, 1], [], []>, transpose_lhs_hint = false} : vector<1696x128xbf16>, vector<128x1024xbf16>, vector<1696x1024xf32> -> vector<1696x1024xf32>
    %convert_element_type3A_17 = arith.truncf %dot_general3A_16 : vector<1696x1024xf32> to vector<1696x1024xbf16>
    %reduce_max3A = arith.constant dense<0xFF80> : vector<1024xbf16>
    %reduce_max3A_18 = vector.multi_reduction <maximumf>, %convert_element_type3A_17, %reduce_max3A [0] : vector<1696x1024xbf16> to vector<1024xbf16>
    %broadcast_in_dim3A = vector.shape_cast %reduce_max3A_18 : vector<1024xbf16> to vector<1x1024xbf16>
    %sub3A = vector.broadcast %broadcast_in_dim3A : vector<1x1024xbf16> to vector<1696x1024xbf16>
    %sub3A_19 = arith.subf %convert_element_type3A_17, %sub3A : vector<1696x1024xbf16>
    %exp23A = math.exp2 %sub3A_19 : vector<1696x1024xbf16>
    %reduce_sum3A = arith.constant dense<0.000000e+00> : vector<1024xbf16>
    %reduce_sum3A_20 = vector.multi_reduction <add>, %exp23A, %reduce_sum3A [0] : vector<1696x1024xbf16> to vector<1024xbf16>
    %broadcast_in_dim3A_21 = vector.shape_cast %reduce_sum3A_20 : vector<1024xbf16> to vector<1x1024xbf16>
    %convert_element_type3A_22 = arith.extf %broadcast_in_dim3A_21 : vector<1x1024xbf16> to vector<1x1024xf32>
    %convert_element_type3A_23 = arith.extf %broadcast_in_dim3A : vector<1x1024xbf16> to vector<1x1024xf32>
    %get3A_24 = arith.constant 0 : index
    %get3A_25 = arith.constant 0 : index
    %get3A_26 = vector.load %arg7[%get3A_24, %get3A_25] : memref<1x1024xf32, #tpu.memory_space<vmem>>, vector<1x1024xf32>
    %max3A = arith.maximumf %get3A_26, %convert_element_type3A_23 : vector<1x1024xf32>
    %get3A_27 = arith.constant 0 : index
    %get3A_28 = arith.constant 0 : index
    %get3A_29 = vector.load %arg8[%get3A_27, %get3A_28] : memref<1x1024xf32, #tpu.memory_space<vmem>>, vector<1x1024xf32>
    %sub3A_30 = arith.subf %get3A_26, %max3A : vector<1x1024xf32>
    %exp23A_31 = math.exp2 %sub3A_30 : vector<1x1024xf32>
    %mul3A = arith.mulf %get3A_29, %exp23A_31 : vector<1x1024xf32>
    %sub3A_32 = arith.subf %convert_element_type3A_23, %max3A : vector<1x1024xf32>
    %exp23A_33 = math.exp2 %sub3A_32 : vector<1x1024xf32>
    %mul3A_34 = arith.mulf %convert_element_type3A_22, %exp23A_33 : vector<1x1024xf32>
    %add3A = arith.addf %mul3A, %mul3A_34 : vector<1x1024xf32>
    %swap3A_35 = arith.constant 0 : index
    %swap3A_36 = arith.constant 0 : index
    %swap3A_37 = vector.load %arg8[%swap3A_35, %swap3A_36] : memref<1x1024xf32, #tpu.memory_space<vmem>>, vector<1x1024xf32>
    tpu.vector_store %arg8[%swap3A_35, %swap3A_36], %add3A {strides = array<i32>} : memref<1x1024xf32, #tpu.memory_space<vmem>>, vector<1x1024xf32>,
    %swap3A_38 = arith.constant 0 : index
    %swap3A_39 = arith.constant 0 : index
    %swap3A_40 = vector.load %arg7[%swap3A_38, %swap3A_39] : memref<1x1024xf32, #tpu.memory_space<vmem>>, vector<1x1024xf32>
    tpu.vector_store %arg7[%swap3A_38, %swap3A_39], %max3A {strides = array<i32>} : memref<1x1024xf32, #tpu.memory_space<vmem>>, vector<1x1024xf32>,
    %get3A_41 = arith.constant 0 : index
    %get3A_42 = arith.constant 0 : index
    %get3A_43 = vector.load %arg7[%get3A_41, %get3A_42] : memref<1x1024xf32, #tpu.memory_space<vmem>>, vector<1x1024xf32>
    %mul3A_44 = arith.constant 0.693147182 : f32
    %mul3A_45 = vector.broadcast %mul3A_44 : f32 to vector<1x1024xf32>
    %mul3A_46 = arith.mulf %get3A_43, %mul3A_45 : vector<1x1024xf32>
    %get3A_47 = arith.constant 0 : index
    %get3A_48 = arith.constant 0 : index
    %get3A_49 = vector.load %arg8[%get3A_47, %get3A_48] : memref<1x1024xf32, #tpu.memory_space<vmem>>, vector<1x1024xf32>
    %log3A = math.log %get3A_49 : vector<1x1024xf32>
    %add3A_50 = arith.addf %mul3A_46, %log3A : vector<1x1024xf32>
    %reduce_sum3A_51 = vector.shape_cast %add3A_50 : vector<1x1024xf32> to vector<1x1x1024xf32>
    %reduce_sum3A_52 = arith.constant dense<0.000000e+00> : vector<1xf32>
    %reduce_sum3A_53 = vector.multi_reduction <add>, %reduce_sum3A_51, %reduce_sum3A_52 [1, 2] : vector<1x1x1024xf32> to vector<1xf32>
    %reduce_sum3A_54 = vector.shape_cast %reduce_sum3A_53 : vector<1xf32> to vector<1x1x1xf32>
    %reduce_sum3A_55 = vector.extract %reduce_sum3A_54[0, 0, 0] : f32 from vector<1x1x1xf32>
    %get3A_56 = arith.constant 0 : index
    %get3A_57 = arith.constant 0 : index
    %get3A_58 = vector.load %arg2[%get3A_56, %get3A_57] : memref<1024x128xf32, #tpu.memory_space<vmem>>, vector<1024x128xf32>
    %get3A_59 = arith.constant 0 : index
    %get3A_60 = arith.constant 0 : index
    %get3A_61 = vector.load %arg3[%get3A_59, %get3A_60] : memref<1024x128xf32, #tpu.memory_space<vmem>>, vector<1024x128xf32>
    %mul3A_62 = arith.mulf %get3A_58, %get3A_61 : vector<1024x128xf32>
    %reduce_sum3A_63 = vector.shape_cast %mul3A_62 : vector<1024x128xf32> to vector<1x1024x128xf32>
    %reduce_sum3A_64 = arith.constant dense<0.000000e+00> : vector<1xf32>
    %reduce_sum3A_65 = vector.multi_reduction <add>, %reduce_sum3A_63, %reduce_sum3A_64 [1, 2] : vector<1x1024x128xf32> to vector<1xf32>
    %reduce_sum3A_66 = vector.shape_cast %reduce_sum3A_65 : vector<1xf32> to vector<1x1x1xf32>
    %reduce_sum3A_67 = vector.extract %reduce_sum3A_66[0, 0, 0] : f32 from vector<1x1x1xf32>
    %sub3A_68 = arith.subf %reduce_sum3A_55, %reduce_sum3A_67 : f32
    %div3A = arith.constant 1.024000e+03 : f32
    %div3A_69 = arith.divf %sub3A_68, %div3A : f32
    %broadcast_in_dim3A_70 = vector.broadcast %div3A_69 : f32 to vector<1x1xf32>
    %swap3A_71 = arith.constant 0 : index
    %swap3A_72 = arith.constant 0 : index
    %swap3A_73 = vector.load %arg6[%swap3A_71, %swap3A_72] : memref<1x1xf32, #tpu.memory_space<vmem>>, vector<1x1xf32>
    tpu.vector_store %arg6[%swap3A_71, %swap3A_72], %broadcast_in_dim3A_70 {strides = array<i32>} : memref<1x1xf32, #tpu.memory_space<vmem>>, vector<1x1xf32>,
    return
  }
}

</mosaic_0001>

<sc_bundles>
// kernel: kernel.5.cloned.1.call-start
scs
__scs_entry_jumppad:
0x0: {  	(pc) =	sbr.rel $0x88, $3  }
0x1: {  	(tag) =	ssettag $0x0;
	lr =	simm.s32 $0x1  }
0x2: {  	[smem:$0x3F9E] =	sst lr;
	_ =	strace $0xD0000000  }
0x3: {  	_ = 	snop  }
0x4: {  	_ = 	snop  }
0x5: {  	_ = 	snop  }
0x6: {  	_ = 	snop  }
0x7: {  	_ = 	snop  }
__scs_overlays_trampoline_lowered:
0x8: {  	[smem:$0x3FAD] =	sst s0  }
0x9: {  	[smem:$0x3FAE] =	sst s1  }
0xa: {  	[smem:$0x3FAF] =	sst s2  }
0xb: {  	[smem:$0x3FB0] =	sst s3  }
0xc: {  	[smem:$0x3FB1] =	sst s4  }
0xd: {  	[smem:$0x3FB2] =	sst s5  }
0xe: {  	[smem:$0x3FB3] =	sst s6  }
0xf: {  	[smem:$0x3FB4] =	sst s7  }
0x10: {  	[smem:$0x3FB5] =	sst s8  }
0x11: {  	[smem:$0x3FB6] =	sst s9;
	s0 =	simm.s32 @!p0 $0x0  }
0x12: {  	s1 =	sld [smem:$0x3F9C];
	s0 =	simm.s32 @p0 $0x1  }
0x13: {  	[smem:$0x3FB7] =	sst s0;
	s0 =	simm.s32 @!p1 $0x0  }
0x14: {  	s2 =	sld [smem:$0x3F9B];
	s0 =	simm.s32 @p1 $0x1  }
0x15: {  	[smem:$0x3FB8] =	sst s0;
	s0 =	simm.s32 @!p2 $0x0  }
0x16: {  	s3 =	sld [smem:$0x3FDB];
	s0 =	simm.s32 @p2 $0x1  }
0x17: {  	s4 =	simm.s32 $0x1BF5;
	[smem:$0x3FBA] =	sst s0  }
0x18: {  	s0 =	sld [smem:$0x3F9D];
	_ =	swait.ge [sflag:s4], $0x0  }
0x19: {  	s7 =	sld [smem:$0x3F9E]  }
0x1a: {  	s8 =	sadd.s32 $0xFFFFE003, lr  }
0x1b: {  	s9 =	sadd.s32 $0xFFFFFEF7, lr;
	s5 =	simm.s32 $0xFFFFFFFF;
	p2 =	slt.u32 s8, $0xFFFFF086  }
0x1c: {  	p1 =	slt.u32 s9, $0xF7A;
	s5 =	simm.s32 @!p2 $0x0  }
0x1d: {  	s5 =	simm.s32 @p1 $0x1;
	p0 =	seq.s32 s7, s2  }
0x1e: {  	s7 =	smul.u32 @!p0 $0xF7A, s2;
	p2 =	seq.s32 @!p0 s5, $0x0  }
0x1f: {  	s9 =	smul.u32 $0xF7A, s1;
	s8 =	simm.s32 @!p0 $0x1BF5;
	p2 =	por !p2, p0  }
0x20: {  	[sflag:s8] =	ssyncset.s32 @!p0 $0xFFFFF086;
	s6 =	sadd.s32 @!p0 s3, s7;
	s7 =	simm.s32 @!p0 $0x108  }
0x21: {  	s3 =	sadd.s32 s3, s9;
	s6 =	sadd.s32 @!p0 $0x88, s6;
	s7 =	simm.s32 @p2 $0x1082  }
0x22: {  	[simem:s7], [sflag:s8] =	dma.local @!p0 [hbm:s6], $0xF7A  }
0x23: {  	s9 =	sor.u32 $0xD0000000, s2;
	s6 =	simm.s32 $0x108;
	_ =	swait.ge @!p0 [sflag:s8], $0x0  }
0x24: {  	s3 =	sadd.s32 $0x88, s3;
	s6 =	simm.s32 @!p1 $0x1082;
	[sflag:s4] =	ssyncset.s32 $0xFFFFF086  }
0x25: {  	[simem:s6], [sflag:s4] =	dma.local [hbm:s3], $0xF7A  }
0x26: {  	[smem:$0x3F9E] =	sst s1;
	(tag) =	ssettag s2;
	_ =	strace s9  }
0x27: {  	s1 =	sld [smem:$0x3FAE]  }
0x28: {  	s2 =	sld [smem:$0x3FAF]  }
0x29: {  	s4 =	sld [smem:$0x3FB1]  }
0x2a: {  	p0 =	seq.s32 s5, $0x0;
	s5 =	sld [smem:$0x3FB2]  }
0x2b: {  	s6 =	sld [smem:$0x3FB3]  }
0x2c: {  	s7 =	sld [smem:$0x3FB4]  }
0x2d: {  	s3 =	simm.s32 $0x108;
	s8 =	sld [smem:$0x3FB5]  }
0x2e: {  	s3 =	simm.s32 @!p0 $0x1082;
	s9 =	sld [smem:$0x3FB6]  }
0x2f: {  	lr =	sadd.s32 s0, s3;
	s0 =	sld [smem:$0x3FAD]  }
0x30: {  	s3 =	sld [smem:$0x3FB0]  }
0x31: {  	[smem:$0x3FB9] =	sst s10  }
0x32: {  	s10 =	sld [smem:$0x3FB7];
	_ =	sdelay $0x3  }
0x33: {  	p0 =	seq.s32 s10, $0x1;
	s10 =	sld [smem:$0x3FB9];
	_ =	sdelay $0x3  }
0x34: {  	[smem:$0x3FB9] =	sst s10  }
0x35: {  	s10 =	sld [smem:$0x3FB8];
	_ =	sdelay $0x3  }
0x36: {  	p1 =	seq.s32 s10, $0x1;
	s10 =	sld [smem:$0x3FB9];
	_ =	sdelay $0x3  }
0x37: {  	[smem:$0x3FB9] =	sst s10  }
0x38: {  	s10 =	sld [smem:$0x3FBA]  }
0x39: {  	_ = 	snop;
	(pc) =	sbr.ind lr, $3  }
0x3a: {  	_ = 	snop  }
0x3b: {  	_ = 	snop  }
0x3c: {  	p2 =	seq.s32 s10, $0x1;
	s10 =	sld [smem:$0x3FB9]  }
0x3d: {  	_ =	shalt  }
0x3e: {  	_ =	shalt  }
0x3f: {  	_ =	shalt  }
0x40: {  	_ =	shalt  }
0x41: {  	_ =	shalt  }
0x42: {  	_ =	shalt  }
0x43: {  	_ =	shalt  }
0x44: {  	_ =	shalt  }
0x45: {  	_ =	shalt  }
0x46: {  	_ =	shalt  }
0x47: {  	_ =	shalt  }
0x48: {  	_ =	shalt  }
0x49: {  	_ =	shalt  }
0x4a: {  	_ =	shalt  }
0x4b: {  	_ =	shalt  }
0x4c: {  	_ =	shalt  }
0x4d: {  	_ =	shalt  }
0x4e: {  	_ =	shalt  }
0x4f: {  	_ =	shalt  }
0x50: {  	_ =	shalt  }
0x51: {  	_ =	shalt  }
0x52: {  	_ =	shalt  }
0x53: {  	_ =	shalt  }
0x54: {  	_ =	shalt  }
0x55: {  	_ =	shalt  }
0x56: {  	_ =	shalt  }
0x57: {  	_ =	shalt  }
0x58: {  	_ =	shalt  }
0x59: {  	_ =	shalt  }
0x5a: {  	_ =	shalt  }
0x5b: {  	_ =	shalt  }
0x5c: {  	_ =	shalt  }
0x5d: {  	_ =	shalt  }
0x5e: {  	_ =	shalt  }
0x5f: {  	_ =	shalt  }
0x60: {  	_ =	shalt  }
0x61: {  	_ =	shalt  }
0x62: {  	_ =	shalt  }
0x63: {  	_ =	shalt  }
0x64: {  	_ =	shalt  }
0x65: {  	_ =	shalt  }
0x66: {  	_ =	shalt  }
0x67: {  	_ =	shalt  }
0x68: {  	_ =	shalt  }
0x69: {  	_ =	shalt  }
0x6a: {  	_ =	shalt  }
0x6b: {  	_ =	shalt  }
0x6c: {  	_ =	shalt  }
0x6d: {  	_ =	shalt  }
0x6e: {  	_ =	shalt  }
0x6f: {  	_ =	shalt  }
0x70: {  	_ =	shalt  }
0x71: {  	_ =	shalt  }
0x72: {  	_ =	shalt  }
0x73: {  	_ =	shalt  }
0x74: {  	_ =	shalt  }
0x75: {  	_ =	shalt  }
0x76: {  	_ =	shalt  }
0x77: {  	_ =	shalt  }
0x78: {  	_ =	shalt  }
0x79: {  	_ =	shalt  }
0x7a: {  	_ =	shalt  }
0x7b: {  	_ =	shalt  }
0x7c: {  	_ =	shalt  }
0x7d: {  	_ =	shalt  }
0x7e: {  	_ =	shalt  }
0x7f: {  	_ =	shalt  }
0x80: {  	_ =	shalt  }
0x81: {  	_ =	shalt  }
0x82: {  	_ =	shalt  }
0x83: {  	_ =	shalt  }
0x84: {  	_ =	shalt  }
0x85: {  	_ =	shalt  }
0x86: {  	_ =	shalt  }
0x87: {  	_ =	shalt  }
.Lfunc_end0:
.L_simem_size_0:
called_computation_lowered:
.L_overlay_start_0:
0x88: {  	s2 =	sld [smem:$0x3FD9]  }
0x89: {  	s3 =	sld [smem:$0x3FFE];
	_ =	sdelay $0x1  }
0x8a: {  	s1 =	srdreg.scid  }
0x8b: {  	s0 =	sand.u32 $0x1, s1  }
0x8c: {  	s17 =	sshll.u32 s0, $0xA;
	s2 =	sadd.s32 s3, s2  }
0x8d: {  	s2 =	sadd.s32 s2, s17  }
0x8e: {  	[smem:$0x3FC5] =	sst s2  }
0x8f: {  	_ = 	snop  }
0x90: {  	s2 =	sld [smem:$0x3FC8];
	(tm) =	ssettm $0x1  }
0x91: {  	s18 =	sld [smem:$0x3FFB];
	_ =	sdelay $0x3  }
0x92: {  	_ =	strace s18  }
0x93: {  	s3 =	sld [smem:$0x3FFC];
	_ =	sdelay $0x3  }
0x94: {  	_ =	strace s3  }
0x95: {  	s3 =	sld [smem:$0x3FFD];
	_ =	sdelay $0x3  }
0x96: {  	_ =	strace s3  }
0x97: {  	_ =	strace $0x8FFFFFFF  }
0x98: {  	s19 =	sld [smem:$0x3FDB];
	_ =	sdelay $0x1  }
0x99: {  	s4 =	simm.s32 $_scs_section_size  }
0x9a: {  	s5 =	simm.s32 $_size__tile_overlayer_lowered;
	s6 =	simm.s32 $_tile_overlayer_lowered  }
0x9b: {  	s22 =	simm.s32 $0x1BFF;
	s21 =	sshll.u32 s6, $0x1;
	s3 =	sadd.s32 s4, s19  }
0x9c: {  	s7 =	simm.s32 $0x0;
	s20 =	sshll.u32 s5, $0x1;
	s5 =	sadd.s32 s21, s3  }
0x9d: {  	[timem:s7], [sflag:s22] =	dma.local [hbm:s5], s20  }
0x9e: {  	_ =	swait.ge [sflag:s22], s20  }
0x9f: {  	s4 =	ssub.s32 $0x0, s20;
	[sflag:s22] =	ssyncset.done $0x0  }
0xa0: {  	[sflag:s22] =	ssyncadd.s32 s4;
	_ =	sdelay $0x1  }
0xa1: {  	s23 =	simm.s32 $0x1B8B  }
0xa2: {  	_ =	swait.ge [sflag:s23], $0x1  }
0xa3: {  	[sflag:s23] =	ssyncset.done $0x0  }
0xa4: {  	s25 =	simm.s32 $0x1B8E;
	s24 =	sld [smem:$0x3FFE];
	[sflag:s23] =	ssyncadd.s32 $0xFFFFFFFF  }
0xa5: {  	s26 =	simm.s32 $execute0_lowered;
	[smem:$0x3FD2] =	sst s25  }
0xa6: {  	s5 =	sshll.u32 s26, $0x1;
	_ =	strace $0x80000046;
	[dreg:$0x1] =	wrdreg $0xFFFFFFFF  }
0xa7: {  	s28 =	simm.s32 $_size_execute0_lowered;
	s3 =	sadd.s32 s3, s5;
	[dreg:$0x0] =	wrdreg $0x0  }
0xa8: {  	s5 =	sshll.u32 s28, $0x1;
	[dreg:$0x2] =	wrdreg s3  }
0xa9: {  	[dreg:$0x3] =	wrdreg s5  }
0xaa: {  	[dreg:$0x4] =	wrdreg $0xC0  }
0xab: {  	_ =	task [dreg:s7], $0x5FFFF  }
0xac: {  	[dreg:$0x1] =	wrdreg $0xFFFFFFFF  }
0xad: {  	[dreg:$0x0] =	wrdreg $0x60  }
0xae: {  	[dreg:$0x2] =	wrdreg s2  }
0xaf: {  	[dreg:$0x3] =	wrdreg s24  }
0xb0: {  	[dreg:$0x4] =	wrdreg $0x9  }
0xb1: {  	_ =	task.clear_ibuf [dreg:s7], $0x5FFFF;
	_ =	strace $0x90000046  }
0xb2: {  	s29 =	simm.s32 $0x9;
	_ =	strace $0x80000048  }
0xb3: {  	_ =	swait.ge [sflag:s29], $0x1  }
0xb4: {  	[sflag:s29] =	ssyncadd.s32 $0xFFFFFFFF  }
0xb5: {  	_ =	strace $0x90000048  }
0xb6: {  	_ =	sfence  }
0xb7: {  	s30 =	sld [smem:$0x0];
	_ =	sdelay $0x2  }
0xb8: {  	s31 =	sshll.u32 s1, $0xD;
	s1 =	sshrl.u32 s1, $0x2  }
0xb9: {  	s3 =	sand.u32 $0x4000, s31;
	s1 =	sadd.s32 s1, s30  }
0xba: {  	s0 =	sor.u32 s3, s0;
	s1 =	sshll.u32 s1, $0x11  }
0xbb: {  	s0 =	sor.u32 s1, s0  }
0xbc: {  	s0 =	sadd.s32 $0x8F2B, s0  }
0xbd: {  	[sflag:s0] =	ssyncadd.remote.s32 $0x1  }
0xbe: {  	_ =	sfence.sel $0xFFFF  }
0xbf: {  	[dreg:$0x0] =	wrdreg $0xFFFFFFFF;
	(pc) =	sbr.abs _section_cstart, $3  }
0xc0: {  	[dreg:$0x1] =	wrdreg $0xFFFFFFFF  }
0xc1: {  	_ =	task.clear_ibuf [dreg:s7], $0x2FFFF;
	_ =	strace $0x9FFFFFFF  }
0xc2: {  	(tm) =	ssettm $0x7FFFFFFF  }
0xc3: {  	_ =	shalt  }
tec
execute0_lowered:
.L_overlay_start_1:
0x0: {  	(tag) =	ssettag $0x1  }
0x1: {  	s1 =	srdreg.scid  }
0x2: {  	s0 =	stileid.u32;
	s2 =	rddreg [dreg:$0x0];
	s6 =	sand.u32 $0x1, s1  }
0x3: {  	s9 =	rddreg [dreg:$0x1];
	s30 =	sshll.u32 s0, $0x6;
	s3 =	sshll.u32 s6, $0x5  }
0x4: {  	s7 =	simm.s32 $0x80;
	s8 =	simm.s32 $0x1;
	s10 =	sor.u32 s3, s30  }
0x5: {  	s1 =	rddreg [dreg:$0x2];
	s3 =	simm.s32 $0x0;
	s4 =	sshrl.u32 s10, $0x3  }
0x6: {  	s11 =	ssub.s32 $0x2, s6;
	[smem:$0x7FF] =	sst s3;
	s4 =	sadd.s32 s4, s9  }
0x7: {  	_ =	strace $0x80000047;
	s5 =	sadd.s32 $0xA00, s4;
	s4 =	simm.s32 $0x2  }
0x8: {  	[tilespmem:s3], [sflag:$0x2] =	stream.linear.gather [hbm4b:s5+s3], $0x20, $0x38;
	[tilespmem:$0x1080] =	vst v63  }
0x9: {  	s6 =	simm.s32 $0x20;
	s12 =	sshrl.u32 s11, $0x1;
	_ =	swait.ge [sflag:s4], $0x20  }
0xa: {  	s10 =	sshll.u32 s10, $0x4;
	s31 =	ssub.s32 s11, s12;
	[sflag:s4] =	ssyncset.done $0x0  }
0xb: {  	s9 =	sadd.s32 s10, s9;
	s10 =	smax.u32 s31, $0x1;
	[sflag:s4] =	ssyncadd.s32 $0xFFFFFFE0  }
0xc: {  	[tilespmem:s7], [sflag:$0x1] =	stream.indirect.gather [hbm4b:s2+s6], $0x80, s3, s6, $0xb8;
	[tilespmem:$0x1080] =	vst v63  }
0xd: {  	p0 =	sne.s32 s10, $0x1;
	_ =	swait.ge [sflag:s8], $0x1000  }
.Ltmp0:
0xe: {  	[sflag:s8] =	ssyncset.done $0x0;
	(pc) =	sbr.rel @!p0 .LBB2_2-.Ltmp0, $4  }
0xf: {  	s9 =	sadd.s32 $0xC00, s9;
	[sflag:s8] =	ssyncadd.s32 $0xFFFFF000  }
0x10: {  	[hbm4b:s9+s3] =	stream.linear.scatter [tilespmem:s7], [sflag:$0x2], $0x1000, $0x38;
	[tilespmem:$0x1080] =	vst v63  }
0x11: {  	_ =	swait.ge [sflag:s4], $0x1000  }
0x12: {  	s10 =	sadd.s32 $0xFFFFFFFF, s10;
	[sflag:s4] =	ssyncset.done $0x0  }
.LBB2_1:
0x13: {  	p0 =	sne.s32 s10, $0x1;
	s10 =	sadd.s32 $0xFFFFFFFF, s10;
	[sflag:s4] =	ssyncadd.s32 $0xFFFFF000  }
0x14: {  	[tilespmem:s3], [sflag:$0x2] =	stream.linear.gather [hbm4b:s5+s3], $0x20, $0x38;
	[tilespmem:$0x1080] =	vst v63  }
0x15: {  	_ =	swait.ge [sflag:s4], $0x20  }
0x16: {  	[sflag:s4] =	ssyncset.done $0x0  }
0x17: {  	[sflag:s4] =	ssyncadd.s32 $0xFFFFFFE0  }
0x18: {  	[tilespmem:s7], [sflag:$0x1] =	stream.indirect.gather [hbm4b:s2+s6], $0x80, s3, s6, $0xb8;
	[tilespmem:$0x1080] =	vst v63  }
0x19: {  	_ =	swait.ge [sflag:s8], $0x1000  }
.Ltmp1:
0x1a: {  	[sflag:s8] =	ssyncset.done $0x0;
	(pc) =	sbr.rel @p0 .LBB2_1-.Ltmp1, $4  }
0x1b: {  	[sflag:s8] =	ssyncadd.s32 $0xFFFFF000  }
0x1c: {  	[hbm4b:s9+s3] =	stream.linear.scatter [tilespmem:s7], [sflag:$0x2], $0x1000, $0x38;
	[tilespmem:$0x1080] =	vst v63  }
0x1d: {  	_ =	swait.ge [sflag:s4], $0x1000  }
0x1e: {  	[sflag:s4] =	ssyncset.done $0x0  }
.LBB2_2:
0x1f: {  	[sflag:s4] =	ssyncadd.s32 $0xFFFFF000  }
0x20: {  	_ =	sfence.sel $0x180000  }
0x21: {  	[bflag:$0x0] =	sbarrier.arrive $0xFFFF  }
0x22: {  	p0 =	sne.s32 s0, $0x0;
	_ =	strace $0x90000047  }
0x23: {  	s0 =	sadd.s32 @!p0 $0x100000, s1;
	[bflag:$0x2] =	sbarrier.arrive $0xFFFF  }
0x24: {  	[sflag:s0] =	ssyncadd.tile.s32 @!p0 $0x1;
	_ =	shalt  }
.Lfunc_end2:
_tile_overlayer_lowered:
.L_overlay_start_2:
0x25: {  	(tag) =	ssettag $0x2  }
0x26: {  	s0 =	rddreg [dreg:$0x0];
	s2 =	stileid.u32  }
0x27: {  	s1 =	rddreg [dreg:$0x1];
	p0 =	sne.s32 s2, $0x0  }
0x28: {  	s3 =	rddreg [dreg:$0x2];
	[bflag:$0x3] =	sbarrier.arrive $0xFFFF;
	s2 =	simm.s32 @!p0 $0x1C02  }
0x29: {  	[timem:s3], [sflag:s2] =	dma.local @!p0 [hbm:s0], s1  }
0x2a: {  	s0 =	simm.s32 @!p0 $0x2  }
0x2b: {  	_ =	swait.ge @!p0 [sflag:s0], s1  }
0x2c: {  	s1 =	ssub.s32 @!p0 $0x0, s1;
	[sflag:s0] =	ssyncset.done @!p0 $0x0  }
0x2d: {  	[sflag:s0] =	ssyncadd.s32 @!p0 s1  }
0x2e: {  	[bflag:$0x3] =	sbarrier.arrive $0xFFFF  }
0x2f: {  	_ =	shalt  }

</sc_bundles>
